<compile_context>
chip_gen: v7x
topology: tpu7x:2x2x1
jax: 0.10.2.dev20260603
libtpu: 0.0.44.dev20260713+nightly
codegen_flags: <defaults>
</compile_context>

<pallas_src>
import functools

import jax
import jax.numpy as jnp
from jax import lax
from jax.experimental import pallas as pl
from jax.experimental.pallas import tpu as pltpu
from jax.experimental.pallas import tpu_sc as plsc

_V = 100000
_D = 64
_B = 16384
_NB = 15
_RPC = 32
_PASSES = (11, 11, 10)

_mesh = plsc.VectorSubcoreMesh(core_axis_name="c", subcore_axis_name="s")


@functools.partial(
    pl.kernel,
    mesh=_mesh,
    compiler_params=pltpu.CompilerParams(use_tc_tiling_on_sc=True),
    out_type=jax.ShapeDtypeStruct((_D, _B), jnp.float32),
    scratch_types=(
        [pltpu.VMEM_SHARED((_V,), jnp.float32) for _ in range(_NB)]
        + [
            pltpu.VMEM((_B,), jnp.int32),
            pltpu.VMEM((_B,), jnp.float32),
            pltpu.SemaphoreType.DMA,
        ]
    ),
)
def _gather_kernel(wt_hbm, idx_hbm, out_hbm, *refs):
    bufs = refs[:_NB]
    idx_v, o_v, sem = refs[_NB:]
    c = lax.axis_index("c")
    s = lax.axis_index("s")
    pltpu.sync_copy(idx_hbm, idx_v)
    k = 0
    for n in _PASSES:
        for i in range(n):
            @pl.when(s == i)
            def _(k=k, i=i):
                d = c * _RPC + k + i
                pltpu.sync_copy(wt_hbm.at[d], bufs[i])
                pltpu.async_copy(bufs[i].at[idx_v], o_v, sem).wait()
                pltpu.sync_copy(o_v, out_hbm.at[d])
        k += n


def kernel(x, emb_weight):
    out_t = _gather_kernel(emb_weight.T, x.astype(jnp.int32))
    return out_t.T

# --- scband reference (transcript-rebuilt; emitter-appended) ---
"""Pipeline reference for scband-speaker-encoder-85839216378395 (READ-ONLY COPY).

The authoritative reference and input builder live on the scoring server;
editing this copy changes nothing except your own understanding.
"""

import jax, jax.numpy as jnp
import numpy as np

N_SPEAKERS = 100000
SPK_EMB = 64
BATCH = 16384

def setup_inputs(seed: int = 0) -> dict:
    key = jax.random.key(seed)
    k_idx, k_emb = jax.random.split(key)
    x = jax.random.randint(k_idx, (BATCH,), 0, N_SPEAKERS, dtype=jnp.int64 if jax.config.jax_enable_x64 else jnp.int32)
    emb_weight = jax.random.normal(k_emb, (N_SPEAKERS, SPK_EMB), dtype=jnp.float32) * (SPK_EMB ** -0.5)
    return {"x": x, "emb_weight": emb_weight}

def reference(x, emb_weight):
    # nn.Embedding lookup: table[idx]
    return jnp.take(emb_weight, x, axis=0)

if __name__ == "__main__":
    import jax
    _d = setup_inputs()
    print(jax.jit(kernel)(*tuple(_d.values())))

</pallas_src>

<mosaic_0001>
#map = affine_map<(d0, d1) -> (0, 0)>
#map1 = affine_map<(d0, d1) -> (0)>
module attributes {stable_mosaic.version = 14 : i64} {
  func.func @_gather_kernel(%arg0: i32, %arg1: i32, %arg2: memref<64x100000xf32, #tpu.memory_space<hbm>>, %arg3: memref<16384xi32, #tpu.memory_space<hbm>>, %arg4: memref<64x16384xf32, #tpu.memory_space<hbm>>, %arg5: memref<100000xf32, #tpu.memory_space<vmem_shared>>, %arg6: memref<100000xf32, #tpu.memory_space<vmem_shared>>, %arg7: memref<100000xf32, #tpu.memory_space<vmem_shared>>, %arg8: memref<100000xf32, #tpu.memory_space<vmem_shared>>, %arg9: memref<100000xf32, #tpu.memory_space<vmem_shared>>, %arg10: memref<100000xf32, #tpu.memory_space<vmem_shared>>, %arg11: memref<100000xf32, #tpu.memory_space<vmem_shared>>, %arg12: memref<100000xf32, #tpu.memory_space<vmem_shared>>, %arg13: memref<100000xf32, #tpu.memory_space<vmem_shared>>, %arg14: memref<100000xf32, #tpu.memory_space<vmem_shared>>, %arg15: memref<100000xf32, #tpu.memory_space<vmem_shared>>, %arg16: memref<100000xf32, #tpu.memory_space<vmem_shared>>, %arg17: memref<100000xf32, #tpu.memory_space<vmem_shared>>, %arg18: memref<100000xf32, #tpu.memory_space<vmem_shared>>, %arg19: memref<100000xf32, #tpu.memory_space<vmem_shared>>, %arg20: memref<16384xi32, #tpu.memory_space<vmem>>, %arg21: memref<16384xf32, #tpu.memory_space<vmem>>, %arg22: memref<!tpu.dma_semaphore, #tpu.memory_space<semaphore_mem>>) attributes {dimension_semantics = [#tpu.dimension_semantics<core_parallel>, #tpu.dimension_semantics<subcore_parallel>], iteration_bounds = array<i64: 2, 16>, scalar_prefetch = 0 : i64, scratch_operands = 18 : i64, tpu.core_type = #tpu.core_type<sc_vector_subcore>, window_params = [{transform_indices = #map}, {transform_indices = #map1}, {transform_indices = #map}]} {
    "tpu.region"() ({
      %run_scoped3A = tpu.sem_alloc : memref<!tpu.dma_semaphore, #tpu.memory_space<semaphore_mem>>
      tpu.enqueue_dma source(%arg3 : memref<16384xi32, #tpu.memory_space<hbm>>) target(%arg20 : memref<16384xi32, #tpu.memory_space<vmem>>) target_semaphore(%run_scoped3A : memref<!tpu.dma_semaphore, #tpu.memory_space<semaphore_mem>>)
      tpu.wait_dma2 semaphore(%run_scoped3A : memref<!tpu.dma_semaphore, #tpu.memory_space<semaphore_mem>>) src(%arg3 : memref<16384xi32, #tpu.memory_space<hbm>>) dst(%arg20 : memref<16384xi32, #tpu.memory_space<vmem>>)
      tpu.yield
    }) : () -> ()
    %eq3A = arith.constant 0 : i32
    %eq3A_0 = arith.cmpi eq, %arg1, %eq3A : i32
    %convert_element_type3A = arith.extui %eq3A_0 : i1 to i32
    %cond3A = arith.constant 0 : i32
    %cond3A_1 = arith.cmpi ne, %convert_element_type3A, %cond3A : i32
    scf.if %cond3A_1 {
      %mul3A = arith.constant 32 : i32
      %mul3A_157 = arith.muli %arg0, %mul3A : i32
      %add3A = arith.constant 0 : i32
      %add3A_158 = arith.addi %mul3A_157, %add3A : i32
      %add3A_159 = arith.constant 0 : i32
      %add3A_160 = arith.addi %add3A_158, %add3A_159 : i32
      "tpu.region"() ({
        %run_scoped3A = tpu.sem_alloc : memref<!tpu.dma_semaphore, #tpu.memory_space<semaphore_mem>>
        %dma_start3A_163 = arith.constant 0 : i32
        %dma_start3A_164 = tpu.memref_slice %arg2[%add3A_160, %dma_start3A_163] : memref<64x100000xf32, #tpu.memory_space<hbm>> -> memref<1x100000xf32, #tpu.memory_space<hbm>>
        %dma_start3A_165 = tpu.memref_squeeze %dma_start3A_164 : memref<1x100000xf32, #tpu.memory_space<hbm>> -> memref<100000xf32, #tpu.memory_space<hbm>>
        tpu.enqueue_dma source(%dma_start3A_165 : memref<100000xf32, #tpu.memory_space<hbm>>) target(%arg5 : memref<100000xf32, #tpu.memory_space<vmem_shared>>) target_semaphore(%run_scoped3A : memref<!tpu.dma_semaphore, #tpu.memory_space<semaphore_mem>>)
        %dma_wait3A_166 = arith.constant 0 : i32
        %dma_wait3A_167 = tpu.memref_slice %arg2[%add3A_160, %dma_wait3A_166] : memref<64x100000xf32, #tpu.memory_space<hbm>> -> memref<1x100000xf32, #tpu.memory_space<hbm>>
        %dma_wait3A_168 = tpu.memref_squeeze %dma_wait3A_167 : memref<1x100000xf32, #tpu.memory_space<hbm>> -> memref<100000xf32, #tpu.memory_space<hbm>>
        tpu.wait_dma2 semaphore(%run_scoped3A : memref<!tpu.dma_semaphore, #tpu.memory_space<semaphore_mem>>) src(%dma_wait3A_168 : memref<100000xf32, #tpu.memory_space<hbm>>) dst(%arg5 : memref<100000xf32, #tpu.memory_space<vmem_shared>>)
        tpu.yield
      }) : () -> ()
      %dma_start3A = arith.constant 0 : i32
      %dma_start3A_161 = tpu.memref_slice %arg5[%dma_start3A] : memref<100000xf32, #tpu.memory_space<vmem_shared>> -> memref<100000xf32, #tpu.memory_space<vmem_shared>>
      tpu.enqueue_indirect_dma source(%dma_start3A_161 : memref<100000xf32, #tpu.memory_space<vmem_shared>>) target(%arg21 : memref<16384xf32, #tpu.memory_space<vmem>>) offsets(%arg20 : memref<16384xi32, #tpu.memory_space<vmem>>) semaphore(%arg22 : memref<!tpu.dma_semaphore, #tpu.memory_space<semaphore_mem>>)
      %dma_wait3A = arith.constant 0 : i32
      %dma_wait3A_162 = tpu.memref_slice %arg5[%dma_wait3A] : memref<100000xf32, #tpu.memory_space<vmem_shared>> -> memref<100000xf32, #tpu.memory_space<vmem_shared>>
      tpu.wait_indirect_dma semaphore(%arg22 : memref<!tpu.dma_semaphore, #tpu.memory_space<semaphore_mem>>) src(%dma_wait3A_162 : memref<100000xf32, #tpu.memory_space<vmem_shared>>) dst(%arg21 : memref<16384xf32, #tpu.memory_space<vmem>>)
      "tpu.region"() ({
        %run_scoped3A = tpu.sem_alloc : memref<!tpu.dma_semaphore, #tpu.memory_space<semaphore_mem>>
        %dma_start3A_163 = arith.constant 0 : i32
        %dma_start3A_164 = tpu.memref_slice %arg4[%add3A_160, %dma_start3A_163] : memref<64x16384xf32, #tpu.memory_space<hbm>> -> memref<1x16384xf32, #tpu.memory_space<hbm>>
        %dma_start3A_165 = tpu.memref_squeeze %dma_start3A_164 : memref<1x16384xf32, #tpu.memory_space<hbm>> -> memref<16384xf32, #tpu.memory_space<hbm>>
        %dma_start3A_166 = arith.constant 0 : i32
        %dma_start3A_167 = tpu.memref_slice %arg4[%add3A_160, %dma_start3A_166] : memref<64x16384xf32, #tpu.memory_space<hbm>> -> memref<1x16384xf32, #tpu.memory_space<hbm>>
        %dma_start3A_168 = tpu.memref_squeeze %dma_start3A_167 : memref<1x16384xf32, #tpu.memory_space<hbm>> -> memref<16384xf32, #tpu.memory_space<hbm>>
        tpu.enqueue_dma source(%arg21 : memref<16384xf32, #tpu.memory_space<vmem>>) target(%dma_start3A_168 : memref<16384xf32, #tpu.memory_space<hbm>>) target_semaphore(%run_scoped3A : memref<!tpu.dma_semaphore, #tpu.memory_space<semaphore_mem>>)
        %dma_wait3A_169 = arith.constant 0 : i32
        %dma_wait3A_170 = tpu.memref_slice %arg4[%add3A_160, %dma_wait3A_169] : memref<64x16384xf32, #tpu.memory_space<hbm>> -> memref<1x16384xf32, #tpu.memory_space<hbm>>
        %dma_wait3A_171 = tpu.memref_squeeze %dma_wait3A_170 : memref<1x16384xf32, #tpu.memory_space<hbm>> -> memref<16384xf32, #tpu.memory_space<hbm>>
        %dma_wait3A_172 = arith.constant 0 : i32
        %dma_wait3A_173 = tpu.memref_slice %arg4[%add3A_160, %dma_wait3A_172] : memref<64x16384xf32, #tpu.memory_space<hbm>> -> memref<1x16384xf32, #tpu.memory_space<hbm>>
        %dma_wait3A_174 = tpu.memref_squeeze %dma_wait3A_173 : memref<1x16384xf32, #tpu.memory_space<hbm>> -> memref<16384xf32, #tpu.memory_space<hbm>>
        tpu.wait_dma2 semaphore(%run_scoped3A : memref<!tpu.dma_semaphore, #tpu.memory_space<semaphore_mem>>) src(%arg21 : memref<16384xf32, #tpu.memory_space<vmem>>) dst(%dma_wait3A_174 : memref<16384xf32, #tpu.memory_space<hbm>>)
        tpu.yield
      }) : () -> ()
    } else {
    }
    %eq3A_2 = arith.constant 1 : i32
    %eq3A_3 = arith.cmpi eq, %arg1, %eq3A_2 : i32
    %convert_element_type3A_4 = arith.extui %eq3A_3 : i1 to i32
    %cond3A_5 = arith.constant 0 : i32
    %cond3A_6 = arith.cmpi ne, %convert_element_type3A_4, %cond3A_5 : i32
    scf.if %cond3A_6 {
      %mul3A = arith.constant 32 : i32
      %mul3A_157 = arith.muli %arg0, %mul3A : i32
      %add3A = arith.constant 0 : i32
      %add3A_158 = arith.addi %mul3A_157, %add3A : i32
      %add3A_159 = arith.constant 1 : i32
      %add3A_160 = arith.addi %add3A_158, %add3A_159 : i32
      "tpu.region"() ({
        %run_scoped3A = tpu.sem_alloc : memref<!tpu.dma_semaphore, #tpu.memory_space<semaphore_mem>>
        %dma_start3A_163 = arith.constant 0 : i32
        %dma_start3A_164 = tpu.memref_slice %arg2[%add3A_160, %dma_start3A_163] : memref<64x100000xf32, #tpu.memory_space<hbm>> -> memref<1x100000xf32, #tpu.memory_space<hbm>>
        %dma_start3A_165 = tpu.memref_squeeze %dma_start3A_164 : memref<1x100000xf32, #tpu.memory_space<hbm>> -> memref<100000xf32, #tpu.memory_space<hbm>>
        tpu.enqueue_dma source(%dma_start3A_165 : memref<100000xf32, #tpu.memory_space<hbm>>) target(%arg6 : memref<100000xf32, #tpu.memory_space<vmem_shared>>) target_semaphore(%run_scoped3A : memref<!tpu.dma_semaphore, #tpu.memory_space<semaphore_mem>>)
        %dma_wait3A_166 = arith.constant 0 : i32
        %dma_wait3A_167 = tpu.memref_slice %arg2[%add3A_160, %dma_wait3A_166] : memref<64x100000xf32, #tpu.memory_space<hbm>> -> memref<1x100000xf32, #tpu.memory_space<hbm>>
        %dma_wait3A_168 = tpu.memref_squeeze %dma_wait3A_167 : memref<1x100000xf32, #tpu.memory_space<hbm>> -> memref<100000xf32, #tpu.memory_space<hbm>>
        tpu.wait_dma2 semaphore(%run_scoped3A : memref<!tpu.dma_semaphore, #tpu.memory_space<semaphore_mem>>) src(%dma_wait3A_168 : memref<100000xf32, #tpu.memory_space<hbm>>) dst(%arg6 : memref<100000xf32, #tpu.memory_space<vmem_shared>>)
        tpu.yield
      }) : () -> ()
      %dma_start3A = arith.constant 0 : i32
      %dma_start3A_161 = tpu.memref_slice %arg6[%dma_start3A] : memref<100000xf32, #tpu.memory_space<vmem_shared>> -> memref<100000xf32, #tpu.memory_space<vmem_shared>>
      tpu.enqueue_indirect_dma source(%dma_start3A_161 : memref<100000xf32, #tpu.memory_space<vmem_shared>>) target(%arg21 : memref<16384xf32, #tpu.memory_space<vmem>>) offsets(%arg20 : memref<16384xi32, #tpu.memory_space<vmem>>) semaphore(%arg22 : memref<!tpu.dma_semaphore, #tpu.memory_space<semaphore_mem>>)
      %dma_wait3A = arith.constant 0 : i32
      %dma_wait3A_162 = tpu.memref_slice %arg6[%dma_wait3A] : memref<100000xf32, #tpu.memory_space<vmem_shared>> -> memref<100000xf32, #tpu.memory_space<vmem_shared>>
      tpu.wait_indirect_dma semaphore(%arg22 : memref<!tpu.dma_semaphore, #tpu.memory_space<semaphore_mem>>) src(%dma_wait3A_162 : memref<100000xf32, #tpu.memory_space<vmem_shared>>) dst(%arg21 : memref<16384xf32, #tpu.memory_space<vmem>>)
      "tpu.region"() ({
        %run_scoped3A = tpu.sem_alloc : memref<!tpu.dma_semaphore, #tpu.memory_space<semaphore_mem>>
        %dma_start3A_163 = arith.constant 0 : i32
        %dma_start3A_164 = tpu.memref_slice %arg4[%add3A_160, %dma_start3A_163] : memref<64x16384xf32, #tpu.memory_space<hbm>> -> memref<1x16384xf32, #tpu.memory_space<hbm>>
        %dma_start3A_165 = tpu.memref_squeeze %dma_start3A_164 : memref<1x16384xf32, #tpu.memory_space<hbm>> -> memref<16384xf32, #tpu.memory_space<hbm>>
        %dma_start3A_166 = arith.constant 0 : i32
        %dma_start3A_167 = tpu.memref_slice %arg4[%add3A_160, %dma_start3A_166] : memref<64x16384xf32, #tpu.memory_space<hbm>> -> memref<1x16384xf32, #tpu.memory_space<hbm>>
        %dma_start3A_168 = tpu.memref_squeeze %dma_start3A_167 : memref<1x16384xf32, #tpu.memory_space<hbm>> -> memref<16384xf32, #tpu.memory_space<hbm>>
        tpu.enqueue_dma source(%arg21 : memref<16384xf32, #tpu.memory_space<vmem>>) target(%dma_start3A_168 : memref<16384xf32, #tpu.memory_space<hbm>>) target_semaphore(%run_scoped3A : memref<!tpu.dma_semaphore, #tpu.memory_space<semaphore_mem>>)
        %dma_wait3A_169 = arith.constant 0 : i32
        %dma_wait3A_170 = tpu.memref_slice %arg4[%add3A_160, %dma_wait3A_169] : memref<64x16384xf32, #tpu.memory_space<hbm>> -> memref<1x16384xf32, #tpu.memory_space<hbm>>
        %dma_wait3A_171 = tpu.memref_squeeze %dma_wait3A_170 : memref<1x16384xf32, #tpu.memory_space<hbm>> -> memref<16384xf32, #tpu.memory_space<hbm>>
        %dma_wait3A_172 = arith.constant 0 : i32
        %dma_wait3A_173 = tpu.memref_slice %arg4[%add3A_160, %dma_wait3A_172] : memref<64x16384xf32, #tpu.memory_space<hbm>> -> memref<1x16384xf32, #tpu.memory_space<hbm>>
        %dma_wait3A_174 = tpu.memref_squeeze %dma_wait3A_173 : memref<1x16384xf32, #tpu.memory_space<hbm>> -> memref<16384xf32, #tpu.memory_space<hbm>>
        tpu.wait_dma2 semaphore(%run_scoped3A : memref<!tpu.dma_semaphore, #tpu.memory_space<semaphore_mem>>) src(%arg21 : memref<16384xf32, #tpu.memory_space<vmem>>) dst(%dma_wait3A_174 : memref<16384xf32, #tpu.memory_space<hbm>>)
        tpu.yield
      }) : () -> ()
    } else {
    }
    %eq3A_7 = arith.constant 2 : i32
    %eq3A_8 = arith.cmpi eq, %arg1, %eq3A_7 : i32
    %convert_element_type3A_9 = arith.extui %eq3A_8 : i1 to i32
    %cond3A_10 = arith.constant 0 : i32
    %cond3A_11 = arith.cmpi ne, %convert_element_type3A_9, %cond3A_10 : i32
    scf.if %cond3A_11 {
      %mul3A = arith.constant 32 : i32
      %mul3A_157 = arith.muli %arg0, %mul3A : i32
      %add3A = arith.constant 0 : i32
      %add3A_158 = arith.addi %mul3A_157, %add3A : i32
      %add3A_159 = arith.constant 2 : i32
      %add3A_160 = arith.addi %add3A_158, %add3A_159 : i32
      "tpu.region"() ({
        %run_scoped3A = tpu.sem_alloc : memref<!tpu.dma_semaphore, #tpu.memory_space<semaphore_mem>>
        %dma_start3A_163 = arith.constant 0 : i32
        %dma_start3A_164 = tpu.memref_slice %arg2[%add3A_160, %dma_start3A_163] : memref<64x100000xf32, #tpu.memory_space<hbm>> -> memref<1x100000xf32, #tpu.memory_space<hbm>>
        %dma_start3A_165 = tpu.memref_squeeze %dma_start3A_164 : memref<1x100000xf32, #tpu.memory_space<hbm>> -> memref<100000xf32, #tpu.memory_space<hbm>>
        tpu.enqueue_dma source(%dma_start3A_165 : memref<100000xf32, #tpu.memory_space<hbm>>) target(%arg7 : memref<100000xf32, #tpu.memory_space<vmem_shared>>) target_semaphore(%run_scoped3A : memref<!tpu.dma_semaphore, #tpu.memory_space<semaphore_mem>>)
        %dma_wait3A_166 = arith.constant 0 : i32
        %dma_wait3A_167 = tpu.memref_slice %arg2[%add3A_160, %dma_wait3A_166] : memref<64x100000xf32, #tpu.memory_space<hbm>> -> memref<1x100000xf32, #tpu.memory_space<hbm>>
        %dma_wait3A_168 = tpu.memref_squeeze %dma_wait3A_167 : memref<1x100000xf32, #tpu.memory_space<hbm>> -> memref<100000xf32, #tpu.memory_space<hbm>>
        tpu.wait_dma2 semaphore(%run_scoped3A : memref<!tpu.dma_semaphore, #tpu.memory_space<semaphore_mem>>) src(%dma_wait3A_168 : memref<100000xf32, #tpu.memory_space<hbm>>) dst(%arg7 : memref<100000xf32, #tpu.memory_space<vmem_shared>>)
        tpu.yield
      }) : () -> ()
      %dma_start3A = arith.constant 0 : i32
      %dma_start3A_161 = tpu.memref_slice %arg7[%dma_start3A] : memref<100000xf32, #tpu.memory_space<vmem_shared>> -> memref<100000xf32, #tpu.memory_space<vmem_shared>>
      tpu.enqueue_indirect_dma source(%dma_start3A_161 : memref<100000xf32, #tpu.memory_space<vmem_shared>>) target(%arg21 : memref<16384xf32, #tpu.memory_space<vmem>>) offsets(%arg20 : memref<16384xi32, #tpu.memory_space<vmem>>) semaphore(%arg22 : memref<!tpu.dma_semaphore, #tpu.memory_space<semaphore_mem>>)
      %dma_wait3A = arith.constant 0 : i32
      %dma_wait3A_162 = tpu.memref_slice %arg7[%dma_wait3A] : memref<100000xf32, #tpu.memory_space<vmem_shared>> -> memref<100000xf32, #tpu.memory_space<vmem_shared>>
      tpu.wait_indirect_dma semaphore(%arg22 : memref<!tpu.dma_semaphore, #tpu.memory_space<semaphore_mem>>) src(%dma_wait3A_162 : memref<100000xf32, #tpu.memory_space<vmem_shared>>) dst(%arg21 : memref<16384xf32, #tpu.memory_space<vmem>>)
      "tpu.region"() ({
        %run_scoped3A = tpu.sem_alloc : memref<!tpu.dma_semaphore, #tpu.memory_space<semaphore_mem>>
        %dma_start3A_163 = arith.constant 0 : i32
        %dma_start3A_164 = tpu.memref_slice %arg4[%add3A_160, %dma_start3A_163] : memref<64x16384xf32, #tpu.memory_space<hbm>> -> memref<1x16384xf32, #tpu.memory_space<hbm>>
        %dma_start3A_165 = tpu.memref_squeeze %dma_start3A_164 : memref<1x16384xf32, #tpu.memory_space<hbm>> -> memref<16384xf32, #tpu.memory_space<hbm>>
        %dma_start3A_166 = arith.constant 0 : i32
        %dma_start3A_167 = tpu.memref_slice %arg4[%add3A_160, %dma_start3A_166] : memref<64x16384xf32, #tpu.memory_space<hbm>> -> memref<1x16384xf32, #tpu.memory_space<hbm>>
        %dma_start3A_168 = tpu.memref_squeeze %dma_start3A_167 : memref<1x16384xf32, #tpu.memory_space<hbm>> -> memref<16384xf32, #tpu.memory_space<hbm>>
        tpu.enqueue_dma source(%arg21 : memref<16384xf32, #tpu.memory_space<vmem>>) target(%dma_start3A_168 : memref<16384xf32, #tpu.memory_space<hbm>>) target_semaphore(%run_scoped3A : memref<!tpu.dma_semaphore, #tpu.memory_space<semaphore_mem>>)
        %dma_wait3A_169 = arith.constant 0 : i32
        %dma_wait3A_170 = tpu.memref_slice %arg4[%add3A_160, %dma_wait3A_169] : memref<64x16384xf32, #tpu.memory_space<hbm>> -> memref<1x16384xf32, #tpu.memory_space<hbm>>
        %dma_wait3A_171 = tpu.memref_squeeze %dma_wait3A_170 : memref<1x16384xf32, #tpu.memory_space<hbm>> -> memref<16384xf32, #tpu.memory_space<hbm>>
        %dma_wait3A_172 = arith.constant 0 : i32
        %dma_wait3A_173 = tpu.memref_slice %arg4[%add3A_160, %dma_wait3A_172] : memref<64x16384xf32, #tpu.memory_space<hbm>> -> memref<1x16384xf32, #tpu.memory_space<hbm>>
        %dma_wait3A_174 = tpu.memref_squeeze %dma_wait3A_173 : memref<1x16384xf32, #tpu.memory_space<hbm>> -> memref<16384xf32, #tpu.memory_space<hbm>>
        tpu.wait_dma2 semaphore(%run_scoped3A : memref<!tpu.dma_semaphore, #tpu.memory_space<semaphore_mem>>) src(%arg21 : memref<16384xf32, #tpu.memory_space<vmem>>) dst(%dma_wait3A_174 : memref<16384xf32, #tpu.memory_space<hbm>>)
        tpu.yield
      }) : () -> ()
    } else {
    }
    %eq3A_12 = arith.constant 3 : i32
    %eq3A_13 = arith.cmpi eq, %arg1, %eq3A_12 : i32
    %convert_element_type3A_14 = arith.extui %eq3A_13 : i1 to i32
    %cond3A_15 = arith.constant 0 : i32
    %cond3A_16 = arith.cmpi ne, %convert_element_type3A_14, %cond3A_15 : i32
    scf.if %cond3A_16 {
      %mul3A = arith.constant 32 : i32
      %mul3A_157 = arith.muli %arg0, %mul3A : i32
      %add3A = arith.constant 0 : i32
      %add3A_158 = arith.addi %mul3A_157, %add3A : i32
      %add3A_159 = arith.constant 3 : i32
      %add3A_160 = arith.addi %add3A_158, %add3A_159 : i32
      "tpu.region"() ({
        %run_scoped3A = tpu.sem_alloc : memref<!tpu.dma_semaphore, #tpu.memory_space<semaphore_mem>>
        %dma_start3A_163 = arith.constant 0 : i32
        %dma_start3A_164 = tpu.memref_slice %arg2[%add3A_160, %dma_start3A_163] : memref<64x100000xf32, #tpu.memory_space<hbm>> -> memref<1x100000xf32, #tpu.memory_space<hbm>>
        %dma_start3A_165 = tpu.memref_squeeze %dma_start3A_164 : memref<1x100000xf32, #tpu.memory_space<hbm>> -> memref<100000xf32, #tpu.memory_space<hbm>>
        tpu.enqueue_dma source(%dma_start3A_165 : memref<100000xf32, #tpu.memory_space<hbm>>) target(%arg8 : memref<100000xf32, #tpu.memory_space<vmem_shared>>) target_semaphore(%run_scoped3A : memref<!tpu.dma_semaphore, #tpu.memory_space<semaphore_mem>>)
        %dma_wait3A_166 = arith.constant 0 : i32
        %dma_wait3A_167 = tpu.memref_slice %arg2[%add3A_160, %dma_wait3A_166] : memref<64x100000xf32, #tpu.memory_space<hbm>> -> memref<1x100000xf32, #tpu.memory_space<hbm>>
        %dma_wait3A_168 = tpu.memref_squeeze %dma_wait3A_167 : memref<1x100000xf32, #tpu.memory_space<hbm>> -> memref<100000xf32, #tpu.memory_space<hbm>>
        tpu.wait_dma2 semaphore(%run_scoped3A : memref<!tpu.dma_semaphore, #tpu.memory_space<semaphore_mem>>) src(%dma_wait3A_168 : memref<100000xf32, #tpu.memory_space<hbm>>) dst(%arg8 : memref<100000xf32, #tpu.memory_space<vmem_shared>>)
        tpu.yield
      }) : () -> ()
      %dma_start3A = arith.constant 0 : i32
      %dma_start3A_161 = tpu.memref_slice %arg8[%dma_start3A] : memref<100000xf32, #tpu.memory_space<vmem_shared>> -> memref<100000xf32, #tpu.memory_space<vmem_shared>>
      tpu.enqueue_indirect_dma source(%dma_start3A_161 : memref<100000xf32, #tpu.memory_space<vmem_shared>>) target(%arg21 : memref<16384xf32, #tpu.memory_space<vmem>>) offsets(%arg20 : memref<16384xi32, #tpu.memory_space<vmem>>) semaphore(%arg22 : memref<!tpu.dma_semaphore, #tpu.memory_space<semaphore_mem>>)
      %dma_wait3A = arith.constant 0 : i32
      %dma_wait3A_162 = tpu.memref_slice %arg8[%dma_wait3A] : memref<100000xf32, #tpu.memory_space<vmem_shared>> -> memref<100000xf32, #tpu.memory_space<vmem_shared>>
      tpu.wait_indirect_dma semaphore(%arg22 : memref<!tpu.dma_semaphore, #tpu.memory_space<semaphore_mem>>) src(%dma_wait3A_162 : memref<100000xf32, #tpu.memory_space<vmem_shared>>) dst(%arg21 : memref<16384xf32, #tpu.memory_space<vmem>>)
      "tpu.region"() ({
        %run_scoped3A = tpu.sem_alloc : memref<!tpu.dma_semaphore, #tpu.memory_space<semaphore_mem>>
        %dma_start3A_163 = arith.constant 0 : i32
        %dma_start3A_164 = tpu.memref_slice %arg4[%add3A_160, %dma_start3A_163] : memref<64x16384xf32, #tpu.memory_space<hbm>> -> memref<1x16384xf32, #tpu.memory_space<hbm>>
        %dma_start3A_165 = tpu.memref_squeeze %dma_start3A_164 : memref<1x16384xf32, #tpu.memory_space<hbm>> -> memref<16384xf32, #tpu.memory_space<hbm>>
        %dma_start3A_166 = arith.constant 0 : i32
        %dma_start3A_167 = tpu.memref_slice %arg4[%add3A_160, %dma_start3A_166] : memref<64x16384xf32, #tpu.memory_space<hbm>> -> memref<1x16384xf32, #tpu.memory_space<hbm>>
        %dma_start3A_168 = tpu.memref_squeeze %dma_start3A_167 : memref<1x16384xf32, #tpu.memory_space<hbm>> -> memref<16384xf32, #tpu.memory_space<hbm>>
        tpu.enqueue_dma source(%arg21 : memref<16384xf32, #tpu.memory_space<vmem>>) target(%dma_start3A_168 : memref<16384xf32, #tpu.memory_space<hbm>>) target_semaphore(%run_scoped3A : memref<!tpu.dma_semaphore, #tpu.memory_space<semaphore_mem>>)
        %dma_wait3A_169 = arith.constant 0 : i32
        %dma_wait3A_170 = tpu.memref_slice %arg4[%add3A_160, %dma_wait3A_169] : memref<64x16384xf32, #tpu.memory_space<hbm>> -> memref<1x16384xf32, #tpu.memory_space<hbm>>
        %dma_wait3A_171 = tpu.memref_squeeze %dma_wait3A_170 : memref<1x16384xf32, #tpu.memory_space<hbm>> -> memref<16384xf32, #tpu.memory_space<hbm>>
        %dma_wait3A_172 = arith.constant 0 : i32
        %dma_wait3A_173 = tpu.memref_slice %arg4[%add3A_160, %dma_wait3A_172] : memref<64x16384xf32, #tpu.memory_space<hbm>> -> memref<1x16384xf32, #tpu.memory_space<hbm>>
        %dma_wait3A_174 = tpu.memref_squeeze %dma_wait3A_173 : memref<1x16384xf32, #tpu.memory_space<hbm>> -> memref<16384xf32, #tpu.memory_space<hbm>>
        tpu.wait_dma2 semaphore(%run_scoped3A : memref<!tpu.dma_semaphore, #tpu.memory_space<semaphore_mem>>) src(%arg21 : memref<16384xf32, #tpu.memory_space<vmem>>) dst(%dma_wait3A_174 : memref<16384xf32, #tpu.memory_space<hbm>>)
        tpu.yield
      }) : () -> ()
    } else {
    }
    %eq3A_17 = arith.constant 4 : i32
    %eq3A_18 = arith.cmpi eq, %arg1, %eq3A_17 : i32
    %convert_element_type3A_19 = arith.extui %eq3A_18 : i1 to i32
    %cond3A_20 = arith.constant 0 : i32
    %cond3A_21 = arith.cmpi ne, %convert_element_type3A_19, %cond3A_20 : i32
    scf.if %cond3A_21 {
      %mul3A = arith.constant 32 : i32
      %mul3A_157 = arith.muli %arg0, %mul3A : i32
      %add3A = arith.constant 0 : i32
      %add3A_158 = arith.addi %mul3A_157, %add3A : i32
      %add3A_159 = arith.constant 4 : i32
      %add3A_160 = arith.addi %add3A_158, %add3A_159 : i32
      "tpu.region"() ({
        %run_scoped3A = tpu.sem_alloc : memref<!tpu.dma_semaphore, #tpu.memory_space<semaphore_mem>>
        %dma_start3A_163 = arith.constant 0 : i32
        %dma_start3A_164 = tpu.memref_slice %arg2[%add3A_160, %dma_start3A_163] : memref<64x100000xf32, #tpu.memory_space<hbm>> -> memref<1x100000xf32, #tpu.memory_space<hbm>>
        %dma_start3A_165 = tpu.memref_squeeze %dma_start3A_164 : memref<1x100000xf32, #tpu.memory_space<hbm>> -> memref<100000xf32, #tpu.memory_space<hbm>>
        tpu.enqueue_dma source(%dma_start3A_165 : memref<100000xf32, #tpu.memory_space<hbm>>) target(%arg9 : memref<100000xf32, #tpu.memory_space<vmem_shared>>) target_semaphore(%run_scoped3A : memref<!tpu.dma_semaphore, #tpu.memory_space<semaphore_mem>>)
        %dma_wait3A_166 = arith.constant 0 : i32
        %dma_wait3A_167 = tpu.memref_slice %arg2[%add3A_160, %dma_wait3A_166] : memref<64x100000xf32, #tpu.memory_space<hbm>> -> memref<1x100000xf32, #tpu.memory_space<hbm>>
        %dma_wait3A_168 = tpu.memref_squeeze %dma_wait3A_167 : memref<1x100000xf32, #tpu.memory_space<hbm>> -> memref<100000xf32, #tpu.memory_space<hbm>>
        tpu.wait_dma2 semaphore(%run_scoped3A : memref<!tpu.dma_semaphore, #tpu.memory_space<semaphore_mem>>) src(%dma_wait3A_168 : memref<100000xf32, #tpu.memory_space<hbm>>) dst(%arg9 : memref<100000xf32, #tpu.memory_space<vmem_shared>>)
        tpu.yield
      }) : () -> ()
      %dma_start3A = arith.constant 0 : i32
      %dma_start3A_161 = tpu.memref_slice %arg9[%dma_start3A] : memref<100000xf32, #tpu.memory_space<vmem_shared>> -> memref<100000xf32, #tpu.memory_space<vmem_shared>>
      tpu.enqueue_indirect_dma source(%dma_start3A_161 : memref<100000xf32, #tpu.memory_space<vmem_shared>>) target(%arg21 : memref<16384xf32, #tpu.memory_space<vmem>>) offsets(%arg20 : memref<16384xi32, #tpu.memory_space<vmem>>) semaphore(%arg22 : memref<!tpu.dma_semaphore, #tpu.memory_space<semaphore_mem>>)
      %dma_wait3A = arith.constant 0 : i32
      %dma_wait3A_162 = tpu.memref_slice %arg9[%dma_wait3A] : memref<100000xf32, #tpu.memory_space<vmem_shared>> -> memref<100000xf32, #tpu.memory_space<vmem_shared>>
      tpu.wait_indirect_dma semaphore(%arg22 : memref<!tpu.dma_semaphore, #tpu.memory_space<semaphore_mem>>) src(%dma_wait3A_162 : memref<100000xf32, #tpu.memory_space<vmem_shared>>) dst(%arg21 : memref<16384xf32, #tpu.memory_space<vmem>>)
      "tpu.region"() ({
        %run_scoped3A = tpu.sem_alloc : memref<!tpu.dma_semaphore, #tpu.memory_space<semaphore_mem>>
        %dma_start3A_163 = arith.constant 0 : i32
        %dma_start3A_164 = tpu.memref_slice %arg4[%add3A_160, %dma_start3A_163] : memref<64x16384xf32, #tpu.memory_space<hbm>> -> memref<1x16384xf32, #tpu.memory_space<hbm>>
        %dma_start3A_165 = tpu.memref_squeeze %dma_start3A_164 : memref<1x16384xf32, #tpu.memory_space<hbm>> -> memref<16384xf32, #tpu.memory_space<hbm>>
        %dma_start3A_166 = arith.constant 0 : i32
        %dma_start3A_167 = tpu.memref_slice %arg4[%add3A_160, %dma_start3A_166] : memref<64x16384xf32, #tpu.memory_space<hbm>> -> memref<1x16384xf32, #tpu.memory_space<hbm>>
        %dma_start3A_168 = tpu.memref_squeeze %dma_start3A_167 : memref<1x16384xf32, #tpu.memory_space<hbm>> -> memref<16384xf32, #tpu.memory_space<hbm>>
        tpu.enqueue_dma source(%arg21 : memref<16384xf32, #tpu.memory_space<vmem>>) target(%dma_start3A_168 : memref<16384xf32, #tpu.memory_space<hbm>>) target_semaphore(%run_scoped3A : memref<!tpu.dma_semaphore, #tpu.memory_space<semaphore_mem>>)
        %dma_wait3A_169 = arith.constant 0 : i32
        %dma_wait3A_170 = tpu.memref_slice %arg4[%add3A_160, %dma_wait3A_169] : memref<64x16384xf32, #tpu.memory_space<hbm>> -> memref<1x16384xf32, #tpu.memory_space<hbm>>
        %dma_wait3A_171 = tpu.memref_squeeze %dma_wait3A_170 : memref<1x16384xf32, #tpu.memory_space<hbm>> -> memref<16384xf32, #tpu.memory_space<hbm>>
        %dma_wait3A_172 = arith.constant 0 : i32
        %dma_wait3A_173 = tpu.memref_slice %arg4[%add3A_160, %dma_wait3A_172] : memref<64x16384xf32, #tpu.memory_space<hbm>> -> memref<1x16384xf32, #tpu.memory_space<hbm>>
        %dma_wait3A_174 = tpu.memref_squeeze %dma_wait3A_173 : memref<1x16384xf32, #tpu.memory_space<hbm>> -> memref<16384xf32, #tpu.memory_space<hbm>>
        tpu.wait_dma2 semaphore(%run_scoped3A : memref<!tpu.dma_semaphore, #tpu.memory_space<semaphore_mem>>) src(%arg21 : memref<16384xf32, #tpu.memory_space<vmem>>) dst(%dma_wait3A_174 : memref<16384xf32, #tpu.memory_space<hbm>>)
        tpu.yield
      }) : () -> ()
    } else {
    }
    %eq3A_22 = arith.constant 5 : i32
    %eq3A_23 = arith.cmpi eq, %arg1, %eq3A_22 : i32
    %convert_element_type3A_24 = arith.extui %eq3A_23 : i1 to i32
    %cond3A_25 = arith.constant 0 : i32
    %cond3A_26 = arith.cmpi ne, %convert_element_type3A_24, %cond3A_25 : i32
    scf.if %cond3A_26 {
      %mul3A = arith.constant 32 : i32
      %mul3A_157 = arith.muli %arg0, %mul3A : i32
      %add3A = arith.constant 0 : i32
      %add3A_158 = arith.addi %mul3A_157, %add3A : i32
      %add3A_159 = arith.constant 5 : i32
      %add3A_160 = arith.addi %add3A_158, %add3A_159 : i32
      "tpu.region"() ({
        %run_scoped3A = tpu.sem_alloc : memref<!tpu.dma_semaphore, #tpu.memory_space<semaphore_mem>>
        %dma_start3A_163 = arith.constant 0 : i32
        %dma_start3A_164 = tpu.memref_slice %arg2[%add3A_160, %dma_start3A_163] : memref<64x100000xf32, #tpu.memory_space<hbm>> -> memref<1x100000xf32, #tpu.memory_space<hbm>>
        %dma_start3A_165 = tpu.memref_squeeze %dma_start3A_164 : memref<1x100000xf32, #tpu.memory_space<hbm>> -> memref<100000xf32, #tpu.memory_space<hbm>>
        tpu.enqueue_dma source(%dma_start3A_165 : memref<100000xf32, #tpu.memory_space<hbm>>) target(%arg10 : memref<100000xf32, #tpu.memory_space<vmem_shared>>) target_semaphore(%run_scoped3A : memref<!tpu.dma_semaphore, #tpu.memory_space<semaphore_mem>>)
        %dma_wait3A_166 = arith.constant 0 : i32
        %dma_wait3A_167 = tpu.memref_slice %arg2[%add3A_160, %dma_wait3A_166] : memref<64x100000xf32, #tpu.memory_space<hbm>> -> memref<1x100000xf32, #tpu.memory_space<hbm>>
        %dma_wait3A_168 = tpu.memref_squeeze %dma_wait3A_167 : memref<1x100000xf32, #tpu.memory_space<hbm>> -> memref<100000xf32, #tpu.memory_space<hbm>>
        tpu.wait_dma2 semaphore(%run_scoped3A : memref<!tpu.dma_semaphore, #tpu.memory_space<semaphore_mem>>) src(%dma_wait3A_168 : memref<100000xf32, #tpu.memory_space<hbm>>) dst(%arg10 : memref<100000xf32, #tpu.memory_space<vmem_shared>>)
        tpu.yield
      }) : () -> ()
      %dma_start3A = arith.constant 0 : i32
      %dma_start3A_161 = tpu.memref_slice %arg10[%dma_start3A] : memref<100000xf32, #tpu.memory_space<vmem_shared>> -> memref<100000xf32, #tpu.memory_space<vmem_shared>>
      tpu.enqueue_indirect_dma source(%dma_start3A_161 : memref<100000xf32, #tpu.memory_space<vmem_shared>>) target(%arg21 : memref<16384xf32, #tpu.memory_space<vmem>>) offsets(%arg20 : memref<16384xi32, #tpu.memory_space<vmem>>) semaphore(%arg22 : memref<!tpu.dma_semaphore, #tpu.memory_space<semaphore_mem>>)
      %dma_wait3A = arith.constant 0 : i32
      %dma_wait3A_162 = tpu.memref_slice %arg10[%dma_wait3A] : memref<100000xf32, #tpu.memory_space<vmem_shared>> -> memref<100000xf32, #tpu.memory_space<vmem_shared>>
      tpu.wait_indirect_dma semaphore(%arg22 : memref<!tpu.dma_semaphore, #tpu.memory_space<semaphore_mem>>) src(%dma_wait3A_162 : memref<100000xf32, #tpu.memory_space<vmem_shared>>) dst(%arg21 : memref<16384xf32, #tpu.memory_space<vmem>>)
      "tpu.region"() ({
        %run_scoped3A = tpu.sem_alloc : memref<!tpu.dma_semaphore, #tpu.memory_space<semaphore_mem>>
        %dma_start3A_163 = arith.constant 0 : i32
        %dma_start3A_164 = tpu.memref_slice %arg4[%add3A_160, %dma_start3A_163] : memref<64x16384xf32, #tpu.memory_space<hbm>> -> memref<1x16384xf32, #tpu.memory_space<hbm>>
        %dma_start3A_165 = tpu.memref_squeeze %dma_start3A_164 : memref<1x16384xf32, #tpu.memory_space<hbm>> -> memref<16384xf32, #tpu.memory_space<hbm>>
        %dma_start3A_166 = arith.constant 0 : i32
        %dma_start3A_167 = tpu.memref_slice %arg4[%add3A_160, %dma_start3A_166] : memref<64x16384xf32, #tpu.memory_space<hbm>> -> memref<1x16384xf32, #tpu.memory_space<hbm>>
        %dma_start3A_168 = tpu.memref_squeeze %dma_start3A_167 : memref<1x16384xf32, #tpu.memory_space<hbm>> -> memref<16384xf32, #tpu.memory_space<hbm>>
        tpu.enqueue_dma source(%arg21 : memref<16384xf32, #tpu.memory_space<vmem>>) target(%dma_start3A_168 : memref<16384xf32, #tpu.memory_space<hbm>>) target_semaphore(%run_scoped3A : memref<!tpu.dma_semaphore, #tpu.memory_space<semaphore_mem>>)
        %dma_wait3A_169 = arith.constant 0 : i32
        %dma_wait3A_170 = tpu.memref_slice %arg4[%add3A_160, %dma_wait3A_169] : memref<64x16384xf32, #tpu.memory_space<hbm>> -> memref<1x16384xf32, #tpu.memory_space<hbm>>
        %dma_wait3A_171 = tpu.memref_squeeze %dma_wait3A_170 : memref<1x16384xf32, #tpu.memory_space<hbm>> -> memref<16384xf32, #tpu.memory_space<hbm>>
        %dma_wait3A_172 = arith.constant 0 : i32
        %dma_wait3A_173 = tpu.memref_slice %arg4[%add3A_160, %dma_wait3A_172] : memref<64x16384xf32, #tpu.memory_space<hbm>> -> memref<1x16384xf32, #tpu.memory_space<hbm>>
        %dma_wait3A_174 = tpu.memref_squeeze %dma_wait3A_173 : memref<1x16384xf32, #tpu.memory_space<hbm>> -> memref<16384xf32, #tpu.memory_space<hbm>>
        tpu.wait_dma2 semaphore(%run_scoped3A : memref<!tpu.dma_semaphore, #tpu.memory_space<semaphore_mem>>) src(%arg21 : memref<16384xf32, #tpu.memory_space<vmem>>) dst(%dma_wait3A_174 : memref<16384xf32, #tpu.memory_space<hbm>>)
        tpu.yield
      }) : () -> ()
    } else {
    }
    %eq3A_27 = arith.constant 6 : i32
    %eq3A_28 = arith.cmpi eq, %arg1, %eq3A_27 : i32
    %convert_element_type3A_29 = arith.extui %eq3A_28 : i1 to i32
    %cond3A_30 = arith.constant 0 : i32
    %cond3A_31 = arith.cmpi ne, %convert_element_type3A_29, %cond3A_30 : i32
    scf.if %cond3A_31 {
      %mul3A = arith.constant 32 : i32
      %mul3A_157 = arith.muli %arg0, %mul3A : i32
      %add3A = arith.constant 0 : i32
      %add3A_158 = arith.addi %mul3A_157, %add3A : i32
      %add3A_159 = arith.constant 6 : i32
      %add3A_160 = arith.addi %add3A_158, %add3A_159 : i32
      "tpu.region"() ({
        %run_scoped3A = tpu.sem_alloc : memref<!tpu.dma_semaphore, #tpu.memory_space<semaphore_mem>>
        %dma_start3A_163 = arith.constant 0 : i32
        %dma_start3A_164 = tpu.memref_slice %arg2[%add3A_160, %dma_start3A_163] : memref<64x100000xf32, #tpu.memory_space<hbm>> -> memref<1x100000xf32, #tpu.memory_space<hbm>>
        %dma_start3A_165 = tpu.memref_squeeze %dma_start3A_164 : memref<1x100000xf32, #tpu.memory_space<hbm>> -> memref<100000xf32, #tpu.memory_space<hbm>>
        tpu.enqueue_dma source(%dma_start3A_165 : memref<100000xf32, #tpu.memory_space<hbm>>) target(%arg11 : memref<100000xf32, #tpu.memory_space<vmem_shared>>) target_semaphore(%run_scoped3A : memref<!tpu.dma_semaphore, #tpu.memory_space<semaphore_mem>>)
        %dma_wait3A_166 = arith.constant 0 : i32
        %dma_wait3A_167 = tpu.memref_slice %arg2[%add3A_160, %dma_wait3A_166] : memref<64x100000xf32, #tpu.memory_space<hbm>> -> memref<1x100000xf32, #tpu.memory_space<hbm>>
        %dma_wait3A_168 = tpu.memref_squeeze %dma_wait3A_167 : memref<1x100000xf32, #tpu.memory_space<hbm>> -> memref<100000xf32, #tpu.memory_space<hbm>>
        tpu.wait_dma2 semaphore(%run_scoped3A : memref<!tpu.dma_semaphore, #tpu.memory_space<semaphore_mem>>) src(%dma_wait3A_168 : memref<100000xf32, #tpu.memory_space<hbm>>) dst(%arg11 : memref<100000xf32, #tpu.memory_space<vmem_shared>>)
        tpu.yield
      }) : () -> ()
      %dma_start3A = arith.constant 0 : i32
      %dma_start3A_161 = tpu.memref_slice %arg11[%dma_start3A] : memref<100000xf32, #tpu.memory_space<vmem_shared>> -> memref<100000xf32, #tpu.memory_space<vmem_shared>>
      tpu.enqueue_indirect_dma source(%dma_start3A_161 : memref<100000xf32, #tpu.memory_space<vmem_shared>>) target(%arg21 : memref<16384xf32, #tpu.memory_space<vmem>>) offsets(%arg20 : memref<16384xi32, #tpu.memory_space<vmem>>) semaphore(%arg22 : memref<!tpu.dma_semaphore, #tpu.memory_space<semaphore_mem>>)
      %dma_wait3A = arith.constant 0 : i32
      %dma_wait3A_162 = tpu.memref_slice %arg11[%dma_wait3A] : memref<100000xf32, #tpu.memory_space<vmem_shared>> -> memref<100000xf32, #tpu.memory_space<vmem_shared>>
      tpu.wait_indirect_dma semaphore(%arg22 : memref<!tpu.dma_semaphore, #tpu.memory_space<semaphore_mem>>) src(%dma_wait3A_162 : memref<100000xf32, #tpu.memory_space<vmem_shared>>) dst(%arg21 : memref<16384xf32, #tpu.memory_space<vmem>>)
      "tpu.region"() ({
        %run_scoped3A = tpu.sem_alloc : memref<!tpu.dma_semaphore, #tpu.memory_space<semaphore_mem>>
        %dma_start3A_163 = arith.constant 0 : i32
        %dma_start3A_164 = tpu.memref_slice %arg4[%add3A_160, %dma_start3A_163] : memref<64x16384xf32, #tpu.memory_space<hbm>> -> memref<1x16384xf32, #tpu.memory_space<hbm>>
        %dma_start3A_165 = tpu.memref_squeeze %dma_start3A_164 : memref<1x16384xf32, #tpu.memory_space<hbm>> -> memref<16384xf32, #tpu.memory_space<hbm>>
        %dma_start3A_166 = arith.constant 0 : i32
        %dma_start3A_167 = tpu.memref_slice %arg4[%add3A_160, %dma_start3A_166] : memref<64x16384xf32, #tpu.memory_space<hbm>> -> memref<1x16384xf32, #tpu.memory_space<hbm>>
        %dma_start3A_168 = tpu.memref_squeeze %dma_start3A_167 : memref<1x16384xf32, #tpu.memory_space<hbm>> -> memref<16384xf32, #tpu.memory_space<hbm>>
        tpu.enqueue_dma source(%arg21 : memref<16384xf32, #tpu.memory_space<vmem>>) target(%dma_start3A_168 : memref<16384xf32, #tpu.memory_space<hbm>>) target_semaphore(%run_scoped3A : memref<!tpu.dma_semaphore, #tpu.memory_space<semaphore_mem>>)
        %dma_wait3A_169 = arith.constant 0 : i32
        %dma_wait3A_170 = tpu.memref_slice %arg4[%add3A_160, %dma_wait3A_169] : memref<64x16384xf32, #tpu.memory_space<hbm>> -> memref<1x16384xf32, #tpu.memory_space<hbm>>
        %dma_wait3A_171 = tpu.memref_squeeze %dma_wait3A_170 : memref<1x16384xf32, #tpu.memory_space<hbm>> -> memref<16384xf32, #tpu.memory_space<hbm>>
        %dma_wait3A_172 = arith.constant 0 : i32
        %dma_wait3A_173 = tpu.memref_slice %arg4[%add3A_160, %dma_wait3A_172] : memref<64x16384xf32, #tpu.memory_space<hbm>> -> memref<1x16384xf32, #tpu.memory_space<hbm>>
        %dma_wait3A_174 = tpu.memref_squeeze %dma_wait3A_173 : memref<1x16384xf32, #tpu.memory_space<hbm>> -> memref<16384xf32, #tpu.memory_space<hbm>>
        tpu.wait_dma2 semaphore(%run_scoped3A : memref<!tpu.dma_semaphore, #tpu.memory_space<semaphore_mem>>) src(%arg21 : memref<16384xf32, #tpu.memory_space<vmem>>) dst(%dma_wait3A_174 : memref<16384xf32, #tpu.memory_space<hbm>>)
        tpu.yield
      }) : () -> ()
    } else {
    }
    %eq3A_32 = arith.constant 7 : i32
    %eq3A_33 = arith.cmpi eq, %arg1, %eq3A_32 : i32
    %convert_element_type3A_34 = arith.extui %eq3A_33 : i1 to i32
    %cond3A_35 = arith.constant 0 : i32
    %cond3A_36 = arith.cmpi ne, %convert_element_type3A_34, %cond3A_35 : i32
    scf.if %cond3A_36 {
      %mul3A = arith.constant 32 : i32
      %mul3A_157 = arith.muli %arg0, %mul3A : i32
      %add3A = arith.constant 0 : i32
      %add3A_158 = arith.addi %mul3A_157, %add3A : i32
      %add3A_159 = arith.constant 7 : i32
      %add3A_160 = arith.addi %add3A_158, %add3A_159 : i32
      "tpu.region"() ({
        %run_scoped3A = tpu.sem_alloc : memref<!tpu.dma_semaphore, #tpu.memory_space<semaphore_mem>>
        %dma_start3A_163 = arith.constant 0 : i32
        %dma_start3A_164 = tpu.memref_slice %arg2[%add3A_160, %dma_start3A_163] : memref<64x100000xf32, #tpu.memory_space<hbm>> -> memref<1x100000xf32, #tpu.memory_space<hbm>>
        %dma_start3A_165 = tpu.memref_squeeze %dma_start3A_164 : memref<1x100000xf32, #tpu.memory_space<hbm>> -> memref<100000xf32, #tpu.memory_space<hbm>>
        tpu.enqueue_dma source(%dma_start3A_165 : memref<100000xf32, #tpu.memory_space<hbm>>) target(%arg12 : memref<100000xf32, #tpu.memory_space<vmem_shared>>) target_semaphore(%run_scoped3A : memref<!tpu.dma_semaphore, #tpu.memory_space<semaphore_mem>>)
        %dma_wait3A_166 = arith.constant 0 : i32
        %dma_wait3A_167 = tpu.memref_slice %arg2[%add3A_160, %dma_wait3A_166] : memref<64x100000xf32, #tpu.memory_space<hbm>> -> memref<1x100000xf32, #tpu.memory_space<hbm>>
        %dma_wait3A_168 = tpu.memref_squeeze %dma_wait3A_167 : memref<1x100000xf32, #tpu.memory_space<hbm>> -> memref<100000xf32, #tpu.memory_space<hbm>>
        tpu.wait_dma2 semaphore(%run_scoped3A : memref<!tpu.dma_semaphore, #tpu.memory_space<semaphore_mem>>) src(%dma_wait3A_168 : memref<100000xf32, #tpu.memory_space<hbm>>) dst(%arg12 : memref<100000xf32, #tpu.memory_space<vmem_shared>>)
        tpu.yield
      }) : () -> ()
      %dma_start3A = arith.constant 0 : i32
      %dma_start3A_161 = tpu.memref_slice %arg12[%dma_start3A] : memref<100000xf32, #tpu.memory_space<vmem_shared>> -> memref<100000xf32, #tpu.memory_space<vmem_shared>>
      tpu.enqueue_indirect_dma source(%dma_start3A_161 : memref<100000xf32, #tpu.memory_space<vmem_shared>>) target(%arg21 : memref<16384xf32, #tpu.memory_space<vmem>>) offsets(%arg20 : memref<16384xi32, #tpu.memory_space<vmem>>) semaphore(%arg22 : memref<!tpu.dma_semaphore, #tpu.memory_space<semaphore_mem>>)
      %dma_wait3A = arith.constant 0 : i32
      %dma_wait3A_162 = tpu.memref_slice %arg12[%dma_wait3A] : memref<100000xf32, #tpu.memory_space<vmem_shared>> -> memref<100000xf32, #tpu.memory_space<vmem_shared>>
      tpu.wait_indirect_dma semaphore(%arg22 : memref<!tpu.dma_semaphore, #tpu.memory_space<semaphore_mem>>) src(%dma_wait3A_162 : memref<100000xf32, #tpu.memory_space<vmem_shared>>) dst(%arg21 : memref<16384xf32, #tpu.memory_space<vmem>>)
      "tpu.region"() ({
        %run_scoped3A = tpu.sem_alloc : memref<!tpu.dma_semaphore, #tpu.memory_space<semaphore_mem>>
        %dma_start3A_163 = arith.constant 0 : i32
        %dma_start3A_164 = tpu.memref_slice %arg4[%add3A_160, %dma_start3A_163] : memref<64x16384xf32, #tpu.memory_space<hbm>> -> memref<1x16384xf32, #tpu.memory_space<hbm>>
        %dma_start3A_165 = tpu.memref_squeeze %dma_start3A_164 : memref<1x16384xf32, #tpu.memory_space<hbm>> -> memref<16384xf32, #tpu.memory_space<hbm>>
        %dma_start3A_166 = arith.constant 0 : i32
        %dma_start3A_167 = tpu.memref_slice %arg4[%add3A_160, %dma_start3A_166] : memref<64x16384xf32, #tpu.memory_space<hbm>> -> memref<1x16384xf32, #tpu.memory_space<hbm>>
        %dma_start3A_168 = tpu.memref_squeeze %dma_start3A_167 : memref<1x16384xf32, #tpu.memory_space<hbm>> -> memref<16384xf32, #tpu.memory_space<hbm>>
        tpu.enqueue_dma source(%arg21 : memref<16384xf32, #tpu.memory_space<vmem>>) target(%dma_start3A_168 : memref<16384xf32, #tpu.memory_space<hbm>>) target_semaphore(%run_scoped3A : memref<!tpu.dma_semaphore, #tpu.memory_space<semaphore_mem>>)
        %dma_wait3A_169 = arith.constant 0 : i32
        %dma_wait3A_170 = tpu.memref_slice %arg4[%add3A_160, %dma_wait3A_169] : memref<64x16384xf32, #tpu.memory_space<hbm>> -> memref<1x16384xf32, #tpu.memory_space<hbm>>
        %dma_wait3A_171 = tpu.memref_squeeze %dma_wait3A_170 : memref<1x16384xf32, #tpu.memory_space<hbm>> -> memref<16384xf32, #tpu.memory_space<hbm>>
        %dma_wait3A_172 = arith.constant 0 : i32
        %dma_wait3A_173 = tpu.memref_slice %arg4[%add3A_160, %dma_wait3A_172] : memref<64x16384xf32, #tpu.memory_space<hbm>> -> memref<1x16384xf32, #tpu.memory_space<hbm>>
        %dma_wait3A_174 = tpu.memref_squeeze %dma_wait3A_173 : memref<1x16384xf32, #tpu.memory_space<hbm>> -> memref<16384xf32, #tpu.memory_space<hbm>>
        tpu.wait_dma2 semaphore(%run_scoped3A : memref<!tpu.dma_semaphore, #tpu.memory_space<semaphore_mem>>) src(%arg21 : memref<16384xf32, #tpu.memory_space<vmem>>) dst(%dma_wait3A_174 : memref<16384xf32, #tpu.memory_space<hbm>>)
        tpu.yield
      }) : () -> ()
    } else {
    }
    %eq3A_37 = arith.constant 8 : i32
    %eq3A_38 = arith.cmpi eq, %arg1, %eq3A_37 : i32
    %convert_element_type3A_39 = arith.extui %eq3A_38 : i1 to i32
    %cond3A_40 = arith.constant 0 : i32
    %cond3A_41 = arith.cmpi ne, %convert_element_type3A_39, %cond3A_40 : i32
    scf.if %cond3A_41 {
      %mul3A = arith.constant 32 : i32
      %mul3A_157 = arith.muli %arg0, %mul3A : i32
      %add3A = arith.constant 0 : i32
      %add3A_158 = arith.addi %mul3A_157, %add3A : i32
      %add3A_159 = arith.constant 8 : i32
      %add3A_160 = arith.addi %add3A_158, %add3A_159 : i32
      "tpu.region"() ({
        %run_scoped3A = tpu.sem_alloc : memref<!tpu.dma_semaphore, #tpu.memory_space<semaphore_mem>>
        %dma_start3A_163 = arith.constant 0 : i32
        %dma_start3A_164 = tpu.memref_slice %arg2[%add3A_160, %dma_start3A_163] : memref<64x100000xf32, #tpu.memory_space<hbm>> -> memref<1x100000xf32, #tpu.memory_space<hbm>>
        %dma_start3A_165 = tpu.memref_squeeze %dma_start3A_164 : memref<1x100000xf32, #tpu.memory_space<hbm>> -> memref<100000xf32, #tpu.memory_space<hbm>>
        tpu.enqueue_dma source(%dma_start3A_165 : memref<100000xf32, #tpu.memory_space<hbm>>) target(%arg13 : memref<100000xf32, #tpu.memory_space<vmem_shared>>) target_semaphore(%run_scoped3A : memref<!tpu.dma_semaphore, #tpu.memory_space<semaphore_mem>>)
        %dma_wait3A_166 = arith.constant 0 : i32
        %dma_wait3A_167 = tpu.memref_slice %arg2[%add3A_160, %dma_wait3A_166] : memref<64x100000xf32, #tpu.memory_space<hbm>> -> memref<1x100000xf32, #tpu.memory_space<hbm>>
        %dma_wait3A_168 = tpu.memref_squeeze %dma_wait3A_167 : memref<1x100000xf32, #tpu.memory_space<hbm>> -> memref<100000xf32, #tpu.memory_space<hbm>>
        tpu.wait_dma2 semaphore(%run_scoped3A : memref<!tpu.dma_semaphore, #tpu.memory_space<semaphore_mem>>) src(%dma_wait3A_168 : memref<100000xf32, #tpu.memory_space<hbm>>) dst(%arg13 : memref<100000xf32, #tpu.memory_space<vmem_shared>>)
        tpu.yield
      }) : () -> ()
      %dma_start3A = arith.constant 0 : i32
      %dma_start3A_161 = tpu.memref_slice %arg13[%dma_start3A] : memref<100000xf32, #tpu.memory_space<vmem_shared>> -> memref<100000xf32, #tpu.memory_space<vmem_shared>>
      tpu.enqueue_indirect_dma source(%dma_start3A_161 : memref<100000xf32, #tpu.memory_space<vmem_shared>>) target(%arg21 : memref<16384xf32, #tpu.memory_space<vmem>>) offsets(%arg20 : memref<16384xi32, #tpu.memory_space<vmem>>) semaphore(%arg22 : memref<!tpu.dma_semaphore, #tpu.memory_space<semaphore_mem>>)
      %dma_wait3A = arith.constant 0 : i32
      %dma_wait3A_162 = tpu.memref_slice %arg13[%dma_wait3A] : memref<100000xf32, #tpu.memory_space<vmem_shared>> -> memref<100000xf32, #tpu.memory_space<vmem_shared>>
      tpu.wait_indirect_dma semaphore(%arg22 : memref<!tpu.dma_semaphore, #tpu.memory_space<semaphore_mem>>) src(%dma_wait3A_162 : memref<100000xf32, #tpu.memory_space<vmem_shared>>) dst(%arg21 : memref<16384xf32, #tpu.memory_space<vmem>>)
      "tpu.region"() ({
        %run_scoped3A = tpu.sem_alloc : memref<!tpu.dma_semaphore, #tpu.memory_space<semaphore_mem>>
        %dma_start3A_163 = arith.constant 0 : i32
        %dma_start3A_164 = tpu.memref_slice %arg4[%add3A_160, %dma_start3A_163] : memref<64x16384xf32, #tpu.memory_space<hbm>> -> memref<1x16384xf32, #tpu.memory_space<hbm>>
        %dma_start3A_165 = tpu.memref_squeeze %dma_start3A_164 : memref<1x16384xf32, #tpu.memory_space<hbm>> -> memref<16384xf32, #tpu.memory_space<hbm>>
        %dma_start3A_166 = arith.constant 0 : i32
        %dma_start3A_167 = tpu.memref_slice %arg4[%add3A_160, %dma_start3A_166] : memref<64x16384xf32, #tpu.memory_space<hbm>> -> memref<1x16384xf32, #tpu.memory_space<hbm>>
        %dma_start3A_168 = tpu.memref_squeeze %dma_start3A_167 : memref<1x16384xf32, #tpu.memory_space<hbm>> -> memref<16384xf32, #tpu.memory_space<hbm>>
        tpu.enqueue_dma source(%arg21 : memref<16384xf32, #tpu.memory_space<vmem>>) target(%dma_start3A_168 : memref<16384xf32, #tpu.memory_space<hbm>>) target_semaphore(%run_scoped3A : memref<!tpu.dma_semaphore, #tpu.memory_space<semaphore_mem>>)
        %dma_wait3A_169 = arith.constant 0 : i32
        %dma_wait3A_170 = tpu.memref_slice %arg4[%add3A_160, %dma_wait3A_169] : memref<64x16384xf32, #tpu.memory_space<hbm>> -> memref<1x16384xf32, #tpu.memory_space<hbm>>
        %dma_wait3A_171 = tpu.memref_squeeze %dma_wait3A_170 : memref<1x16384xf32, #tpu.memory_space<hbm>> -> memref<16384xf32, #tpu.memory_space<hbm>>
        %dma_wait3A_172 = arith.constant 0 : i32
        %dma_wait3A_173 = tpu.memref_slice %arg4[%add3A_160, %dma_wait3A_172] : memref<64x16384xf32, #tpu.memory_space<hbm>> -> memref<1x16384xf32, #tpu.memory_space<hbm>>
        %dma_wait3A_174 = tpu.memref_squeeze %dma_wait3A_173 : memref<1x16384xf32, #tpu.memory_space<hbm>> -> memref<16384xf32, #tpu.memory_space<hbm>>
        tpu.wait_dma2 semaphore(%run_scoped3A : memref<!tpu.dma_semaphore, #tpu.memory_space<semaphore_mem>>) src(%arg21 : memref<16384xf32, #tpu.memory_space<vmem>>) dst(%dma_wait3A_174 : memref<16384xf32, #tpu.memory_space<hbm>>)
        tpu.yield
      }) : () -> ()
    } else {
    }
    %eq3A_42 = arith.constant 9 : i32
    %eq3A_43 = arith.cmpi eq, %arg1, %eq3A_42 : i32
    %convert_element_type3A_44 = arith.extui %eq3A_43 : i1 to i32
    %cond3A_45 = arith.constant 0 : i32
    %cond3A_46 = arith.cmpi ne, %convert_element_type3A_44, %cond3A_45 : i32
    scf.if %cond3A_46 {
      %mul3A = arith.constant 32 : i32
      %mul3A_157 = arith.muli %arg0, %mul3A : i32
      %add3A = arith.constant 0 : i32
      %add3A_158 = arith.addi %mul3A_157, %add3A : i32
      %add3A_159 = arith.constant 9 : i32
      %add3A_160 = arith.addi %add3A_158, %add3A_159 : i32
      "tpu.region"() ({
        %run_scoped3A = tpu.sem_alloc : memref<!tpu.dma_semaphore, #tpu.memory_space<semaphore_mem>>
        %dma_start3A_163 = arith.constant 0 : i32
        %dma_start3A_164 = tpu.memref_slice %arg2[%add3A_160, %dma_start3A_163] : memref<64x100000xf32, #tpu.memory_space<hbm>> -> memref<1x100000xf32, #tpu.memory_space<hbm>>
        %dma_start3A_165 = tpu.memref_squeeze %dma_start3A_164 : memref<1x100000xf32, #tpu.memory_space<hbm>> -> memref<100000xf32, #tpu.memory_space<hbm>>
        tpu.enqueue_dma source(%dma_start3A_165 : memref<100000xf32, #tpu.memory_space<hbm>>) target(%arg14 : memref<100000xf32, #tpu.memory_space<vmem_shared>>) target_semaphore(%run_scoped3A : memref<!tpu.dma_semaphore, #tpu.memory_space<semaphore_mem>>)
        %dma_wait3A_166 = arith.constant 0 : i32
        %dma_wait3A_167 = tpu.memref_slice %arg2[%add3A_160, %dma_wait3A_166] : memref<64x100000xf32, #tpu.memory_space<hbm>> -> memref<1x100000xf32, #tpu.memory_space<hbm>>
        %dma_wait3A_168 = tpu.memref_squeeze %dma_wait3A_167 : memref<1x100000xf32, #tpu.memory_space<hbm>> -> memref<100000xf32, #tpu.memory_space<hbm>>
        tpu.wait_dma2 semaphore(%run_scoped3A : memref<!tpu.dma_semaphore, #tpu.memory_space<semaphore_mem>>) src(%dma_wait3A_168 : memref<100000xf32, #tpu.memory_space<hbm>>) dst(%arg14 : memref<100000xf32, #tpu.memory_space<vmem_shared>>)
        tpu.yield
      }) : () -> ()
      %dma_start3A = arith.constant 0 : i32
      %dma_start3A_161 = tpu.memref_slice %arg14[%dma_start3A] : memref<100000xf32, #tpu.memory_space<vmem_shared>> -> memref<100000xf32, #tpu.memory_space<vmem_shared>>
      tpu.enqueue_indirect_dma source(%dma_start3A_161 : memref<100000xf32, #tpu.memory_space<vmem_shared>>) target(%arg21 : memref<16384xf32, #tpu.memory_space<vmem>>) offsets(%arg20 : memref<16384xi32, #tpu.memory_space<vmem>>) semaphore(%arg22 : memref<!tpu.dma_semaphore, #tpu.memory_space<semaphore_mem>>)
      %dma_wait3A = arith.constant 0 : i32
      %dma_wait3A_162 = tpu.memref_slice %arg14[%dma_wait3A] : memref<100000xf32, #tpu.memory_space<vmem_shared>> -> memref<100000xf32, #tpu.memory_space<vmem_shared>>
      tpu.wait_indirect_dma semaphore(%arg22 : memref<!tpu.dma_semaphore, #tpu.memory_space<semaphore_mem>>) src(%dma_wait3A_162 : memref<100000xf32, #tpu.memory_space<vmem_shared>>) dst(%arg21 : memref<16384xf32, #tpu.memory_space<vmem>>)
      "tpu.region"() ({
        %run_scoped3A = tpu.sem_alloc : memref<!tpu.dma_semaphore, #tpu.memory_space<semaphore_mem>>
        %dma_start3A_163 = arith.constant 0 : i32
        %dma_start3A_164 = tpu.memref_slice %arg4[%add3A_160, %dma_start3A_163] : memref<64x16384xf32, #tpu.memory_space<hbm>> -> memref<1x16384xf32, #tpu.memory_space<hbm>>
        %dma_start3A_165 = tpu.memref_squeeze %dma_start3A_164 : memref<1x16384xf32, #tpu.memory_space<hbm>> -> memref<16384xf32, #tpu.memory_space<hbm>>
        %dma_start3A_166 = arith.constant 0 : i32
        %dma_start3A_167 = tpu.memref_slice %arg4[%add3A_160, %dma_start3A_166] : memref<64x16384xf32, #tpu.memory_space<hbm>> -> memref<1x16384xf32, #tpu.memory_space<hbm>>
        %dma_start3A_168 = tpu.memref_squeeze %dma_start3A_167 : memref<1x16384xf32, #tpu.memory_space<hbm>> -> memref<16384xf32, #tpu.memory_space<hbm>>
        tpu.enqueue_dma source(%arg21 : memref<16384xf32, #tpu.memory_space<vmem>>) target(%dma_start3A_168 : memref<16384xf32, #tpu.memory_space<hbm>>) target_semaphore(%run_scoped3A : memref<!tpu.dma_semaphore, #tpu.memory_space<semaphore_mem>>)
        %dma_wait3A_169 = arith.constant 0 : i32
        %dma_wait3A_170 = tpu.memref_slice %arg4[%add3A_160, %dma_wait3A_169] : memref<64x16384xf32, #tpu.memory_space<hbm>> -> memref<1x16384xf32, #tpu.memory_space<hbm>>
        %dma_wait3A_171 = tpu.memref_squeeze %dma_wait3A_170 : memref<1x16384xf32, #tpu.memory_space<hbm>> -> memref<16384xf32, #tpu.memory_space<hbm>>
        %dma_wait3A_172 = arith.constant 0 : i32
        %dma_wait3A_173 = tpu.memref_slice %arg4[%add3A_160, %dma_wait3A_172] : memref<64x16384xf32, #tpu.memory_space<hbm>> -> memref<1x16384xf32, #tpu.memory_space<hbm>>
        %dma_wait3A_174 = tpu.memref_squeeze %dma_wait3A_173 : memref<1x16384xf32, #tpu.memory_space<hbm>> -> memref<16384xf32, #tpu.memory_space<hbm>>
        tpu.wait_dma2 semaphore(%run_scoped3A : memref<!tpu.dma_semaphore, #tpu.memory_space<semaphore_mem>>) src(%arg21 : memref<16384xf32, #tpu.memory_space<vmem>>) dst(%dma_wait3A_174 : memref<16384xf32, #tpu.memory_space<hbm>>)
        tpu.yield
      }) : () -> ()
    } else {
    }
    %eq3A_47 = arith.constant 10 : i32
    %eq3A_48 = arith.cmpi eq, %arg1, %eq3A_47 : i32
    %convert_element_type3A_49 = arith.extui %eq3A_48 : i1 to i32
    %cond3A_50 = arith.constant 0 : i32
    %cond3A_51 = arith.cmpi ne, %convert_element_type3A_49, %cond3A_50 : i32
    scf.if %cond3A_51 {
      %mul3A = arith.constant 32 : i32
      %mul3A_157 = arith.muli %arg0, %mul3A : i32
      %add3A = arith.constant 0 : i32
      %add3A_158 = arith.addi %mul3A_157, %add3A : i32
      %add3A_159 = arith.constant 10 : i32
      %add3A_160 = arith.addi %add3A_158, %add3A_159 : i32
      "tpu.region"() ({
        %run_scoped3A = tpu.sem_alloc : memref<!tpu.dma_semaphore, #tpu.memory_space<semaphore_mem>>
        %dma_start3A_163 = arith.constant 0 : i32
        %dma_start3A_164 = tpu.memref_slice %arg2[%add3A_160, %dma_start3A_163] : memref<64x100000xf32, #tpu.memory_space<hbm>> -> memref<1x100000xf32, #tpu.memory_space<hbm>>
        %dma_start3A_165 = tpu.memref_squeeze %dma_start3A_164 : memref<1x100000xf32, #tpu.memory_space<hbm>> -> memref<100000xf32, #tpu.memory_space<hbm>>
        tpu.enqueue_dma source(%dma_start3A_165 : memref<100000xf32, #tpu.memory_space<hbm>>) target(%arg15 : memref<100000xf32, #tpu.memory_space<vmem_shared>>) target_semaphore(%run_scoped3A : memref<!tpu.dma_semaphore, #tpu.memory_space<semaphore_mem>>)
        %dma_wait3A_166 = arith.constant 0 : i32
        %dma_wait3A_167 = tpu.memref_slice %arg2[%add3A_160, %dma_wait3A_166] : memref<64x100000xf32, #tpu.memory_space<hbm>> -> memref<1x100000xf32, #tpu.memory_space<hbm>>
        %dma_wait3A_168 = tpu.memref_squeeze %dma_wait3A_167 : memref<1x100000xf32, #tpu.memory_space<hbm>> -> memref<100000xf32, #tpu.memory_space<hbm>>
        tpu.wait_dma2 semaphore(%run_scoped3A : memref<!tpu.dma_semaphore, #tpu.memory_space<semaphore_mem>>) src(%dma_wait3A_168 : memref<100000xf32, #tpu.memory_space<hbm>>) dst(%arg15 : memref<100000xf32, #tpu.memory_space<vmem_shared>>)
        tpu.yield
      }) : () -> ()
      %dma_start3A = arith.constant 0 : i32
      %dma_start3A_161 = tpu.memref_slice %arg15[%dma_start3A] : memref<100000xf32, #tpu.memory_space<vmem_shared>> -> memref<100000xf32, #tpu.memory_space<vmem_shared>>
      tpu.enqueue_indirect_dma source(%dma_start3A_161 : memref<100000xf32, #tpu.memory_space<vmem_shared>>) target(%arg21 : memref<16384xf32, #tpu.memory_space<vmem>>) offsets(%arg20 : memref<16384xi32, #tpu.memory_space<vmem>>) semaphore(%arg22 : memref<!tpu.dma_semaphore, #tpu.memory_space<semaphore_mem>>)
      %dma_wait3A = arith.constant 0 : i32
      %dma_wait3A_162 = tpu.memref_slice %arg15[%dma_wait3A] : memref<100000xf32, #tpu.memory_space<vmem_shared>> -> memref<100000xf32, #tpu.memory_space<vmem_shared>>
      tpu.wait_indirect_dma semaphore(%arg22 : memref<!tpu.dma_semaphore, #tpu.memory_space<semaphore_mem>>) src(%dma_wait3A_162 : memref<100000xf32, #tpu.memory_space<vmem_shared>>) dst(%arg21 : memref<16384xf32, #tpu.memory_space<vmem>>)
      "tpu.region"() ({
        %run_scoped3A = tpu.sem_alloc : memref<!tpu.dma_semaphore, #tpu.memory_space<semaphore_mem>>
        %dma_start3A_163 = arith.constant 0 : i32
        %dma_start3A_164 = tpu.memref_slice %arg4[%add3A_160, %dma_start3A_163] : memref<64x16384xf32, #tpu.memory_space<hbm>> -> memref<1x16384xf32, #tpu.memory_space<hbm>>
        %dma_start3A_165 = tpu.memref_squeeze %dma_start3A_164 : memref<1x16384xf32, #tpu.memory_space<hbm>> -> memref<16384xf32, #tpu.memory_space<hbm>>
        %dma_start3A_166 = arith.constant 0 : i32
        %dma_start3A_167 = tpu.memref_slice %arg4[%add3A_160, %dma_start3A_166] : memref<64x16384xf32, #tpu.memory_space<hbm>> -> memref<1x16384xf32, #tpu.memory_space<hbm>>
        %dma_start3A_168 = tpu.memref_squeeze %dma_start3A_167 : memref<1x16384xf32, #tpu.memory_space<hbm>> -> memref<16384xf32, #tpu.memory_space<hbm>>
        tpu.enqueue_dma source(%arg21 : memref<16384xf32, #tpu.memory_space<vmem>>) target(%dma_start3A_168 : memref<16384xf32, #tpu.memory_space<hbm>>) target_semaphore(%run_scoped3A : memref<!tpu.dma_semaphore, #tpu.memory_space<semaphore_mem>>)
        %dma_wait3A_169 = arith.constant 0 : i32
        %dma_wait3A_170 = tpu.memref_slice %arg4[%add3A_160, %dma_wait3A_169] : memref<64x16384xf32, #tpu.memory_space<hbm>> -> memref<1x16384xf32, #tpu.memory_space<hbm>>
        %dma_wait3A_171 = tpu.memref_squeeze %dma_wait3A_170 : memref<1x16384xf32, #tpu.memory_space<hbm>> -> memref<16384xf32, #tpu.memory_space<hbm>>
        %dma_wait3A_172 = arith.constant 0 : i32
        %dma_wait3A_173 = tpu.memref_slice %arg4[%add3A_160, %dma_wait3A_172] : memref<64x16384xf32, #tpu.memory_space<hbm>> -> memref<1x16384xf32, #tpu.memory_space<hbm>>
        %dma_wait3A_174 = tpu.memref_squeeze %dma_wait3A_173 : memref<1x16384xf32, #tpu.memory_space<hbm>> -> memref<16384xf32, #tpu.memory_space<hbm>>
        tpu.wait_dma2 semaphore(%run_scoped3A : memref<!tpu.dma_semaphore, #tpu.memory_space<semaphore_mem>>) src(%arg21 : memref<16384xf32, #tpu.memory_space<vmem>>) dst(%dma_wait3A_174 : memref<16384xf32, #tpu.memory_space<hbm>>)
        tpu.yield
      }) : () -> ()
    } else {
    }
    %eq3A_52 = arith.constant 0 : i32
    %eq3A_53 = arith.cmpi eq, %arg1, %eq3A_52 : i32
    %convert_element_type3A_54 = arith.extui %eq3A_53 : i1 to i32
    %cond3A_55 = arith.constant 0 : i32
    %cond3A_56 = arith.cmpi ne, %convert_element_type3A_54, %cond3A_55 : i32
    scf.if %cond3A_56 {
      %mul3A = arith.constant 32 : i32
      %mul3A_157 = arith.muli %arg0, %mul3A : i32
      %add3A = arith.constant 11 : i32
      %add3A_158 = arith.addi %mul3A_157, %add3A : i32
      %add3A_159 = arith.constant 0 : i32
      %add3A_160 = arith.addi %add3A_158, %add3A_159 : i32
      "tpu.region"() ({
        %run_scoped3A = tpu.sem_alloc : memref<!tpu.dma_semaphore, #tpu.memory_space<semaphore_mem>>
        %dma_start3A_163 = arith.constant 0 : i32
        %dma_start3A_164 = tpu.memref_slice %arg2[%add3A_160, %dma_start3A_163] : memref<64x100000xf32, #tpu.memory_space<hbm>> -> memref<1x100000xf32, #tpu.memory_space<hbm>>
        %dma_start3A_165 = tpu.memref_squeeze %dma_start3A_164 : memref<1x100000xf32, #tpu.memory_space<hbm>> -> memref<100000xf32, #tpu.memory_space<hbm>>
        tpu.enqueue_dma source(%dma_start3A_165 : memref<100000xf32, #tpu.memory_space<hbm>>) target(%arg5 : memref<100000xf32, #tpu.memory_space<vmem_shared>>) target_semaphore(%run_scoped3A : memref<!tpu.dma_semaphore, #tpu.memory_space<semaphore_mem>>)
        %dma_wait3A_166 = arith.constant 0 : i32
        %dma_wait3A_167 = tpu.memref_slice %arg2[%add3A_160, %dma_wait3A_166] : memref<64x100000xf32, #tpu.memory_space<hbm>> -> memref<1x100000xf32, #tpu.memory_space<hbm>>
        %dma_wait3A_168 = tpu.memref_squeeze %dma_wait3A_167 : memref<1x100000xf32, #tpu.memory_space<hbm>> -> memref<100000xf32, #tpu.memory_space<hbm>>
        tpu.wait_dma2 semaphore(%run_scoped3A : memref<!tpu.dma_semaphore, #tpu.memory_space<semaphore_mem>>) src(%dma_wait3A_168 : memref<100000xf32, #tpu.memory_space<hbm>>) dst(%arg5 : memref<100000xf32, #tpu.memory_space<vmem_shared>>)
        tpu.yield
      }) : () -> ()
      %dma_start3A = arith.constant 0 : i32
      %dma_start3A_161 = tpu.memref_slice %arg5[%dma_start3A] : memref<100000xf32, #tpu.memory_space<vmem_shared>> -> memref<100000xf32, #tpu.memory_space<vmem_shared>>
      tpu.enqueue_indirect_dma source(%dma_start3A_161 : memref<100000xf32, #tpu.memory_space<vmem_shared>>) target(%arg21 : memref<16384xf32, #tpu.memory_space<vmem>>) offsets(%arg20 : memref<16384xi32, #tpu.memory_space<vmem>>) semaphore(%arg22 : memref<!tpu.dma_semaphore, #tpu.memory_space<semaphore_mem>>)
      %dma_wait3A = arith.constant 0 : i32
      %dma_wait3A_162 = tpu.memref_slice %arg5[%dma_wait3A] : memref<100000xf32, #tpu.memory_space<vmem_shared>> -> memref<100000xf32, #tpu.memory_space<vmem_shared>>
      tpu.wait_indirect_dma semaphore(%arg22 : memref<!tpu.dma_semaphore, #tpu.memory_space<semaphore_mem>>) src(%dma_wait3A_162 : memref<100000xf32, #tpu.memory_space<vmem_shared>>) dst(%arg21 : memref<16384xf32, #tpu.memory_space<vmem>>)
      "tpu.region"() ({
        %run_scoped3A = tpu.sem_alloc : memref<!tpu.dma_semaphore, #tpu.memory_space<semaphore_mem>>
        %dma_start3A_163 = arith.constant 0 : i32
        %dma_start3A_164 = tpu.memref_slice %arg4[%add3A_160, %dma_start3A_163] : memref<64x16384xf32, #tpu.memory_space<hbm>> -> memref<1x16384xf32, #tpu.memory_space<hbm>>
        %dma_start3A_165 = tpu.memref_squeeze %dma_start3A_164 : memref<1x16384xf32, #tpu.memory_space<hbm>> -> memref<16384xf32, #tpu.memory_space<hbm>>
        %dma_start3A_166 = arith.constant 0 : i32
        %dma_start3A_167 = tpu.memref_slice %arg4[%add3A_160, %dma_start3A_166] : memref<64x16384xf32, #tpu.memory_space<hbm>> -> memref<1x16384xf32, #tpu.memory_space<hbm>>
        %dma_start3A_168 = tpu.memref_squeeze %dma_start3A_167 : memref<1x16384xf32, #tpu.memory_space<hbm>> -> memref<16384xf32, #tpu.memory_space<hbm>>
        tpu.enqueue_dma source(%arg21 : memref<16384xf32, #tpu.memory_space<vmem>>) target(%dma_start3A_168 : memref<16384xf32, #tpu.memory_space<hbm>>) target_semaphore(%run_scoped3A : memref<!tpu.dma_semaphore, #tpu.memory_space<semaphore_mem>>)
        %dma_wait3A_169 = arith.constant 0 : i32
        %dma_wait3A_170 = tpu.memref_slice %arg4[%add3A_160, %dma_wait3A_169] : memref<64x16384xf32, #tpu.memory_space<hbm>> -> memref<1x16384xf32, #tpu.memory_space<hbm>>
        %dma_wait3A_171 = tpu.memref_squeeze %dma_wait3A_170 : memref<1x16384xf32, #tpu.memory_space<hbm>> -> memref<16384xf32, #tpu.memory_space<hbm>>
        %dma_wait3A_172 = arith.constant 0 : i32
        %dma_wait3A_173 = tpu.memref_slice %arg4[%add3A_160, %dma_wait3A_172] : memref<64x16384xf32, #tpu.memory_space<hbm>> -> memref<1x16384xf32, #tpu.memory_space<hbm>>
        %dma_wait3A_174 = tpu.memref_squeeze %dma_wait3A_173 : memref<1x16384xf32, #tpu.memory_space<hbm>> -> memref<16384xf32, #tpu.memory_space<hbm>>
        tpu.wait_dma2 semaphore(%run_scoped3A : memref<!tpu.dma_semaphore, #tpu.memory_space<semaphore_mem>>) src(%arg21 : memref<16384xf32, #tpu.memory_space<vmem>>) dst(%dma_wait3A_174 : memref<16384xf32, #tpu.memory_space<hbm>>)
        tpu.yield
      }) : () -> ()
    } else {
    }
    %eq3A_57 = arith.constant 1 : i32
    %eq3A_58 = arith.cmpi eq, %arg1, %eq3A_57 : i32
    %convert_element_type3A_59 = arith.extui %eq3A_58 : i1 to i32
    %cond3A_60 = arith.constant 0 : i32
    %cond3A_61 = arith.cmpi ne, %convert_element_type3A_59, %cond3A_60 : i32
    scf.if %cond3A_61 {
      %mul3A = arith.constant 32 : i32
      %mul3A_157 = arith.muli %arg0, %mul3A : i32
      %add3A = arith.constant 11 : i32
      %add3A_158 = arith.addi %mul3A_157, %add3A : i32
      %add3A_159 = arith.constant 1 : i32
      %add3A_160 = arith.addi %add3A_158, %add3A_159 : i32
      "tpu.region"() ({
        %run_scoped3A = tpu.sem_alloc : memref<!tpu.dma_semaphore, #tpu.memory_space<semaphore_mem>>
        %dma_start3A_163 = arith.constant 0 : i32
        %dma_start3A_164 = tpu.memref_slice %arg2[%add3A_160, %dma_start3A_163] : memref<64x100000xf32, #tpu.memory_space<hbm>> -> memref<1x100000xf32, #tpu.memory_space<hbm>>
        %dma_start3A_165 = tpu.memref_squeeze %dma_start3A_164 : memref<1x100000xf32, #tpu.memory_space<hbm>> -> memref<100000xf32, #tpu.memory_space<hbm>>
        tpu.enqueue_dma source(%dma_start3A_165 : memref<100000xf32, #tpu.memory_space<hbm>>) target(%arg6 : memref<100000xf32, #tpu.memory_space<vmem_shared>>) target_semaphore(%run_scoped3A : memref<!tpu.dma_semaphore, #tpu.memory_space<semaphore_mem>>)
        %dma_wait3A_166 = arith.constant 0 : i32
        %dma_wait3A_167 = tpu.memref_slice %arg2[%add3A_160, %dma_wait3A_166] : memref<64x100000xf32, #tpu.memory_space<hbm>> -> memref<1x100000xf32, #tpu.memory_space<hbm>>
        %dma_wait3A_168 = tpu.memref_squeeze %dma_wait3A_167 : memref<1x100000xf32, #tpu.memory_space<hbm>> -> memref<100000xf32, #tpu.memory_space<hbm>>
        tpu.wait_dma2 semaphore(%run_scoped3A : memref<!tpu.dma_semaphore, #tpu.memory_space<semaphore_mem>>) src(%dma_wait3A_168 : memref<100000xf32, #tpu.memory_space<hbm>>) dst(%arg6 : memref<100000xf32, #tpu.memory_space<vmem_shared>>)
        tpu.yield
      }) : () -> ()
      %dma_start3A = arith.constant 0 : i32
      %dma_start3A_161 = tpu.memref_slice %arg6[%dma_start3A] : memref<100000xf32, #tpu.memory_space<vmem_shared>> -> memref<100000xf32, #tpu.memory_space<vmem_shared>>
      tpu.enqueue_indirect_dma source(%dma_start3A_161 : memref<100000xf32, #tpu.memory_space<vmem_shared>>) target(%arg21 : memref<16384xf32, #tpu.memory_space<vmem>>) offsets(%arg20 : memref<16384xi32, #tpu.memory_space<vmem>>) semaphore(%arg22 : memref<!tpu.dma_semaphore, #tpu.memory_space<semaphore_mem>>)
      %dma_wait3A = arith.constant 0 : i32
      %dma_wait3A_162 = tpu.memref_slice %arg6[%dma_wait3A] : memref<100000xf32, #tpu.memory_space<vmem_shared>> -> memref<100000xf32, #tpu.memory_space<vmem_shared>>
      tpu.wait_indirect_dma semaphore(%arg22 : memref<!tpu.dma_semaphore, #tpu.memory_space<semaphore_mem>>) src(%dma_wait3A_162 : memref<100000xf32, #tpu.memory_space<vmem_shared>>) dst(%arg21 : memref<16384xf32, #tpu.memory_space<vmem>>)
      "tpu.region"() ({
        %run_scoped3A = tpu.sem_alloc : memref<!tpu.dma_semaphore, #tpu.memory_space<semaphore_mem>>
        %dma_start3A_163 = arith.constant 0 : i32
        %dma_start3A_164 = tpu.memref_slice %arg4[%add3A_160, %dma_start3A_163] : memref<64x16384xf32, #tpu.memory_space<hbm>> -> memref<1x16384xf32, #tpu.memory_space<hbm>>
        %dma_start3A_165 = tpu.memref_squeeze %dma_start3A_164 : memref<1x16384xf32, #tpu.memory_space<hbm>> -> memref<16384xf32, #tpu.memory_space<hbm>>
        %dma_start3A_166 = arith.constant 0 : i32
        %dma_start3A_167 = tpu.memref_slice %arg4[%add3A_160, %dma_start3A_166] : memref<64x16384xf32, #tpu.memory_space<hbm>> -> memref<1x16384xf32, #tpu.memory_space<hbm>>
        %dma_start3A_168 = tpu.memref_squeeze %dma_start3A_167 : memref<1x16384xf32, #tpu.memory_space<hbm>> -> memref<16384xf32, #tpu.memory_space<hbm>>
        tpu.enqueue_dma source(%arg21 : memref<16384xf32, #tpu.memory_space<vmem>>) target(%dma_start3A_168 : memref<16384xf32, #tpu.memory_space<hbm>>) target_semaphore(%run_scoped3A : memref<!tpu.dma_semaphore, #tpu.memory_space<semaphore_mem>>)
        %dma_wait3A_169 = arith.constant 0 : i32
        %dma_wait3A_170 = tpu.memref_slice %arg4[%add3A_160, %dma_wait3A_169] : memref<64x16384xf32, #tpu.memory_space<hbm>> -> memref<1x16384xf32, #tpu.memory_space<hbm>>
        %dma_wait3A_171 = tpu.memref_squeeze %dma_wait3A_170 : memref<1x16384xf32, #tpu.memory_space<hbm>> -> memref<16384xf32, #tpu.memory_space<hbm>>
        %dma_wait3A_172 = arith.constant 0 : i32
        %dma_wait3A_173 = tpu.memref_slice %arg4[%add3A_160, %dma_wait3A_172] : memref<64x16384xf32, #tpu.memory_space<hbm>> -> memref<1x16384xf32, #tpu.memory_space<hbm>>
        %dma_wait3A_174 = tpu.memref_squeeze %dma_wait3A_173 : memref<1x16384xf32, #tpu.memory_space<hbm>> -> memref<16384xf32, #tpu.memory_space<hbm>>
        tpu.wait_dma2 semaphore(%run_scoped3A : memref<!tpu.dma_semaphore, #tpu.memory_space<semaphore_mem>>) src(%arg21 : memref<16384xf32, #tpu.memory_space<vmem>>) dst(%dma_wait3A_174 : memref<16384xf32, #tpu.memory_space<hbm>>)
        tpu.yield
      }) : () -> ()
    } else {
    }
    %eq3A_62 = arith.constant 2 : i32
    %eq3A_63 = arith.cmpi eq, %arg1, %eq3A_62 : i32
    %convert_element_type3A_64 = arith.extui %eq3A_63 : i1 to i32
    %cond3A_65 = arith.constant 0 : i32
    %cond3A_66 = arith.cmpi ne, %convert_element_type3A_64, %cond3A_65 : i32
    scf.if %cond3A_66 {
      %mul3A = arith.constant 32 : i32
      %mul3A_157 = arith.muli %arg0, %mul3A : i32
      %add3A = arith.constant 11 : i32
      %add3A_158 = arith.addi %mul3A_157, %add3A : i32
      %add3A_159 = arith.constant 2 : i32
      %add3A_160 = arith.addi %add3A_158, %add3A_159 : i32
      "tpu.region"() ({
        %run_scoped3A = tpu.sem_alloc : memref<!tpu.dma_semaphore, #tpu.memory_space<semaphore_mem>>
        %dma_start3A_163 = arith.constant 0 : i32
        %dma_start3A_164 = tpu.memref_slice %arg2[%add3A_160, %dma_start3A_163] : memref<64x100000xf32, #tpu.memory_space<hbm>> -> memref<1x100000xf32, #tpu.memory_space<hbm>>
        %dma_start3A_165 = tpu.memref_squeeze %dma_start3A_164 : memref<1x100000xf32, #tpu.memory_space<hbm>> -> memref<100000xf32, #tpu.memory_space<hbm>>
        tpu.enqueue_dma source(%dma_start3A_165 : memref<100000xf32, #tpu.memory_space<hbm>>) target(%arg7 : memref<100000xf32, #tpu.memory_space<vmem_shared>>) target_semaphore(%run_scoped3A : memref<!tpu.dma_semaphore, #tpu.memory_space<semaphore_mem>>)
        %dma_wait3A_166 = arith.constant 0 : i32
        %dma_wait3A_167 = tpu.memref_slice %arg2[%add3A_160, %dma_wait3A_166] : memref<64x100000xf32, #tpu.memory_space<hbm>> -> memref<1x100000xf32, #tpu.memory_space<hbm>>
        %dma_wait3A_168 = tpu.memref_squeeze %dma_wait3A_167 : memref<1x100000xf32, #tpu.memory_space<hbm>> -> memref<100000xf32, #tpu.memory_space<hbm>>
        tpu.wait_dma2 semaphore(%run_scoped3A : memref<!tpu.dma_semaphore, #tpu.memory_space<semaphore_mem>>) src(%dma_wait3A_168 : memref<100000xf32, #tpu.memory_space<hbm>>) dst(%arg7 : memref<100000xf32, #tpu.memory_space<vmem_shared>>)
        tpu.yield
      }) : () -> ()
      %dma_start3A = arith.constant 0 : i32
      %dma_start3A_161 = tpu.memref_slice %arg7[%dma_start3A] : memref<100000xf32, #tpu.memory_space<vmem_shared>> -> memref<100000xf32, #tpu.memory_space<vmem_shared>>
      tpu.enqueue_indirect_dma source(%dma_start3A_161 : memref<100000xf32, #tpu.memory_space<vmem_shared>>) target(%arg21 : memref<16384xf32, #tpu.memory_space<vmem>>) offsets(%arg20 : memref<16384xi32, #tpu.memory_space<vmem>>) semaphore(%arg22 : memref<!tpu.dma_semaphore, #tpu.memory_space<semaphore_mem>>)
      %dma_wait3A = arith.constant 0 : i32
      %dma_wait3A_162 = tpu.memref_slice %arg7[%dma_wait3A] : memref<100000xf32, #tpu.memory_space<vmem_shared>> -> memref<100000xf32, #tpu.memory_space<vmem_shared>>
      tpu.wait_indirect_dma semaphore(%arg22 : memref<!tpu.dma_semaphore, #tpu.memory_space<semaphore_mem>>) src(%dma_wait3A_162 : memref<100000xf32, #tpu.memory_space<vmem_shared>>) dst(%arg21 : memref<16384xf32, #tpu.memory_space<vmem>>)
      "tpu.region"() ({
        %run_scoped3A = tpu.sem_alloc : memref<!tpu.dma_semaphore, #tpu.memory_space<semaphore_mem>>
        %dma_start3A_163 = arith.constant 0 : i32
        %dma_start3A_164 = tpu.memref_slice %arg4[%add3A_160, %dma_start3A_163] : memref<64x16384xf32, #tpu.memory_space<hbm>> -> memref<1x16384xf32, #tpu.memory_space<hbm>>
        %dma_start3A_165 = tpu.memref_squeeze %dma_start3A_164 : memref<1x16384xf32, #tpu.memory_space<hbm>> -> memref<16384xf32, #tpu.memory_space<hbm>>
        %dma_start3A_166 = arith.constant 0 : i32
        %dma_start3A_167 = tpu.memref_slice %arg4[%add3A_160, %dma_start3A_166] : memref<64x16384xf32, #tpu.memory_space<hbm>> -> memref<1x16384xf32, #tpu.memory_space<hbm>>
        %dma_start3A_168 = tpu.memref_squeeze %dma_start3A_167 : memref<1x16384xf32, #tpu.memory_space<hbm>> -> memref<16384xf32, #tpu.memory_space<hbm>>
        tpu.enqueue_dma source(%arg21 : memref<16384xf32, #tpu.memory_space<vmem>>) target(%dma_start3A_168 : memref<16384xf32, #tpu.memory_space<hbm>>) target_semaphore(%run_scoped3A : memref<!tpu.dma_semaphore, #tpu.memory_space<semaphore_mem>>)
        %dma_wait3A_169 = arith.constant 0 : i32
        %dma_wait3A_170 = tpu.memref_slice %arg4[%add3A_160, %dma_wait3A_169] : memref<64x16384xf32, #tpu.memory_space<hbm>> -> memref<1x16384xf32, #tpu.memory_space<hbm>>
        %dma_wait3A_171 = tpu.memref_squeeze %dma_wait3A_170 : memref<1x16384xf32, #tpu.memory_space<hbm>> -> memref<16384xf32, #tpu.memory_space<hbm>>
        %dma_wait3A_172 = arith.constant 0 : i32
        %dma_wait3A_173 = tpu.memref_slice %arg4[%add3A_160, %dma_wait3A_172] : memref<64x16384xf32, #tpu.memory_space<hbm>> -> memref<1x16384xf32, #tpu.memory_space<hbm>>
        %dma_wait3A_174 = tpu.memref_squeeze %dma_wait3A_173 : memref<1x16384xf32, #tpu.memory_space<hbm>> -> memref<16384xf32, #tpu.memory_space<hbm>>
        tpu.wait_dma2 semaphore(%run_scoped3A : memref<!tpu.dma_semaphore, #tpu.memory_space<semaphore_mem>>) src(%arg21 : memref<16384xf32, #tpu.memory_space<vmem>>) dst(%dma_wait3A_174 : memref<16384xf32, #tpu.memory_space<hbm>>)
        tpu.yield
      }) : () -> ()
    } else {
    }
    %eq3A_67 = arith.constant 3 : i32
    %eq3A_68 = arith.cmpi eq, %arg1, %eq3A_67 : i32
    %convert_element_type3A_69 = arith.extui %eq3A_68 : i1 to i32
    %cond3A_70 = arith.constant 0 : i32
    %cond3A_71 = arith.cmpi ne, %convert_element_type3A_69, %cond3A_70 : i32
    scf.if %cond3A_71 {
      %mul3A = arith.constant 32 : i32
      %mul3A_157 = arith.muli %arg0, %mul3A : i32
      %add3A = arith.constant 11 : i32
      %add3A_158 = arith.addi %mul3A_157, %add3A : i32
      %add3A_159 = arith.constant 3 : i32
      %add3A_160 = arith.addi %add3A_158, %add3A_159 : i32
      "tpu.region"() ({
        %run_scoped3A = tpu.sem_alloc : memref<!tpu.dma_semaphore, #tpu.memory_space<semaphore_mem>>
        %dma_start3A_163 = arith.constant 0 : i32
        %dma_start3A_164 = tpu.memref_slice %arg2[%add3A_160, %dma_start3A_163] : memref<64x100000xf32, #tpu.memory_space<hbm>> -> memref<1x100000xf32, #tpu.memory_space<hbm>>
        %dma_start3A_165 = tpu.memref_squeeze %dma_start3A_164 : memref<1x100000xf32, #tpu.memory_space<hbm>> -> memref<100000xf32, #tpu.memory_space<hbm>>
        tpu.enqueue_dma source(%dma_start3A_165 : memref<100000xf32, #tpu.memory_space<hbm>>) target(%arg8 : memref<100000xf32, #tpu.memory_space<vmem_shared>>) target_semaphore(%run_scoped3A : memref<!tpu.dma_semaphore, #tpu.memory_space<semaphore_mem>>)
        %dma_wait3A_166 = arith.constant 0 : i32
        %dma_wait3A_167 = tpu.memref_slice %arg2[%add3A_160, %dma_wait3A_166] : memref<64x100000xf32, #tpu.memory_space<hbm>> -> memref<1x100000xf32, #tpu.memory_space<hbm>>
        %dma_wait3A_168 = tpu.memref_squeeze %dma_wait3A_167 : memref<1x100000xf32, #tpu.memory_space<hbm>> -> memref<100000xf32, #tpu.memory_space<hbm>>
        tpu.wait_dma2 semaphore(%run_scoped3A : memref<!tpu.dma_semaphore, #tpu.memory_space<semaphore_mem>>) src(%dma_wait3A_168 : memref<100000xf32, #tpu.memory_space<hbm>>) dst(%arg8 : memref<100000xf32, #tpu.memory_space<vmem_shared>>)
        tpu.yield
      }) : () -> ()
      %dma_start3A = arith.constant 0 : i32
      %dma_start3A_161 = tpu.memref_slice %arg8[%dma_start3A] : memref<100000xf32, #tpu.memory_space<vmem_shared>> -> memref<100000xf32, #tpu.memory_space<vmem_shared>>
      tpu.enqueue_indirect_dma source(%dma_start3A_161 : memref<100000xf32, #tpu.memory_space<vmem_shared>>) target(%arg21 : memref<16384xf32, #tpu.memory_space<vmem>>) offsets(%arg20 : memref<16384xi32, #tpu.memory_space<vmem>>) semaphore(%arg22 : memref<!tpu.dma_semaphore, #tpu.memory_space<semaphore_mem>>)
      %dma_wait3A = arith.constant 0 : i32
      %dma_wait3A_162 = tpu.memref_slice %arg8[%dma_wait3A] : memref<100000xf32, #tpu.memory_space<vmem_shared>> -> memref<100000xf32, #tpu.memory_space<vmem_shared>>
      tpu.wait_indirect_dma semaphore(%arg22 : memref<!tpu.dma_semaphore, #tpu.memory_space<semaphore_mem>>) src(%dma_wait3A_162 : memref<100000xf32, #tpu.memory_space<vmem_shared>>) dst(%arg21 : memref<16384xf32, #tpu.memory_space<vmem>>)
      "tpu.region"() ({
        %run_scoped3A = tpu.sem_alloc : memref<!tpu.dma_semaphore, #tpu.memory_space<semaphore_mem>>
        %dma_start3A_163 = arith.constant 0 : i32
        %dma_start3A_164 = tpu.memref_slice %arg4[%add3A_160, %dma_start3A_163] : memref<64x16384xf32, #tpu.memory_space<hbm>> -> memref<1x16384xf32, #tpu.memory_space<hbm>>
        %dma_start3A_165 = tpu.memref_squeeze %dma_start3A_164 : memref<1x16384xf32, #tpu.memory_space<hbm>> -> memref<16384xf32, #tpu.memory_space<hbm>>
        %dma_start3A_166 = arith.constant 0 : i32
        %dma_start3A_167 = tpu.memref_slice %arg4[%add3A_160, %dma_start3A_166] : memref<64x16384xf32, #tpu.memory_space<hbm>> -> memref<1x16384xf32, #tpu.memory_space<hbm>>
        %dma_start3A_168 = tpu.memref_squeeze %dma_start3A_167 : memref<1x16384xf32, #tpu.memory_space<hbm>> -> memref<16384xf32, #tpu.memory_space<hbm>>
        tpu.enqueue_dma source(%arg21 : memref<16384xf32, #tpu.memory_space<vmem>>) target(%dma_start3A_168 : memref<16384xf32, #tpu.memory_space<hbm>>) target_semaphore(%run_scoped3A : memref<!tpu.dma_semaphore, #tpu.memory_space<semaphore_mem>>)
        %dma_wait3A_169 = arith.constant 0 : i32
        %dma_wait3A_170 = tpu.memref_slice %arg4[%add3A_160, %dma_wait3A_169] : memref<64x16384xf32, #tpu.memory_space<hbm>> -> memref<1x16384xf32, #tpu.memory_space<hbm>>
        %dma_wait3A_171 = tpu.memref_squeeze %dma_wait3A_170 : memref<1x16384xf32, #tpu.memory_space<hbm>> -> memref<16384xf32, #tpu.memory_space<hbm>>
        %dma_wait3A_172 = arith.constant 0 : i32
        %dma_wait3A_173 = tpu.memref_slice %arg4[%add3A_160, %dma_wait3A_172] : memref<64x16384xf32, #tpu.memory_space<hbm>> -> memref<1x16384xf32, #tpu.memory_space<hbm>>
        %dma_wait3A_174 = tpu.memref_squeeze %dma_wait3A_173 : memref<1x16384xf32, #tpu.memory_space<hbm>> -> memref<16384xf32, #tpu.memory_space<hbm>>
        tpu.wait_dma2 semaphore(%run_scoped3A : memref<!tpu.dma_semaphore, #tpu.memory_space<semaphore_mem>>) src(%arg21 : memref<16384xf32, #tpu.memory_space<vmem>>) dst(%dma_wait3A_174 : memref<16384xf32, #tpu.memory_space<hbm>>)
        tpu.yield
      }) : () -> ()
    } else {
    }
    %eq3A_72 = arith.constant 4 : i32
    %eq3A_73 = arith.cmpi eq, %arg1, %eq3A_72 : i32
    %convert_element_type3A_74 = arith.extui %eq3A_73 : i1 to i32
    %cond3A_75 = arith.constant 0 : i32
    %cond3A_76 = arith.cmpi ne, %convert_element_type3A_74, %cond3A_75 : i32
    scf.if %cond3A_76 {
      %mul3A = arith.constant 32 : i32
      %mul3A_157 = arith.muli %arg0, %mul3A : i32
      %add3A = arith.constant 11 : i32
      %add3A_158 = arith.addi %mul3A_157, %add3A : i32
      %add3A_159 = arith.constant 4 : i32
      %add3A_160 = arith.addi %add3A_158, %add3A_159 : i32
      "tpu.region"() ({
        %run_scoped3A = tpu.sem_alloc : memref<!tpu.dma_semaphore, #tpu.memory_space<semaphore_mem>>
        %dma_start3A_163 = arith.constant 0 : i32
        %dma_start3A_164 = tpu.memref_slice %arg2[%add3A_160, %dma_start3A_163] : memref<64x100000xf32, #tpu.memory_space<hbm>> -> memref<1x100000xf32, #tpu.memory_space<hbm>>
        %dma_start3A_165 = tpu.memref_squeeze %dma_start3A_164 : memref<1x100000xf32, #tpu.memory_space<hbm>> -> memref<100000xf32, #tpu.memory_space<hbm>>
        tpu.enqueue_dma source(%dma_start3A_165 : memref<100000xf32, #tpu.memory_space<hbm>>) target(%arg9 : memref<100000xf32, #tpu.memory_space<vmem_shared>>) target_semaphore(%run_scoped3A : memref<!tpu.dma_semaphore, #tpu.memory_space<semaphore_mem>>)
        %dma_wait3A_166 = arith.constant 0 : i32
        %dma_wait3A_167 = tpu.memref_slice %arg2[%add3A_160, %dma_wait3A_166] : memref<64x100000xf32, #tpu.memory_space<hbm>> -> memref<1x100000xf32, #tpu.memory_space<hbm>>
        %dma_wait3A_168 = tpu.memref_squeeze %dma_wait3A_167 : memref<1x100000xf32, #tpu.memory_space<hbm>> -> memref<100000xf32, #tpu.memory_space<hbm>>
        tpu.wait_dma2 semaphore(%run_scoped3A : memref<!tpu.dma_semaphore, #tpu.memory_space<semaphore_mem>>) src(%dma_wait3A_168 : memref<100000xf32, #tpu.memory_space<hbm>>) dst(%arg9 : memref<100000xf32, #tpu.memory_space<vmem_shared>>)
        tpu.yield
      }) : () -> ()
      %dma_start3A = arith.constant 0 : i32
      %dma_start3A_161 = tpu.memref_slice %arg9[%dma_start3A] : memref<100000xf32, #tpu.memory_space<vmem_shared>> -> memref<100000xf32, #tpu.memory_space<vmem_shared>>
      tpu.enqueue_indirect_dma source(%dma_start3A_161 : memref<100000xf32, #tpu.memory_space<vmem_shared>>) target(%arg21 : memref<16384xf32, #tpu.memory_space<vmem>>) offsets(%arg20 : memref<16384xi32, #tpu.memory_space<vmem>>) semaphore(%arg22 : memref<!tpu.dma_semaphore, #tpu.memory_space<semaphore_mem>>)
      %dma_wait3A = arith.constant 0 : i32
      %dma_wait3A_162 = tpu.memref_slice %arg9[%dma_wait3A] : memref<100000xf32, #tpu.memory_space<vmem_shared>> -> memref<100000xf32, #tpu.memory_space<vmem_shared>>
      tpu.wait_indirect_dma semaphore(%arg22 : memref<!tpu.dma_semaphore, #tpu.memory_space<semaphore_mem>>) src(%dma_wait3A_162 : memref<100000xf32, #tpu.memory_space<vmem_shared>>) dst(%arg21 : memref<16384xf32, #tpu.memory_space<vmem>>)
      "tpu.region"() ({
        %run_scoped3A = tpu.sem_alloc : memref<!tpu.dma_semaphore, #tpu.memory_space<semaphore_mem>>
        %dma_start3A_163 = arith.constant 0 : i32
        %dma_start3A_164 = tpu.memref_slice %arg4[%add3A_160, %dma_start3A_163] : memref<64x16384xf32, #tpu.memory_space<hbm>> -> memref<1x16384xf32, #tpu.memory_space<hbm>>
        %dma_start3A_165 = tpu.memref_squeeze %dma_start3A_164 : memref<1x16384xf32, #tpu.memory_space<hbm>> -> memref<16384xf32, #tpu.memory_space<hbm>>
        %dma_start3A_166 = arith.constant 0 : i32
        %dma_start3A_167 = tpu.memref_slice %arg4[%add3A_160, %dma_start3A_166] : memref<64x16384xf32, #tpu.memory_space<hbm>> -> memref<1x16384xf32, #tpu.memory_space<hbm>>
        %dma_start3A_168 = tpu.memref_squeeze %dma_start3A_167 : memref<1x16384xf32, #tpu.memory_space<hbm>> -> memref<16384xf32, #tpu.memory_space<hbm>>
        tpu.enqueue_dma source(%arg21 : memref<16384xf32, #tpu.memory_space<vmem>>) target(%dma_start3A_168 : memref<16384xf32, #tpu.memory_space<hbm>>) target_semaphore(%run_scoped3A : memref<!tpu.dma_semaphore, #tpu.memory_space<semaphore_mem>>)
        %dma_wait3A_169 = arith.constant 0 : i32
        %dma_wait3A_170 = tpu.memref_slice %arg4[%add3A_160, %dma_wait3A_169] : memref<64x16384xf32, #tpu.memory_space<hbm>> -> memref<1x16384xf32, #tpu.memory_space<hbm>>
        %dma_wait3A_171 = tpu.memref_squeeze %dma_wait3A_170 : memref<1x16384xf32, #tpu.memory_space<hbm>> -> memref<16384xf32, #tpu.memory_space<hbm>>
        %dma_wait3A_172 = arith.constant 0 : i32
        %dma_wait3A_173 = tpu.memref_slice %arg4[%add3A_160, %dma_wait3A_172] : memref<64x16384xf32, #tpu.memory_space<hbm>> -> memref<1x16384xf32, #tpu.memory_space<hbm>>
        %dma_wait3A_174 = tpu.memref_squeeze %dma_wait3A_173 : memref<1x16384xf32, #tpu.memory_space<hbm>> -> memref<16384xf32, #tpu.memory_space<hbm>>
        tpu.wait_dma2 semaphore(%run_scoped3A : memref<!tpu.dma_semaphore, #tpu.memory_space<semaphore_mem>>) src(%arg21 : memref<16384xf32, #tpu.memory_space<vmem>>) dst(%dma_wait3A_174 : memref<16384xf32, #tpu.memory_space<hbm>>)
        tpu.yield
      }) : () -> ()
    } else {
    }
    %eq3A_77 = arith.constant 5 : i32
    %eq3A_78 = arith.cmpi eq, %arg1, %eq3A_77 : i32
    %convert_element_type3A_79 = arith.extui %eq3A_78 : i1 to i32
    %cond3A_80 = arith.constant 0 : i32
    %cond3A_81 = arith.cmpi ne, %convert_element_type3A_79, %cond3A_80 : i32
    scf.if %cond3A_81 {
      %mul3A = arith.constant 32 : i32
      %mul3A_157 = arith.muli %arg0, %mul3A : i32
      %add3A = arith.constant 11 : i32
      %add3A_158 = arith.addi %mul3A_157, %add3A : i32
      %add3A_159 = arith.constant 5 : i32
      %add3A_160 = arith.addi %add3A_158, %add3A_159 : i32
      "tpu.region"() ({
        %run_scoped3A = tpu.sem_alloc : memref<!tpu.dma_semaphore, #tpu.memory_space<semaphore_mem>>
        %dma_start3A_163 = arith.constant 0 : i32
        %dma_start3A_164 = tpu.memref_slice %arg2[%add3A_160, %dma_start3A_163] : memref<64x100000xf32, #tpu.memory_space<hbm>> -> memref<1x100000xf32, #tpu.memory_space<hbm>>
        %dma_start3A_165 = tpu.memref_squeeze %dma_start3A_164 : memref<1x100000xf32, #tpu.memory_space<hbm>> -> memref<100000xf32, #tpu.memory_space<hbm>>
        tpu.enqueue_dma source(%dma_start3A_165 : memref<100000xf32, #tpu.memory_space<hbm>>) target(%arg10 : memref<100000xf32, #tpu.memory_space<vmem_shared>>) target_semaphore(%run_scoped3A : memref<!tpu.dma_semaphore, #tpu.memory_space<semaphore_mem>>)
        %dma_wait3A_166 = arith.constant 0 : i32
        %dma_wait3A_167 = tpu.memref_slice %arg2[%add3A_160, %dma_wait3A_166] : memref<64x100000xf32, #tpu.memory_space<hbm>> -> memref<1x100000xf32, #tpu.memory_space<hbm>>
        %dma_wait3A_168 = tpu.memref_squeeze %dma_wait3A_167 : memref<1x100000xf32, #tpu.memory_space<hbm>> -> memref<100000xf32, #tpu.memory_space<hbm>>
        tpu.wait_dma2 semaphore(%run_scoped3A : memref<!tpu.dma_semaphore, #tpu.memory_space<semaphore_mem>>) src(%dma_wait3A_168 : memref<100000xf32, #tpu.memory_space<hbm>>) dst(%arg10 : memref<100000xf32, #tpu.memory_space<vmem_shared>>)
        tpu.yield
      }) : () -> ()
      %dma_start3A = arith.constant 0 : i32
      %dma_start3A_161 = tpu.memref_slice %arg10[%dma_start3A] : memref<100000xf32, #tpu.memory_space<vmem_shared>> -> memref<100000xf32, #tpu.memory_space<vmem_shared>>
      tpu.enqueue_indirect_dma source(%dma_start3A_161 : memref<100000xf32, #tpu.memory_space<vmem_shared>>) target(%arg21 : memref<16384xf32, #tpu.memory_space<vmem>>) offsets(%arg20 : memref<16384xi32, #tpu.memory_space<vmem>>) semaphore(%arg22 : memref<!tpu.dma_semaphore, #tpu.memory_space<semaphore_mem>>)
      %dma_wait3A = arith.constant 0 : i32
      %dma_wait3A_162 = tpu.memref_slice %arg10[%dma_wait3A] : memref<100000xf32, #tpu.memory_space<vmem_shared>> -> memref<100000xf32, #tpu.memory_space<vmem_shared>>
      tpu.wait_indirect_dma semaphore(%arg22 : memref<!tpu.dma_semaphore, #tpu.memory_space<semaphore_mem>>) src(%dma_wait3A_162 : memref<100000xf32, #tpu.memory_space<vmem_shared>>) dst(%arg21 : memref<16384xf32, #tpu.memory_space<vmem>>)
      "tpu.region"() ({
        %run_scoped3A = tpu.sem_alloc : memref<!tpu.dma_semaphore, #tpu.memory_space<semaphore_mem>>
        %dma_start3A_163 = arith.constant 0 : i32
        %dma_start3A_164 = tpu.memref_slice %arg4[%add3A_160, %dma_start3A_163] : memref<64x16384xf32, #tpu.memory_space<hbm>> -> memref<1x16384xf32, #tpu.memory_space<hbm>>
        %dma_start3A_165 = tpu.memref_squeeze %dma_start3A_164 : memref<1x16384xf32, #tpu.memory_space<hbm>> -> memref<16384xf32, #tpu.memory_space<hbm>>
        %dma_start3A_166 = arith.constant 0 : i32
        %dma_start3A_167 = tpu.memref_slice %arg4[%add3A_160, %dma_start3A_166] : memref<64x16384xf32, #tpu.memory_space<hbm>> -> memref<1x16384xf32, #tpu.memory_space<hbm>>
        %dma_start3A_168 = tpu.memref_squeeze %dma_start3A_167 : memref<1x16384xf32, #tpu.memory_space<hbm>> -> memref<16384xf32, #tpu.memory_space<hbm>>
        tpu.enqueue_dma source(%arg21 : memref<16384xf32, #tpu.memory_space<vmem>>) target(%dma_start3A_168 : memref<16384xf32, #tpu.memory_space<hbm>>) target_semaphore(%run_scoped3A : memref<!tpu.dma_semaphore, #tpu.memory_space<semaphore_mem>>)
        %dma_wait3A_169 = arith.constant 0 : i32
        %dma_wait3A_170 = tpu.memref_slice %arg4[%add3A_160, %dma_wait3A_169] : memref<64x16384xf32, #tpu.memory_space<hbm>> -> memref<1x16384xf32, #tpu.memory_space<hbm>>
        %dma_wait3A_171 = tpu.memref_squeeze %dma_wait3A_170 : memref<1x16384xf32, #tpu.memory_space<hbm>> -> memref<16384xf32, #tpu.memory_space<hbm>>
        %dma_wait3A_172 = arith.constant 0 : i32
        %dma_wait3A_173 = tpu.memref_slice %arg4[%add3A_160, %dma_wait3A_172] : memref<64x16384xf32, #tpu.memory_space<hbm>> -> memref<1x16384xf32, #tpu.memory_space<hbm>>
        %dma_wait3A_174 = tpu.memref_squeeze %dma_wait3A_173 : memref<1x16384xf32, #tpu.memory_space<hbm>> -> memref<16384xf32, #tpu.memory_space<hbm>>
        tpu.wait_dma2 semaphore(%run_scoped3A : memref<!tpu.dma_semaphore, #tpu.memory_space<semaphore_mem>>) src(%arg21 : memref<16384xf32, #tpu.memory_space<vmem>>) dst(%dma_wait3A_174 : memref<16384xf32, #tpu.memory_space<hbm>>)
        tpu.yield
      }) : () -> ()
    } else {
    }
    %eq3A_82 = arith.constant 6 : i32
    %eq3A_83 = arith.cmpi eq, %arg1, %eq3A_82 : i32
    %convert_element_type3A_84 = arith.extui %eq3A_83 : i1 to i32
    %cond3A_85 = arith.constant 0 : i32
    %cond3A_86 = arith.cmpi ne, %convert_element_type3A_84, %cond3A_85 : i32
    scf.if %cond3A_86 {
      %mul3A = arith.constant 32 : i32
      %mul3A_157 = arith.muli %arg0, %mul3A : i32
      %add3A = arith.constant 11 : i32
      %add3A_158 = arith.addi %mul3A_157, %add3A : i32
      %add3A_159 = arith.constant 6 : i32
      %add3A_160 = arith.addi %add3A_158, %add3A_159 : i32
      "tpu.region"() ({
        %run_scoped3A = tpu.sem_alloc : memref<!tpu.dma_semaphore, #tpu.memory_space<semaphore_mem>>
        %dma_start3A_163 = arith.constant 0 : i32
        %dma_start3A_164 = tpu.memref_slice %arg2[%add3A_160, %dma_start3A_163] : memref<64x100000xf32, #tpu.memory_space<hbm>> -> memref<1x100000xf32, #tpu.memory_space<hbm>>
        %dma_start3A_165 = tpu.memref_squeeze %dma_start3A_164 : memref<1x100000xf32, #tpu.memory_space<hbm>> -> memref<100000xf32, #tpu.memory_space<hbm>>
        tpu.enqueue_dma source(%dma_start3A_165 : memref<100000xf32, #tpu.memory_space<hbm>>) target(%arg11 : memref<100000xf32, #tpu.memory_space<vmem_shared>>) target_semaphore(%run_scoped3A : memref<!tpu.dma_semaphore, #tpu.memory_space<semaphore_mem>>)
        %dma_wait3A_166 = arith.constant 0 : i32
        %dma_wait3A_167 = tpu.memref_slice %arg2[%add3A_160, %dma_wait3A_166] : memref<64x100000xf32, #tpu.memory_space<hbm>> -> memref<1x100000xf32, #tpu.memory_space<hbm>>
        %dma_wait3A_168 = tpu.memref_squeeze %dma_wait3A_167 : memref<1x100000xf32, #tpu.memory_space<hbm>> -> memref<100000xf32, #tpu.memory_space<hbm>>
        tpu.wait_dma2 semaphore(%run_scoped3A : memref<!tpu.dma_semaphore, #tpu.memory_space<semaphore_mem>>) src(%dma_wait3A_168 : memref<100000xf32, #tpu.memory_space<hbm>>) dst(%arg11 : memref<100000xf32, #tpu.memory_space<vmem_shared>>)
        tpu.yield
      }) : () -> ()
      %dma_start3A = arith.constant 0 : i32
      %dma_start3A_161 = tpu.memref_slice %arg11[%dma_start3A] : memref<100000xf32, #tpu.memory_space<vmem_shared>> -> memref<100000xf32, #tpu.memory_space<vmem_shared>>
      tpu.enqueue_indirect_dma source(%dma_start3A_161 : memref<100000xf32, #tpu.memory_space<vmem_shared>>) target(%arg21 : memref<16384xf32, #tpu.memory_space<vmem>>) offsets(%arg20 : memref<16384xi32, #tpu.memory_space<vmem>>) semaphore(%arg22 : memref<!tpu.dma_semaphore, #tpu.memory_space<semaphore_mem>>)
      %dma_wait3A = arith.constant 0 : i32
      %dma_wait3A_162 = tpu.memref_slice %arg11[%dma_wait3A] : memref<100000xf32, #tpu.memory_space<vmem_shared>> -> memref<100000xf32, #tpu.memory_space<vmem_shared>>
      tpu.wait_indirect_dma semaphore(%arg22 : memref<!tpu.dma_semaphore, #tpu.memory_space<semaphore_mem>>) src(%dma_wait3A_162 : memref<100000xf32, #tpu.memory_space<vmem_shared>>) dst(%arg21 : memref<16384xf32, #tpu.memory_space<vmem>>)
      "tpu.region"() ({
        %run_scoped3A = tpu.sem_alloc : memref<!tpu.dma_semaphore, #tpu.memory_space<semaphore_mem>>
        %dma_start3A_163 = arith.constant 0 : i32
        %dma_start3A_164 = tpu.memref_slice %arg4[%add3A_160, %dma_start3A_163] : memref<64x16384xf32, #tpu.memory_space<hbm>> -> memref<1x16384xf32, #tpu.memory_space<hbm>>
        %dma_start3A_165 = tpu.memref_squeeze %dma_start3A_164 : memref<1x16384xf32, #tpu.memory_space<hbm>> -> memref<16384xf32, #tpu.memory_space<hbm>>
        %dma_start3A_166 = arith.constant 0 : i32
        %dma_start3A_167 = tpu.memref_slice %arg4[%add3A_160, %dma_start3A_166] : memref<64x16384xf32, #tpu.memory_space<hbm>> -> memref<1x16384xf32, #tpu.memory_space<hbm>>
        %dma_start3A_168 = tpu.memref_squeeze %dma_start3A_167 : memref<1x16384xf32, #tpu.memory_space<hbm>> -> memref<16384xf32, #tpu.memory_space<hbm>>
        tpu.enqueue_dma source(%arg21 : memref<16384xf32, #tpu.memory_space<vmem>>) target(%dma_start3A_168 : memref<16384xf32, #tpu.memory_space<hbm>>) target_semaphore(%run_scoped3A : memref<!tpu.dma_semaphore, #tpu.memory_space<semaphore_mem>>)
        %dma_wait3A_169 = arith.constant 0 : i32
        %dma_wait3A_170 = tpu.memref_slice %arg4[%add3A_160, %dma_wait3A_169] : memref<64x16384xf32, #tpu.memory_space<hbm>> -> memref<1x16384xf32, #tpu.memory_space<hbm>>
        %dma_wait3A_171 = tpu.memref_squeeze %dma_wait3A_170 : memref<1x16384xf32, #tpu.memory_space<hbm>> -> memref<16384xf32, #tpu.memory_space<hbm>>
        %dma_wait3A_172 = arith.constant 0 : i32
        %dma_wait3A_173 = tpu.memref_slice %arg4[%add3A_160, %dma_wait3A_172] : memref<64x16384xf32, #tpu.memory_space<hbm>> -> memref<1x16384xf32, #tpu.memory_space<hbm>>
        %dma_wait3A_174 = tpu.memref_squeeze %dma_wait3A_173 : memref<1x16384xf32, #tpu.memory_space<hbm>> -> memref<16384xf32, #tpu.memory_space<hbm>>
        tpu.wait_dma2 semaphore(%run_scoped3A : memref<!tpu.dma_semaphore, #tpu.memory_space<semaphore_mem>>) src(%arg21 : memref<16384xf32, #tpu.memory_space<vmem>>) dst(%dma_wait3A_174 : memref<16384xf32, #tpu.memory_space<hbm>>)
        tpu.yield
      }) : () -> ()
    } else {
    }
    %eq3A_87 = arith.constant 7 : i32
    %eq3A_88 = arith.cmpi eq, %arg1, %eq3A_87 : i32
    %convert_element_type3A_89 = arith.extui %eq3A_88 : i1 to i32
    %cond3A_90 = arith.constant 0 : i32
    %cond3A_91 = arith.cmpi ne, %convert_element_type3A_89, %cond3A_90 : i32
    scf.if %cond3A_91 {
      %mul3A = arith.constant 32 : i32
      %mul3A_157 = arith.muli %arg0, %mul3A : i32
      %add3A = arith.constant 11 : i32
      %add3A_158 = arith.addi %mul3A_157, %add3A : i32
      %add3A_159 = arith.constant 7 : i32
      %add3A_160 = arith.addi %add3A_158, %add3A_159 : i32
      "tpu.region"() ({
        %run_scoped3A = tpu.sem_alloc : memref<!tpu.dma_semaphore, #tpu.memory_space<semaphore_mem>>
        %dma_start3A_163 = arith.constant 0 : i32
        %dma_start3A_164 = tpu.memref_slice %arg2[%add3A_160, %dma_start3A_163] : memref<64x100000xf32, #tpu.memory_space<hbm>> -> memref<1x100000xf32, #tpu.memory_space<hbm>>
        %dma_start3A_165 = tpu.memref_squeeze %dma_start3A_164 : memref<1x100000xf32, #tpu.memory_space<hbm>> -> memref<100000xf32, #tpu.memory_space<hbm>>
        tpu.enqueue_dma source(%dma_start3A_165 : memref<100000xf32, #tpu.memory_space<hbm>>) target(%arg12 : memref<100000xf32, #tpu.memory_space<vmem_shared>>) target_semaphore(%run_scoped3A : memref<!tpu.dma_semaphore, #tpu.memory_space<semaphore_mem>>)
        %dma_wait3A_166 = arith.constant 0 : i32
        %dma_wait3A_167 = tpu.memref_slice %arg2[%add3A_160, %dma_wait3A_166] : memref<64x100000xf32, #tpu.memory_space<hbm>> -> memref<1x100000xf32, #tpu.memory_space<hbm>>
        %dma_wait3A_168 = tpu.memref_squeeze %dma_wait3A_167 : memref<1x100000xf32, #tpu.memory_space<hbm>> -> memref<100000xf32, #tpu.memory_space<hbm>>
        tpu.wait_dma2 semaphore(%run_scoped3A : memref<!tpu.dma_semaphore, #tpu.memory_space<semaphore_mem>>) src(%dma_wait3A_168 : memref<100000xf32, #tpu.memory_space<hbm>>) dst(%arg12 : memref<100000xf32, #tpu.memory_space<vmem_shared>>)
        tpu.yield
      }) : () -> ()
      %dma_start3A = arith.constant 0 : i32
      %dma_start3A_161 = tpu.memref_slice %arg12[%dma_start3A] : memref<100000xf32, #tpu.memory_space<vmem_shared>> -> memref<100000xf32, #tpu.memory_space<vmem_shared>>
      tpu.enqueue_indirect_dma source(%dma_start3A_161 : memref<100000xf32, #tpu.memory_space<vmem_shared>>) target(%arg21 : memref<16384xf32, #tpu.memory_space<vmem>>) offsets(%arg20 : memref<16384xi32, #tpu.memory_space<vmem>>) semaphore(%arg22 : memref<!tpu.dma_semaphore, #tpu.memory_space<semaphore_mem>>)
      %dma_wait3A = arith.constant 0 : i32
      %dma_wait3A_162 = tpu.memref_slice %arg12[%dma_wait3A] : memref<100000xf32, #tpu.memory_space<vmem_shared>> -> memref<100000xf32, #tpu.memory_space<vmem_shared>>
      tpu.wait_indirect_dma semaphore(%arg22 : memref<!tpu.dma_semaphore, #tpu.memory_space<semaphore_mem>>) src(%dma_wait3A_162 : memref<100000xf32, #tpu.memory_space<vmem_shared>>) dst(%arg21 : memref<16384xf32, #tpu.memory_space<vmem>>)
      "tpu.region"() ({
        %run_scoped3A = tpu.sem_alloc : memref<!tpu.dma_semaphore, #tpu.memory_space<semaphore_mem>>
        %dma_start3A_163 = arith.constant 0 : i32
        %dma_start3A_164 = tpu.memref_slice %arg4[%add3A_160, %dma_start3A_163] : memref<64x16384xf32, #tpu.memory_space<hbm>> -> memref<1x16384xf32, #tpu.memory_space<hbm>>
        %dma_start3A_165 = tpu.memref_squeeze %dma_start3A_164 : memref<1x16384xf32, #tpu.memory_space<hbm>> -> memref<16384xf32, #tpu.memory_space<hbm>>
        %dma_start3A_166 = arith.constant 0 : i32
        %dma_start3A_167 = tpu.memref_slice %arg4[%add3A_160, %dma_start3A_166] : memref<64x16384xf32, #tpu.memory_space<hbm>> -> memref<1x16384xf32, #tpu.memory_space<hbm>>
        %dma_start3A_168 = tpu.memref_squeeze %dma_start3A_167 : memref<1x16384xf32, #tpu.memory_space<hbm>> -> memref<16384xf32, #tpu.memory_space<hbm>>
        tpu.enqueue_dma source(%arg21 : memref<16384xf32, #tpu.memory_space<vmem>>) target(%dma_start3A_168 : memref<16384xf32, #tpu.memory_space<hbm>>) target_semaphore(%run_scoped3A : memref<!tpu.dma_semaphore, #tpu.memory_space<semaphore_mem>>)
        %dma_wait3A_169 = arith.constant 0 : i32
        %dma_wait3A_170 = tpu.memref_slice %arg4[%add3A_160, %dma_wait3A_169] : memref<64x16384xf32, #tpu.memory_space<hbm>> -> memref<1x16384xf32, #tpu.memory_space<hbm>>
        %dma_wait3A_171 = tpu.memref_squeeze %dma_wait3A_170 : memref<1x16384xf32, #tpu.memory_space<hbm>> -> memref<16384xf32, #tpu.memory_space<hbm>>
        %dma_wait3A_172 = arith.constant 0 : i32
        %dma_wait3A_173 = tpu.memref_slice %arg4[%add3A_160, %dma_wait3A_172] : memref<64x16384xf32, #tpu.memory_space<hbm>> -> memref<1x16384xf32, #tpu.memory_space<hbm>>
        %dma_wait3A_174 = tpu.memref_squeeze %dma_wait3A_173 : memref<1x16384xf32, #tpu.memory_space<hbm>> -> memref<16384xf32, #tpu.memory_space<hbm>>
        tpu.wait_dma2 semaphore(%run_scoped3A : memref<!tpu.dma_semaphore, #tpu.memory_space<semaphore_mem>>) src(%arg21 : memref<16384xf32, #tpu.memory_space<vmem>>) dst(%dma_wait3A_174 : memref<16384xf32, #tpu.memory_space<hbm>>)
        tpu.yield
      }) : () -> ()
    } else {
    }
    %eq3A_92 = arith.constant 8 : i32
    %eq3A_93 = arith.cmpi eq, %arg1, %eq3A_92 : i32
    %convert_element_type3A_94 = arith.extui %eq3A_93 : i1 to i32
    %cond3A_95 = arith.constant 0 : i32
    %cond3A_96 = arith.cmpi ne, %convert_element_type3A_94, %cond3A_95 : i32
    scf.if %cond3A_96 {
      %mul3A = arith.constant 32 : i32
      %mul3A_157 = arith.muli %arg0, %mul3A : i32
      %add3A = arith.constant 11 : i32
      %add3A_158 = arith.addi %mul3A_157, %add3A : i32
      %add3A_159 = arith.constant 8 : i32
      %add3A_160 = arith.addi %add3A_158, %add3A_159 : i32
      "tpu.region"() ({
        %run_scoped3A = tpu.sem_alloc : memref<!tpu.dma_semaphore, #tpu.memory_space<semaphore_mem>>
        %dma_start3A_163 = arith.constant 0 : i32
        %dma_start3A_164 = tpu.memref_slice %arg2[%add3A_160, %dma_start3A_163] : memref<64x100000xf32, #tpu.memory_space<hbm>> -> memref<1x100000xf32, #tpu.memory_space<hbm>>
        %dma_start3A_165 = tpu.memref_squeeze %dma_start3A_164 : memref<1x100000xf32, #tpu.memory_space<hbm>> -> memref<100000xf32, #tpu.memory_space<hbm>>
        tpu.enqueue_dma source(%dma_start3A_165 : memref<100000xf32, #tpu.memory_space<hbm>>) target(%arg13 : memref<100000xf32, #tpu.memory_space<vmem_shared>>) target_semaphore(%run_scoped3A : memref<!tpu.dma_semaphore, #tpu.memory_space<semaphore_mem>>)
        %dma_wait3A_166 = arith.constant 0 : i32
        %dma_wait3A_167 = tpu.memref_slice %arg2[%add3A_160, %dma_wait3A_166] : memref<64x100000xf32, #tpu.memory_space<hbm>> -> memref<1x100000xf32, #tpu.memory_space<hbm>>
        %dma_wait3A_168 = tpu.memref_squeeze %dma_wait3A_167 : memref<1x100000xf32, #tpu.memory_space<hbm>> -> memref<100000xf32, #tpu.memory_space<hbm>>
        tpu.wait_dma2 semaphore(%run_scoped3A : memref<!tpu.dma_semaphore, #tpu.memory_space<semaphore_mem>>) src(%dma_wait3A_168 : memref<100000xf32, #tpu.memory_space<hbm>>) dst(%arg13 : memref<100000xf32, #tpu.memory_space<vmem_shared>>)
        tpu.yield
      }) : () -> ()
      %dma_start3A = arith.constant 0 : i32
      %dma_start3A_161 = tpu.memref_slice %arg13[%dma_start3A] : memref<100000xf32, #tpu.memory_space<vmem_shared>> -> memref<100000xf32, #tpu.memory_space<vmem_shared>>
      tpu.enqueue_indirect_dma source(%dma_start3A_161 : memref<100000xf32, #tpu.memory_space<vmem_shared>>) target(%arg21 : memref<16384xf32, #tpu.memory_space<vmem>>) offsets(%arg20 : memref<16384xi32, #tpu.memory_space<vmem>>) semaphore(%arg22 : memref<!tpu.dma_semaphore, #tpu.memory_space<semaphore_mem>>)
      %dma_wait3A = arith.constant 0 : i32
      %dma_wait3A_162 = tpu.memref_slice %arg13[%dma_wait3A] : memref<100000xf32, #tpu.memory_space<vmem_shared>> -> memref<100000xf32, #tpu.memory_space<vmem_shared>>
      tpu.wait_indirect_dma semaphore(%arg22 : memref<!tpu.dma_semaphore, #tpu.memory_space<semaphore_mem>>) src(%dma_wait3A_162 : memref<100000xf32, #tpu.memory_space<vmem_shared>>) dst(%arg21 : memref<16384xf32, #tpu.memory_space<vmem>>)
      "tpu.region"() ({
        %run_scoped3A = tpu.sem_alloc : memref<!tpu.dma_semaphore, #tpu.memory_space<semaphore_mem>>
        %dma_start3A_163 = arith.constant 0 : i32
        %dma_start3A_164 = tpu.memref_slice %arg4[%add3A_160, %dma_start3A_163] : memref<64x16384xf32, #tpu.memory_space<hbm>> -> memref<1x16384xf32, #tpu.memory_space<hbm>>
        %dma_start3A_165 = tpu.memref_squeeze %dma_start3A_164 : memref<1x16384xf32, #tpu.memory_space<hbm>> -> memref<16384xf32, #tpu.memory_space<hbm>>
        %dma_start3A_166 = arith.constant 0 : i32
        %dma_start3A_167 = tpu.memref_slice %arg4[%add3A_160, %dma_start3A_166] : memref<64x16384xf32, #tpu.memory_space<hbm>> -> memref<1x16384xf32, #tpu.memory_space<hbm>>
        %dma_start3A_168 = tpu.memref_squeeze %dma_start3A_167 : memref<1x16384xf32, #tpu.memory_space<hbm>> -> memref<16384xf32, #tpu.memory_space<hbm>>
        tpu.enqueue_dma source(%arg21 : memref<16384xf32, #tpu.memory_space<vmem>>) target(%dma_start3A_168 : memref<16384xf32, #tpu.memory_space<hbm>>) target_semaphore(%run_scoped3A : memref<!tpu.dma_semaphore, #tpu.memory_space<semaphore_mem>>)
        %dma_wait3A_169 = arith.constant 0 : i32
        %dma_wait3A_170 = tpu.memref_slice %arg4[%add3A_160, %dma_wait3A_169] : memref<64x16384xf32, #tpu.memory_space<hbm>> -> memref<1x16384xf32, #tpu.memory_space<hbm>>
        %dma_wait3A_171 = tpu.memref_squeeze %dma_wait3A_170 : memref<1x16384xf32, #tpu.memory_space<hbm>> -> memref<16384xf32, #tpu.memory_space<hbm>>
        %dma_wait3A_172 = arith.constant 0 : i32
        %dma_wait3A_173 = tpu.memref_slice %arg4[%add3A_160, %dma_wait3A_172] : memref<64x16384xf32, #tpu.memory_space<hbm>> -> memref<1x16384xf32, #tpu.memory_space<hbm>>
        %dma_wait3A_174 = tpu.memref_squeeze %dma_wait3A_173 : memref<1x16384xf32, #tpu.memory_space<hbm>> -> memref<16384xf32, #tpu.memory_space<hbm>>
        tpu.wait_dma2 semaphore(%run_scoped3A : memref<!tpu.dma_semaphore, #tpu.memory_space<semaphore_mem>>) src(%arg21 : memref<16384xf32, #tpu.memory_space<vmem>>) dst(%dma_wait3A_174 : memref<16384xf32, #tpu.memory_space<hbm>>)
        tpu.yield
      }) : () -> ()
    } else {
    }
    %eq3A_97 = arith.constant 9 : i32
    %eq3A_98 = arith.cmpi eq, %arg1, %eq3A_97 : i32
    %convert_element_type3A_99 = arith.extui %eq3A_98 : i1 to i32
    %cond3A_100 = arith.constant 0 : i32
    %cond3A_101 = arith.cmpi ne, %convert_element_type3A_99, %cond3A_100 : i32
    scf.if %cond3A_101 {
      %mul3A = arith.constant 32 : i32
      %mul3A_157 = arith.muli %arg0, %mul3A : i32
      %add3A = arith.constant 11 : i32
      %add3A_158 = arith.addi %mul3A_157, %add3A : i32
      %add3A_159 = arith.constant 9 : i32
      %add3A_160 = arith.addi %add3A_158, %add3A_159 : i32
      "tpu.region"() ({
        %run_scoped3A = tpu.sem_alloc : memref<!tpu.dma_semaphore, #tpu.memory_space<semaphore_mem>>
        %dma_start3A_163 = arith.constant 0 : i32
        %dma_start3A_164 = tpu.memref_slice %arg2[%add3A_160, %dma_start3A_163] : memref<64x100000xf32, #tpu.memory_space<hbm>> -> memref<1x100000xf32, #tpu.memory_space<hbm>>
        %dma_start3A_165 = tpu.memref_squeeze %dma_start3A_164 : memref<1x100000xf32, #tpu.memory_space<hbm>> -> memref<100000xf32, #tpu.memory_space<hbm>>
        tpu.enqueue_dma source(%dma_start3A_165 : memref<100000xf32, #tpu.memory_space<hbm>>) target(%arg14 : memref<100000xf32, #tpu.memory_space<vmem_shared>>) target_semaphore(%run_scoped3A : memref<!tpu.dma_semaphore, #tpu.memory_space<semaphore_mem>>)
        %dma_wait3A_166 = arith.constant 0 : i32
        %dma_wait3A_167 = tpu.memref_slice %arg2[%add3A_160, %dma_wait3A_166] : memref<64x100000xf32, #tpu.memory_space<hbm>> -> memref<1x100000xf32, #tpu.memory_space<hbm>>
        %dma_wait3A_168 = tpu.memref_squeeze %dma_wait3A_167 : memref<1x100000xf32, #tpu.memory_space<hbm>> -> memref<100000xf32, #tpu.memory_space<hbm>>
        tpu.wait_dma2 semaphore(%run_scoped3A : memref<!tpu.dma_semaphore, #tpu.memory_space<semaphore_mem>>) src(%dma_wait3A_168 : memref<100000xf32, #tpu.memory_space<hbm>>) dst(%arg14 : memref<100000xf32, #tpu.memory_space<vmem_shared>>)
        tpu.yield
      }) : () -> ()
      %dma_start3A = arith.constant 0 : i32
      %dma_start3A_161 = tpu.memref_slice %arg14[%dma_start3A] : memref<100000xf32, #tpu.memory_space<vmem_shared>> -> memref<100000xf32, #tpu.memory_space<vmem_shared>>
      tpu.enqueue_indirect_dma source(%dma_start3A_161 : memref<100000xf32, #tpu.memory_space<vmem_shared>>) target(%arg21 : memref<16384xf32, #tpu.memory_space<vmem>>) offsets(%arg20 : memref<16384xi32, #tpu.memory_space<vmem>>) semaphore(%arg22 : memref<!tpu.dma_semaphore, #tpu.memory_space<semaphore_mem>>)
      %dma_wait3A = arith.constant 0 : i32
      %dma_wait3A_162 = tpu.memref_slice %arg14[%dma_wait3A] : memref<100000xf32, #tpu.memory_space<vmem_shared>> -> memref<100000xf32, #tpu.memory_space<vmem_shared>>
      tpu.wait_indirect_dma semaphore(%arg22 : memref<!tpu.dma_semaphore, #tpu.memory_space<semaphore_mem>>) src(%dma_wait3A_162 : memref<100000xf32, #tpu.memory_space<vmem_shared>>) dst(%arg21 : memref<16384xf32, #tpu.memory_space<vmem>>)
      "tpu.region"() ({
        %run_scoped3A = tpu.sem_alloc : memref<!tpu.dma_semaphore, #tpu.memory_space<semaphore_mem>>
        %dma_start3A_163 = arith.constant 0 : i32
        %dma_start3A_164 = tpu.memref_slice %arg4[%add3A_160, %dma_start3A_163] : memref<64x16384xf32, #tpu.memory_space<hbm>> -> memref<1x16384xf32, #tpu.memory_space<hbm>>
        %dma_start3A_165 = tpu.memref_squeeze %dma_start3A_164 : memref<1x16384xf32, #tpu.memory_space<hbm>> -> memref<16384xf32, #tpu.memory_space<hbm>>
        %dma_start3A_166 = arith.constant 0 : i32
        %dma_start3A_167 = tpu.memref_slice %arg4[%add3A_160, %dma_start3A_166] : memref<64x16384xf32, #tpu.memory_space<hbm>> -> memref<1x16384xf32, #tpu.memory_space<hbm>>
        %dma_start3A_168 = tpu.memref_squeeze %dma_start3A_167 : memref<1x16384xf32, #tpu.memory_space<hbm>> -> memref<16384xf32, #tpu.memory_space<hbm>>
        tpu.enqueue_dma source(%arg21 : memref<16384xf32, #tpu.memory_space<vmem>>) target(%dma_start3A_168 : memref<16384xf32, #tpu.memory_space<hbm>>) target_semaphore(%run_scoped3A : memref<!tpu.dma_semaphore, #tpu.memory_space<semaphore_mem>>)
        %dma_wait3A_169 = arith.constant 0 : i32
        %dma_wait3A_170 = tpu.memref_slice %arg4[%add3A_160, %dma_wait3A_169] : memref<64x16384xf32, #tpu.memory_space<hbm>> -> memref<1x16384xf32, #tpu.memory_space<hbm>>
        %dma_wait3A_171 = tpu.memref_squeeze %dma_wait3A_170 : memref<1x16384xf32, #tpu.memory_space<hbm>> -> memref<16384xf32, #tpu.memory_space<hbm>>
        %dma_wait3A_172 = arith.constant 0 : i32
        %dma_wait3A_173 = tpu.memref_slice %arg4[%add3A_160, %dma_wait3A_172] : memref<64x16384xf32, #tpu.memory_space<hbm>> -> memref<1x16384xf32, #tpu.memory_space<hbm>>
        %dma_wait3A_174 = tpu.memref_squeeze %dma_wait3A_173 : memref<1x16384xf32, #tpu.memory_space<hbm>> -> memref<16384xf32, #tpu.memory_space<hbm>>
        tpu.wait_dma2 semaphore(%run_scoped3A : memref<!tpu.dma_semaphore, #tpu.memory_space<semaphore_mem>>) src(%arg21 : memref<16384xf32, #tpu.memory_space<vmem>>) dst(%dma_wait3A_174 : memref<16384xf32, #tpu.memory_space<hbm>>)
        tpu.yield
      }) : () -> ()
    } else {
    }
    %eq3A_102 = arith.constant 10 : i32
    %eq3A_103 = arith.cmpi eq, %arg1, %eq3A_102 : i32
    %convert_element_type3A_104 = arith.extui %eq3A_103 : i1 to i32
    %cond3A_105 = arith.constant 0 : i32
    %cond3A_106 = arith.cmpi ne, %convert_element_type3A_104, %cond3A_105 : i32
    scf.if %cond3A_106 {
      %mul3A = arith.constant 32 : i32
      %mul3A_157 = arith.muli %arg0, %mul3A : i32
      %add3A = arith.constant 11 : i32
      %add3A_158 = arith.addi %mul3A_157, %add3A : i32
      %add3A_159 = arith.constant 10 : i32
      %add3A_160 = arith.addi %add3A_158, %add3A_159 : i32
      "tpu.region"() ({
        %run_scoped3A = tpu.sem_alloc : memref<!tpu.dma_semaphore, #tpu.memory_space<semaphore_mem>>
        %dma_start3A_163 = arith.constant 0 : i32
        %dma_start3A_164 = tpu.memref_slice %arg2[%add3A_160, %dma_start3A_163] : memref<64x100000xf32, #tpu.memory_space<hbm>> -> memref<1x100000xf32, #tpu.memory_space<hbm>>
        %dma_start3A_165 = tpu.memref_squeeze %dma_start3A_164 : memref<1x100000xf32, #tpu.memory_space<hbm>> -> memref<100000xf32, #tpu.memory_space<hbm>>
        tpu.enqueue_dma source(%dma_start3A_165 : memref<100000xf32, #tpu.memory_space<hbm>>) target(%arg15 : memref<100000xf32, #tpu.memory_space<vmem_shared>>) target_semaphore(%run_scoped3A : memref<!tpu.dma_semaphore, #tpu.memory_space<semaphore_mem>>)
        %dma_wait3A_166 = arith.constant 0 : i32
        %dma_wait3A_167 = tpu.memref_slice %arg2[%add3A_160, %dma_wait3A_166] : memref<64x100000xf32, #tpu.memory_space<hbm>> -> memref<1x100000xf32, #tpu.memory_space<hbm>>
        %dma_wait3A_168 = tpu.memref_squeeze %dma_wait3A_167 : memref<1x100000xf32, #tpu.memory_space<hbm>> -> memref<100000xf32, #tpu.memory_space<hbm>>
        tpu.wait_dma2 semaphore(%run_scoped3A : memref<!tpu.dma_semaphore, #tpu.memory_space<semaphore_mem>>) src(%dma_wait3A_168 : memref<100000xf32, #tpu.memory_space<hbm>>) dst(%arg15 : memref<100000xf32, #tpu.memory_space<vmem_shared>>)
        tpu.yield
      }) : () -> ()
      %dma_start3A = arith.constant 0 : i32
      %dma_start3A_161 = tpu.memref_slice %arg15[%dma_start3A] : memref<100000xf32, #tpu.memory_space<vmem_shared>> -> memref<100000xf32, #tpu.memory_space<vmem_shared>>
      tpu.enqueue_indirect_dma source(%dma_start3A_161 : memref<100000xf32, #tpu.memory_space<vmem_shared>>) target(%arg21 : memref<16384xf32, #tpu.memory_space<vmem>>) offsets(%arg20 : memref<16384xi32, #tpu.memory_space<vmem>>) semaphore(%arg22 : memref<!tpu.dma_semaphore, #tpu.memory_space<semaphore_mem>>)
      %dma_wait3A = arith.constant 0 : i32
      %dma_wait3A_162 = tpu.memref_slice %arg15[%dma_wait3A] : memref<100000xf32, #tpu.memory_space<vmem_shared>> -> memref<100000xf32, #tpu.memory_space<vmem_shared>>
      tpu.wait_indirect_dma semaphore(%arg22 : memref<!tpu.dma_semaphore, #tpu.memory_space<semaphore_mem>>) src(%dma_wait3A_162 : memref<100000xf32, #tpu.memory_space<vmem_shared>>) dst(%arg21 : memref<16384xf32, #tpu.memory_space<vmem>>)
      "tpu.region"() ({
        %run_scoped3A = tpu.sem_alloc : memref<!tpu.dma_semaphore, #tpu.memory_space<semaphore_mem>>
        %dma_start3A_163 = arith.constant 0 : i32
        %dma_start3A_164 = tpu.memref_slice %arg4[%add3A_160, %dma_start3A_163] : memref<64x16384xf32, #tpu.memory_space<hbm>> -> memref<1x16384xf32, #tpu.memory_space<hbm>>
        %dma_start3A_165 = tpu.memref_squeeze %dma_start3A_164 : memref<1x16384xf32, #tpu.memory_space<hbm>> -> memref<16384xf32, #tpu.memory_space<hbm>>
        %dma_start3A_166 = arith.constant 0 : i32
        %dma_start3A_167 = tpu.memref_slice %arg4[%add3A_160, %dma_start3A_166] : memref<64x16384xf32, #tpu.memory_space<hbm>> -> memref<1x16384xf32, #tpu.memory_space<hbm>>
        %dma_start3A_168 = tpu.memref_squeeze %dma_start3A_167 : memref<1x16384xf32, #tpu.memory_space<hbm>> -> memref<16384xf32, #tpu.memory_space<hbm>>
        tpu.enqueue_dma source(%arg21 : memref<16384xf32, #tpu.memory_space<vmem>>) target(%dma_start3A_168 : memref<16384xf32, #tpu.memory_space<hbm>>) target_semaphore(%run_scoped3A : memref<!tpu.dma_semaphore, #tpu.memory_space<semaphore_mem>>)
        %dma_wait3A_169 = arith.constant 0 : i32
        %dma_wait3A_170 = tpu.memref_slice %arg4[%add3A_160, %dma_wait3A_169] : memref<64x16384xf32, #tpu.memory_space<hbm>> -> memref<1x16384xf32, #tpu.memory_space<hbm>>
        %dma_wait3A_171 = tpu.memref_squeeze %dma_wait3A_170 : memref<1x16384xf32, #tpu.memory_space<hbm>> -> memref<16384xf32, #tpu.memory_space<hbm>>
        %dma_wait3A_172 = arith.constant 0 : i32
        %dma_wait3A_173 = tpu.memref_slice %arg4[%add3A_160, %dma_wait3A_172] : memref<64x16384xf32, #tpu.memory_space<hbm>> -> memref<1x16384xf32, #tpu.memory_space<hbm>>
        %dma_wait3A_174 = tpu.memref_squeeze %dma_wait3A_173 : memref<1x16384xf32, #tpu.memory_space<hbm>> -> memref<16384xf32, #tpu.memory_space<hbm>>
        tpu.wait_dma2 semaphore(%run_scoped3A : memref<!tpu.dma_semaphore, #tpu.memory_space<semaphore_mem>>) src(%arg21 : memref<16384xf32, #tpu.memory_space<vmem>>) dst(%dma_wait3A_174 : memref<16384xf32, #tpu.memory_space<hbm>>)
        tpu.yield
      }) : () -> ()
    } else {
    }
    %eq3A_107 = arith.constant 0 : i32
    %eq3A_108 = arith.cmpi eq, %arg1, %eq3A_107 : i32
    %convert_element_type3A_109 = arith.extui %eq3A_108 : i1 to i32
    %cond3A_110 = arith.constant 0 : i32
    %cond3A_111 = arith.cmpi ne, %convert_element_type3A_109, %cond3A_110 : i32
    scf.if %cond3A_111 {
      %mul3A = arith.constant 32 : i32
      %mul3A_157 = arith.muli %arg0, %mul3A : i32
      %add3A = arith.constant 22 : i32
      %add3A_158 = arith.addi %mul3A_157, %add3A : i32
      %add3A_159 = arith.constant 0 : i32
      %add3A_160 = arith.addi %add3A_158, %add3A_159 : i32
      "tpu.region"() ({
        %run_scoped3A = tpu.sem_alloc : memref<!tpu.dma_semaphore, #tpu.memory_space<semaphore_mem>>
        %dma_start3A_163 = arith.constant 0 : i32
        %dma_start3A_164 = tpu.memref_slice %arg2[%add3A_160, %dma_start3A_163] : memref<64x100000xf32, #tpu.memory_space<hbm>> -> memref<1x100000xf32, #tpu.memory_space<hbm>>
        %dma_start3A_165 = tpu.memref_squeeze %dma_start3A_164 : memref<1x100000xf32, #tpu.memory_space<hbm>> -> memref<100000xf32, #tpu.memory_space<hbm>>
        tpu.enqueue_dma source(%dma_start3A_165 : memref<100000xf32, #tpu.memory_space<hbm>>) target(%arg5 : memref<100000xf32, #tpu.memory_space<vmem_shared>>) target_semaphore(%run_scoped3A : memref<!tpu.dma_semaphore, #tpu.memory_space<semaphore_mem>>)
        %dma_wait3A_166 = arith.constant 0 : i32
        %dma_wait3A_167 = tpu.memref_slice %arg2[%add3A_160, %dma_wait3A_166] : memref<64x100000xf32, #tpu.memory_space<hbm>> -> memref<1x100000xf32, #tpu.memory_space<hbm>>
        %dma_wait3A_168 = tpu.memref_squeeze %dma_wait3A_167 : memref<1x100000xf32, #tpu.memory_space<hbm>> -> memref<100000xf32, #tpu.memory_space<hbm>>
        tpu.wait_dma2 semaphore(%run_scoped3A : memref<!tpu.dma_semaphore, #tpu.memory_space<semaphore_mem>>) src(%dma_wait3A_168 : memref<100000xf32, #tpu.memory_space<hbm>>) dst(%arg5 : memref<100000xf32, #tpu.memory_space<vmem_shared>>)
        tpu.yield
      }) : () -> ()
      %dma_start3A = arith.constant 0 : i32
      %dma_start3A_161 = tpu.memref_slice %arg5[%dma_start3A] : memref<100000xf32, #tpu.memory_space<vmem_shared>> -> memref<100000xf32, #tpu.memory_space<vmem_shared>>
      tpu.enqueue_indirect_dma source(%dma_start3A_161 : memref<100000xf32, #tpu.memory_space<vmem_shared>>) target(%arg21 : memref<16384xf32, #tpu.memory_space<vmem>>) offsets(%arg20 : memref<16384xi32, #tpu.memory_space<vmem>>) semaphore(%arg22 : memref<!tpu.dma_semaphore, #tpu.memory_space<semaphore_mem>>)
      %dma_wait3A = arith.constant 0 : i32
      %dma_wait3A_162 = tpu.memref_slice %arg5[%dma_wait3A] : memref<100000xf32, #tpu.memory_space<vmem_shared>> -> memref<100000xf32, #tpu.memory_space<vmem_shared>>
      tpu.wait_indirect_dma semaphore(%arg22 : memref<!tpu.dma_semaphore, #tpu.memory_space<semaphore_mem>>) src(%dma_wait3A_162 : memref<100000xf32, #tpu.memory_space<vmem_shared>>) dst(%arg21 : memref<16384xf32, #tpu.memory_space<vmem>>)
      "tpu.region"() ({
        %run_scoped3A = tpu.sem_alloc : memref<!tpu.dma_semaphore, #tpu.memory_space<semaphore_mem>>
        %dma_start3A_163 = arith.constant 0 : i32
        %dma_start3A_164 = tpu.memref_slice %arg4[%add3A_160, %dma_start3A_163] : memref<64x16384xf32, #tpu.memory_space<hbm>> -> memref<1x16384xf32, #tpu.memory_space<hbm>>
        %dma_start3A_165 = tpu.memref_squeeze %dma_start3A_164 : memref<1x16384xf32, #tpu.memory_space<hbm>> -> memref<16384xf32, #tpu.memory_space<hbm>>
        %dma_start3A_166 = arith.constant 0 : i32
        %dma_start3A_167 = tpu.memref_slice %arg4[%add3A_160, %dma_start3A_166] : memref<64x16384xf32, #tpu.memory_space<hbm>> -> memref<1x16384xf32, #tpu.memory_space<hbm>>
        %dma_start3A_168 = tpu.memref_squeeze %dma_start3A_167 : memref<1x16384xf32, #tpu.memory_space<hbm>> -> memref<16384xf32, #tpu.memory_space<hbm>>
        tpu.enqueue_dma source(%arg21 : memref<16384xf32, #tpu.memory_space<vmem>>) target(%dma_start3A_168 : memref<16384xf32, #tpu.memory_space<hbm>>) target_semaphore(%run_scoped3A : memref<!tpu.dma_semaphore, #tpu.memory_space<semaphore_mem>>)
        %dma_wait3A_169 = arith.constant 0 : i32
        %dma_wait3A_170 = tpu.memref_slice %arg4[%add3A_160, %dma_wait3A_169] : memref<64x16384xf32, #tpu.memory_space<hbm>> -> memref<1x16384xf32, #tpu.memory_space<hbm>>
        %dma_wait3A_171 = tpu.memref_squeeze %dma_wait3A_170 : memref<1x16384xf32, #tpu.memory_space<hbm>> -> memref<16384xf32, #tpu.memory_space<hbm>>
        %dma_wait3A_172 = arith.constant 0 : i32
        %dma_wait3A_173 = tpu.memref_slice %arg4[%add3A_160, %dma_wait3A_172] : memref<64x16384xf32, #tpu.memory_space<hbm>> -> memref<1x16384xf32, #tpu.memory_space<hbm>>
        %dma_wait3A_174 = tpu.memref_squeeze %dma_wait3A_173 : memref<1x16384xf32, #tpu.memory_space<hbm>> -> memref<16384xf32, #tpu.memory_space<hbm>>
        tpu.wait_dma2 semaphore(%run_scoped3A : memref<!tpu.dma_semaphore, #tpu.memory_space<semaphore_mem>>) src(%arg21 : memref<16384xf32, #tpu.memory_space<vmem>>) dst(%dma_wait3A_174 : memref<16384xf32, #tpu.memory_space<hbm>>)
        tpu.yield
      }) : () -> ()
    } else {
    }
    %eq3A_112 = arith.constant 1 : i32
    %eq3A_113 = arith.cmpi eq, %arg1, %eq3A_112 : i32
    %convert_element_type3A_114 = arith.extui %eq3A_113 : i1 to i32
    %cond3A_115 = arith.constant 0 : i32
    %cond3A_116 = arith.cmpi ne, %convert_element_type3A_114, %cond3A_115 : i32
    scf.if %cond3A_116 {
      %mul3A = arith.constant 32 : i32
      %mul3A_157 = arith.muli %arg0, %mul3A : i32
      %add3A = arith.constant 22 : i32
      %add3A_158 = arith.addi %mul3A_157, %add3A : i32
      %add3A_159 = arith.constant 1 : i32
      %add3A_160 = arith.addi %add3A_158, %add3A_159 : i32
      "tpu.region"() ({
        %run_scoped3A = tpu.sem_alloc : memref<!tpu.dma_semaphore, #tpu.memory_space<semaphore_mem>>
        %dma_start3A_163 = arith.constant 0 : i32
        %dma_start3A_164 = tpu.memref_slice %arg2[%add3A_160, %dma_start3A_163] : memref<64x100000xf32, #tpu.memory_space<hbm>> -> memref<1x100000xf32, #tpu.memory_space<hbm>>
        %dma_start3A_165 = tpu.memref_squeeze %dma_start3A_164 : memref<1x100000xf32, #tpu.memory_space<hbm>> -> memref<100000xf32, #tpu.memory_space<hbm>>
        tpu.enqueue_dma source(%dma_start3A_165 : memref<100000xf32, #tpu.memory_space<hbm>>) target(%arg6 : memref<100000xf32, #tpu.memory_space<vmem_shared>>) target_semaphore(%run_scoped3A : memref<!tpu.dma_semaphore, #tpu.memory_space<semaphore_mem>>)
        %dma_wait3A_166 = arith.constant 0 : i32
        %dma_wait3A_167 = tpu.memref_slice %arg2[%add3A_160, %dma_wait3A_166] : memref<64x100000xf32, #tpu.memory_space<hbm>> -> memref<1x100000xf32, #tpu.memory_space<hbm>>
        %dma_wait3A_168 = tpu.memref_squeeze %dma_wait3A_167 : memref<1x100000xf32, #tpu.memory_space<hbm>> -> memref<100000xf32, #tpu.memory_space<hbm>>
        tpu.wait_dma2 semaphore(%run_scoped3A : memref<!tpu.dma_semaphore, #tpu.memory_space<semaphore_mem>>) src(%dma_wait3A_168 : memref<100000xf32, #tpu.memory_space<hbm>>) dst(%arg6 : memref<100000xf32, #tpu.memory_space<vmem_shared>>)
        tpu.yield
      }) : () -> ()
      %dma_start3A = arith.constant 0 : i32
      %dma_start3A_161 = tpu.memref_slice %arg6[%dma_start3A] : memref<100000xf32, #tpu.memory_space<vmem_shared>> -> memref<100000xf32, #tpu.memory_space<vmem_shared>>
      tpu.enqueue_indirect_dma source(%dma_start3A_161 : memref<100000xf32, #tpu.memory_space<vmem_shared>>) target(%arg21 : memref<16384xf32, #tpu.memory_space<vmem>>) offsets(%arg20 : memref<16384xi32, #tpu.memory_space<vmem>>) semaphore(%arg22 : memref<!tpu.dma_semaphore, #tpu.memory_space<semaphore_mem>>)
      %dma_wait3A = arith.constant 0 : i32
      %dma_wait3A_162 = tpu.memref_slice %arg6[%dma_wait3A] : memref<100000xf32, #tpu.memory_space<vmem_shared>> -> memref<100000xf32, #tpu.memory_space<vmem_shared>>
      tpu.wait_indirect_dma semaphore(%arg22 : memref<!tpu.dma_semaphore, #tpu.memory_space<semaphore_mem>>) src(%dma_wait3A_162 : memref<100000xf32, #tpu.memory_space<vmem_shared>>) dst(%arg21 : memref<16384xf32, #tpu.memory_space<vmem>>)
      "tpu.region"() ({
        %run_scoped3A = tpu.sem_alloc : memref<!tpu.dma_semaphore, #tpu.memory_space<semaphore_mem>>
        %dma_start3A_163 = arith.constant 0 : i32
        %dma_start3A_164 = tpu.memref_slice %arg4[%add3A_160, %dma_start3A_163] : memref<64x16384xf32, #tpu.memory_space<hbm>> -> memref<1x16384xf32, #tpu.memory_space<hbm>>
        %dma_start3A_165 = tpu.memref_squeeze %dma_start3A_164 : memref<1x16384xf32, #tpu.memory_space<hbm>> -> memref<16384xf32, #tpu.memory_space<hbm>>
        %dma_start3A_166 = arith.constant 0 : i32
        %dma_start3A_167 = tpu.memref_slice %arg4[%add3A_160, %dma_start3A_166] : memref<64x16384xf32, #tpu.memory_space<hbm>> -> memref<1x16384xf32, #tpu.memory_space<hbm>>
        %dma_start3A_168 = tpu.memref_squeeze %dma_start3A_167 : memref<1x16384xf32, #tpu.memory_space<hbm>> -> memref<16384xf32, #tpu.memory_space<hbm>>
        tpu.enqueue_dma source(%arg21 : memref<16384xf32, #tpu.memory_space<vmem>>) target(%dma_start3A_168 : memref<16384xf32, #tpu.memory_space<hbm>>) target_semaphore(%run_scoped3A : memref<!tpu.dma_semaphore, #tpu.memory_space<semaphore_mem>>)
        %dma_wait3A_169 = arith.constant 0 : i32
        %dma_wait3A_170 = tpu.memref_slice %arg4[%add3A_160, %dma_wait3A_169] : memref<64x16384xf32, #tpu.memory_space<hbm>> -> memref<1x16384xf32, #tpu.memory_space<hbm>>
        %dma_wait3A_171 = tpu.memref_squeeze %dma_wait3A_170 : memref<1x16384xf32, #tpu.memory_space<hbm>> -> memref<16384xf32, #tpu.memory_space<hbm>>
        %dma_wait3A_172 = arith.constant 0 : i32
        %dma_wait3A_173 = tpu.memref_slice %arg4[%add3A_160, %dma_wait3A_172] : memref<64x16384xf32, #tpu.memory_space<hbm>> -> memref<1x16384xf32, #tpu.memory_space<hbm>>
        %dma_wait3A_174 = tpu.memref_squeeze %dma_wait3A_173 : memref<1x16384xf32, #tpu.memory_space<hbm>> -> memref<16384xf32, #tpu.memory_space<hbm>>
        tpu.wait_dma2 semaphore(%run_scoped3A : memref<!tpu.dma_semaphore, #tpu.memory_space<semaphore_mem>>) src(%arg21 : memref<16384xf32, #tpu.memory_space<vmem>>) dst(%dma_wait3A_174 : memref<16384xf32, #tpu.memory_space<hbm>>)
        tpu.yield
      }) : () -> ()
    } else {
    }
    %eq3A_117 = arith.constant 2 : i32
    %eq3A_118 = arith.cmpi eq, %arg1, %eq3A_117 : i32
    %convert_element_type3A_119 = arith.extui %eq3A_118 : i1 to i32
    %cond3A_120 = arith.constant 0 : i32
    %cond3A_121 = arith.cmpi ne, %convert_element_type3A_119, %cond3A_120 : i32
    scf.if %cond3A_121 {
      %mul3A = arith.constant 32 : i32
      %mul3A_157 = arith.muli %arg0, %mul3A : i32
      %add3A = arith.constant 22 : i32
      %add3A_158 = arith.addi %mul3A_157, %add3A : i32
      %add3A_159 = arith.constant 2 : i32
      %add3A_160 = arith.addi %add3A_158, %add3A_159 : i32
      "tpu.region"() ({
        %run_scoped3A = tpu.sem_alloc : memref<!tpu.dma_semaphore, #tpu.memory_space<semaphore_mem>>
        %dma_start3A_163 = arith.constant 0 : i32
        %dma_start3A_164 = tpu.memref_slice %arg2[%add3A_160, %dma_start3A_163] : memref<64x100000xf32, #tpu.memory_space<hbm>> -> memref<1x100000xf32, #tpu.memory_space<hbm>>
        %dma_start3A_165 = tpu.memref_squeeze %dma_start3A_164 : memref<1x100000xf32, #tpu.memory_space<hbm>> -> memref<100000xf32, #tpu.memory_space<hbm>>
        tpu.enqueue_dma source(%dma_start3A_165 : memref<100000xf32, #tpu.memory_space<hbm>>) target(%arg7 : memref<100000xf32, #tpu.memory_space<vmem_shared>>) target_semaphore(%run_scoped3A : memref<!tpu.dma_semaphore, #tpu.memory_space<semaphore_mem>>)
        %dma_wait3A_166 = arith.constant 0 : i32
        %dma_wait3A_167 = tpu.memref_slice %arg2[%add3A_160, %dma_wait3A_166] : memref<64x100000xf32, #tpu.memory_space<hbm>> -> memref<1x100000xf32, #tpu.memory_space<hbm>>
        %dma_wait3A_168 = tpu.memref_squeeze %dma_wait3A_167 : memref<1x100000xf32, #tpu.memory_space<hbm>> -> memref<100000xf32, #tpu.memory_space<hbm>>
        tpu.wait_dma2 semaphore(%run_scoped3A : memref<!tpu.dma_semaphore, #tpu.memory_space<semaphore_mem>>) src(%dma_wait3A_168 : memref<100000xf32, #tpu.memory_space<hbm>>) dst(%arg7 : memref<100000xf32, #tpu.memory_space<vmem_shared>>)
        tpu.yield
      }) : () -> ()
      %dma_start3A = arith.constant 0 : i32
      %dma_start3A_161 = tpu.memref_slice %arg7[%dma_start3A] : memref<100000xf32, #tpu.memory_space<vmem_shared>> -> memref<100000xf32, #tpu.memory_space<vmem_shared>>
      tpu.enqueue_indirect_dma source(%dma_start3A_161 : memref<100000xf32, #tpu.memory_space<vmem_shared>>) target(%arg21 : memref<16384xf32, #tpu.memory_space<vmem>>) offsets(%arg20 : memref<16384xi32, #tpu.memory_space<vmem>>) semaphore(%arg22 : memref<!tpu.dma_semaphore, #tpu.memory_space<semaphore_mem>>)
      %dma_wait3A = arith.constant 0 : i32
      %dma_wait3A_162 = tpu.memref_slice %arg7[%dma_wait3A] : memref<100000xf32, #tpu.memory_space<vmem_shared>> -> memref<100000xf32, #tpu.memory_space<vmem_shared>>
      tpu.wait_indirect_dma semaphore(%arg22 : memref<!tpu.dma_semaphore, #tpu.memory_space<semaphore_mem>>) src(%dma_wait3A_162 : memref<100000xf32, #tpu.memory_space<vmem_shared>>) dst(%arg21 : memref<16384xf32, #tpu.memory_space<vmem>>)
      "tpu.region"() ({
        %run_scoped3A = tpu.sem_alloc : memref<!tpu.dma_semaphore, #tpu.memory_space<semaphore_mem>>
        %dma_start3A_163 = arith.constant 0 : i32
        %dma_start3A_164 = tpu.memref_slice %arg4[%add3A_160, %dma_start3A_163] : memref<64x16384xf32, #tpu.memory_space<hbm>> -> memref<1x16384xf32, #tpu.memory_space<hbm>>
        %dma_start3A_165 = tpu.memref_squeeze %dma_start3A_164 : memref<1x16384xf32, #tpu.memory_space<hbm>> -> memref<16384xf32, #tpu.memory_space<hbm>>
        %dma_start3A_166 = arith.constant 0 : i32
        %dma_start3A_167 = tpu.memref_slice %arg4[%add3A_160, %dma_start3A_166] : memref<64x16384xf32, #tpu.memory_space<hbm>> -> memref<1x16384xf32, #tpu.memory_space<hbm>>
        %dma_start3A_168 = tpu.memref_squeeze %dma_start3A_167 : memref<1x16384xf32, #tpu.memory_space<hbm>> -> memref<16384xf32, #tpu.memory_space<hbm>>
        tpu.enqueue_dma source(%arg21 : memref<16384xf32, #tpu.memory_space<vmem>>) target(%dma_start3A_168 : memref<16384xf32, #tpu.memory_space<hbm>>) target_semaphore(%run_scoped3A : memref<!tpu.dma_semaphore, #tpu.memory_space<semaphore_mem>>)
        %dma_wait3A_169 = arith.constant 0 : i32
        %dma_wait3A_170 = tpu.memref_slice %arg4[%add3A_160, %dma_wait3A_169] : memref<64x16384xf32, #tpu.memory_space<hbm>> -> memref<1x16384xf32, #tpu.memory_space<hbm>>
        %dma_wait3A_171 = tpu.memref_squeeze %dma_wait3A_170 : memref<1x16384xf32, #tpu.memory_space<hbm>> -> memref<16384xf32, #tpu.memory_space<hbm>>
        %dma_wait3A_172 = arith.constant 0 : i32
        %dma_wait3A_173 = tpu.memref_slice %arg4[%add3A_160, %dma_wait3A_172] : memref<64x16384xf32, #tpu.memory_space<hbm>> -> memref<1x16384xf32, #tpu.memory_space<hbm>>
        %dma_wait3A_174 = tpu.memref_squeeze %dma_wait3A_173 : memref<1x16384xf32, #tpu.memory_space<hbm>> -> memref<16384xf32, #tpu.memory_space<hbm>>
        tpu.wait_dma2 semaphore(%run_scoped3A : memref<!tpu.dma_semaphore, #tpu.memory_space<semaphore_mem>>) src(%arg21 : memref<16384xf32, #tpu.memory_space<vmem>>) dst(%dma_wait3A_174 : memref<16384xf32, #tpu.memory_space<hbm>>)
        tpu.yield
      }) : () -> ()
    } else {
    }
    %eq3A_122 = arith.constant 3 : i32
    %eq3A_123 = arith.cmpi eq, %arg1, %eq3A_122 : i32
    %convert_element_type3A_124 = arith.extui %eq3A_123 : i1 to i32
    %cond3A_125 = arith.constant 0 : i32
    %cond3A_126 = arith.cmpi ne, %convert_element_type3A_124, %cond3A_125 : i32
    scf.if %cond3A_126 {
      %mul3A = arith.constant 32 : i32
      %mul3A_157 = arith.muli %arg0, %mul3A : i32
      %add3A = arith.constant 22 : i32
      %add3A_158 = arith.addi %mul3A_157, %add3A : i32
      %add3A_159 = arith.constant 3 : i32
      %add3A_160 = arith.addi %add3A_158, %add3A_159 : i32
      "tpu.region"() ({
        %run_scoped3A = tpu.sem_alloc : memref<!tpu.dma_semaphore, #tpu.memory_space<semaphore_mem>>
        %dma_start3A_163 = arith.constant 0 : i32
        %dma_start3A_164 = tpu.memref_slice %arg2[%add3A_160, %dma_start3A_163] : memref<64x100000xf32, #tpu.memory_space<hbm>> -> memref<1x100000xf32, #tpu.memory_space<hbm>>
        %dma_start3A_165 = tpu.memref_squeeze %dma_start3A_164 : memref<1x100000xf32, #tpu.memory_space<hbm>> -> memref<100000xf32, #tpu.memory_space<hbm>>
        tpu.enqueue_dma source(%dma_start3A_165 : memref<100000xf32, #tpu.memory_space<hbm>>) target(%arg8 : memref<100000xf32, #tpu.memory_space<vmem_shared>>) target_semaphore(%run_scoped3A : memref<!tpu.dma_semaphore, #tpu.memory_space<semaphore_mem>>)
        %dma_wait3A_166 = arith.constant 0 : i32
        %dma_wait3A_167 = tpu.memref_slice %arg2[%add3A_160, %dma_wait3A_166] : memref<64x100000xf32, #tpu.memory_space<hbm>> -> memref<1x100000xf32, #tpu.memory_space<hbm>>
        %dma_wait3A_168 = tpu.memref_squeeze %dma_wait3A_167 : memref<1x100000xf32, #tpu.memory_space<hbm>> -> memref<100000xf32, #tpu.memory_space<hbm>>
        tpu.wait_dma2 semaphore(%run_scoped3A : memref<!tpu.dma_semaphore, #tpu.memory_space<semaphore_mem>>) src(%dma_wait3A_168 : memref<100000xf32, #tpu.memory_space<hbm>>) dst(%arg8 : memref<100000xf32, #tpu.memory_space<vmem_shared>>)
        tpu.yield
      }) : () -> ()
      %dma_start3A = arith.constant 0 : i32
      %dma_start3A_161 = tpu.memref_slice %arg8[%dma_start3A] : memref<100000xf32, #tpu.memory_space<vmem_shared>> -> memref<100000xf32, #tpu.memory_space<vmem_shared>>
      tpu.enqueue_indirect_dma source(%dma_start3A_161 : memref<100000xf32, #tpu.memory_space<vmem_shared>>) target(%arg21 : memref<16384xf32, #tpu.memory_space<vmem>>) offsets(%arg20 : memref<16384xi32, #tpu.memory_space<vmem>>) semaphore(%arg22 : memref<!tpu.dma_semaphore, #tpu.memory_space<semaphore_mem>>)
      %dma_wait3A = arith.constant 0 : i32
      %dma_wait3A_162 = tpu.memref_slice %arg8[%dma_wait3A] : memref<100000xf32, #tpu.memory_space<vmem_shared>> -> memref<100000xf32, #tpu.memory_space<vmem_shared>>
      tpu.wait_indirect_dma semaphore(%arg22 : memref<!tpu.dma_semaphore, #tpu.memory_space<semaphore_mem>>) src(%dma_wait3A_162 : memref<100000xf32, #tpu.memory_space<vmem_shared>>) dst(%arg21 : memref<16384xf32, #tpu.memory_space<vmem>>)
      "tpu.region"() ({
        %run_scoped3A = tpu.sem_alloc : memref<!tpu.dma_semaphore, #tpu.memory_space<semaphore_mem>>
        %dma_start3A_163 = arith.constant 0 : i32
        %dma_start3A_164 = tpu.memref_slice %arg4[%add3A_160, %dma_start3A_163] : memref<64x16384xf32, #tpu.memory_space<hbm>> -> memref<1x16384xf32, #tpu.memory_space<hbm>>
        %dma_start3A_165 = tpu.memref_squeeze %dma_start3A_164 : memref<1x16384xf32, #tpu.memory_space<hbm>> -> memref<16384xf32, #tpu.memory_space<hbm>>
        %dma_start3A_166 = arith.constant 0 : i32
        %dma_start3A_167 = tpu.memref_slice %arg4[%add3A_160, %dma_start3A_166] : memref<64x16384xf32, #tpu.memory_space<hbm>> -> memref<1x16384xf32, #tpu.memory_space<hbm>>
        %dma_start3A_168 = tpu.memref_squeeze %dma_start3A_167 : memref<1x16384xf32, #tpu.memory_space<hbm>> -> memref<16384xf32, #tpu.memory_space<hbm>>
        tpu.enqueue_dma source(%arg21 : memref<16384xf32, #tpu.memory_space<vmem>>) target(%dma_start3A_168 : memref<16384xf32, #tpu.memory_space<hbm>>) target_semaphore(%run_scoped3A : memref<!tpu.dma_semaphore, #tpu.memory_space<semaphore_mem>>)
        %dma_wait3A_169 = arith.constant 0 : i32
        %dma_wait3A_170 = tpu.memref_slice %arg4[%add3A_160, %dma_wait3A_169] : memref<64x16384xf32, #tpu.memory_space<hbm>> -> memref<1x16384xf32, #tpu.memory_space<hbm>>
        %dma_wait3A_171 = tpu.memref_squeeze %dma_wait3A_170 : memref<1x16384xf32, #tpu.memory_space<hbm>> -> memref<16384xf32, #tpu.memory_space<hbm>>
        %dma_wait3A_172 = arith.constant 0 : i32
        %dma_wait3A_173 = tpu.memref_slice %arg4[%add3A_160, %dma_wait3A_172] : memref<64x16384xf32, #tpu.memory_space<hbm>> -> memref<1x16384xf32, #tpu.memory_space<hbm>>
        %dma_wait3A_174 = tpu.memref_squeeze %dma_wait3A_173 : memref<1x16384xf32, #tpu.memory_space<hbm>> -> memref<16384xf32, #tpu.memory_space<hbm>>
        tpu.wait_dma2 semaphore(%run_scoped3A : memref<!tpu.dma_semaphore, #tpu.memory_space<semaphore_mem>>) src(%arg21 : memref<16384xf32, #tpu.memory_space<vmem>>) dst(%dma_wait3A_174 : memref<16384xf32, #tpu.memory_space<hbm>>)
        tpu.yield
      }) : () -> ()
    } else {
    }
    %eq3A_127 = arith.constant 4 : i32
    %eq3A_128 = arith.cmpi eq, %arg1, %eq3A_127 : i32
    %convert_element_type3A_129 = arith.extui %eq3A_128 : i1 to i32
    %cond3A_130 = arith.constant 0 : i32
    %cond3A_131 = arith.cmpi ne, %convert_element_type3A_129, %cond3A_130 : i32
    scf.if %cond3A_131 {
      %mul3A = arith.constant 32 : i32
      %mul3A_157 = arith.muli %arg0, %mul3A : i32
      %add3A = arith.constant 22 : i32
      %add3A_158 = arith.addi %mul3A_157, %add3A : i32
      %add3A_159 = arith.constant 4 : i32
      %add3A_160 = arith.addi %add3A_158, %add3A_159 : i32
      "tpu.region"() ({
        %run_scoped3A = tpu.sem_alloc : memref<!tpu.dma_semaphore, #tpu.memory_space<semaphore_mem>>
        %dma_start3A_163 = arith.constant 0 : i32
        %dma_start3A_164 = tpu.memref_slice %arg2[%add3A_160, %dma_start3A_163] : memref<64x100000xf32, #tpu.memory_space<hbm>> -> memref<1x100000xf32, #tpu.memory_space<hbm>>
        %dma_start3A_165 = tpu.memref_squeeze %dma_start3A_164 : memref<1x100000xf32, #tpu.memory_space<hbm>> -> memref<100000xf32, #tpu.memory_space<hbm>>
        tpu.enqueue_dma source(%dma_start3A_165 : memref<100000xf32, #tpu.memory_space<hbm>>) target(%arg9 : memref<100000xf32, #tpu.memory_space<vmem_shared>>) target_semaphore(%run_scoped3A : memref<!tpu.dma_semaphore, #tpu.memory_space<semaphore_mem>>)
        %dma_wait3A_166 = arith.constant 0 : i32
        %dma_wait3A_167 = tpu.memref_slice %arg2[%add3A_160, %dma_wait3A_166] : memref<64x100000xf32, #tpu.memory_space<hbm>> -> memref<1x100000xf32, #tpu.memory_space<hbm>>
        %dma_wait3A_168 = tpu.memref_squeeze %dma_wait3A_167 : memref<1x100000xf32, #tpu.memory_space<hbm>> -> memref<100000xf32, #tpu.memory_space<hbm>>
        tpu.wait_dma2 semaphore(%run_scoped3A : memref<!tpu.dma_semaphore, #tpu.memory_space<semaphore_mem>>) src(%dma_wait3A_168 : memref<100000xf32, #tpu.memory_space<hbm>>) dst(%arg9 : memref<100000xf32, #tpu.memory_space<vmem_shared>>)
        tpu.yield
      }) : () -> ()
      %dma_start3A = arith.constant 0 : i32
      %dma_start3A_161 = tpu.memref_slice %arg9[%dma_start3A] : memref<100000xf32, #tpu.memory_space<vmem_shared>> -> memref<100000xf32, #tpu.memory_space<vmem_shared>>
      tpu.enqueue_indirect_dma source(%dma_start3A_161 : memref<100000xf32, #tpu.memory_space<vmem_shared>>) target(%arg21 : memref<16384xf32, #tpu.memory_space<vmem>>) offsets(%arg20 : memref<16384xi32, #tpu.memory_space<vmem>>) semaphore(%arg22 : memref<!tpu.dma_semaphore, #tpu.memory_space<semaphore_mem>>)
      %dma_wait3A = arith.constant 0 : i32
      %dma_wait3A_162 = tpu.memref_slice %arg9[%dma_wait3A] : memref<100000xf32, #tpu.memory_space<vmem_shared>> -> memref<100000xf32, #tpu.memory_space<vmem_shared>>
      tpu.wait_indirect_dma semaphore(%arg22 : memref<!tpu.dma_semaphore, #tpu.memory_space<semaphore_mem>>) src(%dma_wait3A_162 : memref<100000xf32, #tpu.memory_space<vmem_shared>>) dst(%arg21 : memref<16384xf32, #tpu.memory_space<vmem>>)
      "tpu.region"() ({
        %run_scoped3A = tpu.sem_alloc : memref<!tpu.dma_semaphore, #tpu.memory_space<semaphore_mem>>
        %dma_start3A_163 = arith.constant 0 : i32
        %dma_start3A_164 = tpu.memref_slice %arg4[%add3A_160, %dma_start3A_163] : memref<64x16384xf32, #tpu.memory_space<hbm>> -> memref<1x16384xf32, #tpu.memory_space<hbm>>
        %dma_start3A_165 = tpu.memref_squeeze %dma_start3A_164 : memref<1x16384xf32, #tpu.memory_space<hbm>> -> memref<16384xf32, #tpu.memory_space<hbm>>
        %dma_start3A_166 = arith.constant 0 : i32
        %dma_start3A_167 = tpu.memref_slice %arg4[%add3A_160, %dma_start3A_166] : memref<64x16384xf32, #tpu.memory_space<hbm>> -> memref<1x16384xf32, #tpu.memory_space<hbm>>
        %dma_start3A_168 = tpu.memref_squeeze %dma_start3A_167 : memref<1x16384xf32, #tpu.memory_space<hbm>> -> memref<16384xf32, #tpu.memory_space<hbm>>
        tpu.enqueue_dma source(%arg21 : memref<16384xf32, #tpu.memory_space<vmem>>) target(%dma_start3A_168 : memref<16384xf32, #tpu.memory_space<hbm>>) target_semaphore(%run_scoped3A : memref<!tpu.dma_semaphore, #tpu.memory_space<semaphore_mem>>)
        %dma_wait3A_169 = arith.constant 0 : i32
        %dma_wait3A_170 = tpu.memref_slice %arg4[%add3A_160, %dma_wait3A_169] : memref<64x16384xf32, #tpu.memory_space<hbm>> -> memref<1x16384xf32, #tpu.memory_space<hbm>>
        %dma_wait3A_171 = tpu.memref_squeeze %dma_wait3A_170 : memref<1x16384xf32, #tpu.memory_space<hbm>> -> memref<16384xf32, #tpu.memory_space<hbm>>
        %dma_wait3A_172 = arith.constant 0 : i32
        %dma_wait3A_173 = tpu.memref_slice %arg4[%add3A_160, %dma_wait3A_172] : memref<64x16384xf32, #tpu.memory_space<hbm>> -> memref<1x16384xf32, #tpu.memory_space<hbm>>
        %dma_wait3A_174 = tpu.memref_squeeze %dma_wait3A_173 : memref<1x16384xf32, #tpu.memory_space<hbm>> -> memref<16384xf32, #tpu.memory_space<hbm>>
        tpu.wait_dma2 semaphore(%run_scoped3A : memref<!tpu.dma_semaphore, #tpu.memory_space<semaphore_mem>>) src(%arg21 : memref<16384xf32, #tpu.memory_space<vmem>>) dst(%dma_wait3A_174 : memref<16384xf32, #tpu.memory_space<hbm>>)
        tpu.yield
      }) : () -> ()
    } else {
    }
    %eq3A_132 = arith.constant 5 : i32
    %eq3A_133 = arith.cmpi eq, %arg1, %eq3A_132 : i32
    %convert_element_type3A_134 = arith.extui %eq3A_133 : i1 to i32
    %cond3A_135 = arith.constant 0 : i32
    %cond3A_136 = arith.cmpi ne, %convert_element_type3A_134, %cond3A_135 : i32
    scf.if %cond3A_136 {
      %mul3A = arith.constant 32 : i32
      %mul3A_157 = arith.muli %arg0, %mul3A : i32
      %add3A = arith.constant 22 : i32
      %add3A_158 = arith.addi %mul3A_157, %add3A : i32
      %add3A_159 = arith.constant 5 : i32
      %add3A_160 = arith.addi %add3A_158, %add3A_159 : i32
      "tpu.region"() ({
        %run_scoped3A = tpu.sem_alloc : memref<!tpu.dma_semaphore, #tpu.memory_space<semaphore_mem>>
        %dma_start3A_163 = arith.constant 0 : i32
        %dma_start3A_164 = tpu.memref_slice %arg2[%add3A_160, %dma_start3A_163] : memref<64x100000xf32, #tpu.memory_space<hbm>> -> memref<1x100000xf32, #tpu.memory_space<hbm>>
        %dma_start3A_165 = tpu.memref_squeeze %dma_start3A_164 : memref<1x100000xf32, #tpu.memory_space<hbm>> -> memref<100000xf32, #tpu.memory_space<hbm>>
        tpu.enqueue_dma source(%dma_start3A_165 : memref<100000xf32, #tpu.memory_space<hbm>>) target(%arg10 : memref<100000xf32, #tpu.memory_space<vmem_shared>>) target_semaphore(%run_scoped3A : memref<!tpu.dma_semaphore, #tpu.memory_space<semaphore_mem>>)
        %dma_wait3A_166 = arith.constant 0 : i32
        %dma_wait3A_167 = tpu.memref_slice %arg2[%add3A_160, %dma_wait3A_166] : memref<64x100000xf32, #tpu.memory_space<hbm>> -> memref<1x100000xf32, #tpu.memory_space<hbm>>
        %dma_wait3A_168 = tpu.memref_squeeze %dma_wait3A_167 : memref<1x100000xf32, #tpu.memory_space<hbm>> -> memref<100000xf32, #tpu.memory_space<hbm>>
        tpu.wait_dma2 semaphore(%run_scoped3A : memref<!tpu.dma_semaphore, #tpu.memory_space<semaphore_mem>>) src(%dma_wait3A_168 : memref<100000xf32, #tpu.memory_space<hbm>>) dst(%arg10 : memref<100000xf32, #tpu.memory_space<vmem_shared>>)
        tpu.yield
      }) : () -> ()
      %dma_start3A = arith.constant 0 : i32
      %dma_start3A_161 = tpu.memref_slice %arg10[%dma_start3A] : memref<100000xf32, #tpu.memory_space<vmem_shared>> -> memref<100000xf32, #tpu.memory_space<vmem_shared>>
      tpu.enqueue_indirect_dma source(%dma_start3A_161 : memref<100000xf32, #tpu.memory_space<vmem_shared>>) target(%arg21 : memref<16384xf32, #tpu.memory_space<vmem>>) offsets(%arg20 : memref<16384xi32, #tpu.memory_space<vmem>>) semaphore(%arg22 : memref<!tpu.dma_semaphore, #tpu.memory_space<semaphore_mem>>)
      %dma_wait3A = arith.constant 0 : i32
      %dma_wait3A_162 = tpu.memref_slice %arg10[%dma_wait3A] : memref<100000xf32, #tpu.memory_space<vmem_shared>> -> memref<100000xf32, #tpu.memory_space<vmem_shared>>
      tpu.wait_indirect_dma semaphore(%arg22 : memref<!tpu.dma_semaphore, #tpu.memory_space<semaphore_mem>>) src(%dma_wait3A_162 : memref<100000xf32, #tpu.memory_space<vmem_shared>>) dst(%arg21 : memref<16384xf32, #tpu.memory_space<vmem>>)
      "tpu.region"() ({
        %run_scoped3A = tpu.sem_alloc : memref<!tpu.dma_semaphore, #tpu.memory_space<semaphore_mem>>
        %dma_start3A_163 = arith.constant 0 : i32
        %dma_start3A_164 = tpu.memref_slice %arg4[%add3A_160, %dma_start3A_163] : memref<64x16384xf32, #tpu.memory_space<hbm>> -> memref<1x16384xf32, #tpu.memory_space<hbm>>
        %dma_start3A_165 = tpu.memref_squeeze %dma_start3A_164 : memref<1x16384xf32, #tpu.memory_space<hbm>> -> memref<16384xf32, #tpu.memory_space<hbm>>
        %dma_start3A_166 = arith.constant 0 : i32
        %dma_start3A_167 = tpu.memref_slice %arg4[%add3A_160, %dma_start3A_166] : memref<64x16384xf32, #tpu.memory_space<hbm>> -> memref<1x16384xf32, #tpu.memory_space<hbm>>
        %dma_start3A_168 = tpu.memref_squeeze %dma_start3A_167 : memref<1x16384xf32, #tpu.memory_space<hbm>> -> memref<16384xf32, #tpu.memory_space<hbm>>
        tpu.enqueue_dma source(%arg21 : memref<16384xf32, #tpu.memory_space<vmem>>) target(%dma_start3A_168 : memref<16384xf32, #tpu.memory_space<hbm>>) target_semaphore(%run_scoped3A : memref<!tpu.dma_semaphore, #tpu.memory_space<semaphore_mem>>)
        %dma_wait3A_169 = arith.constant 0 : i32
        %dma_wait3A_170 = tpu.memref_slice %arg4[%add3A_160, %dma_wait3A_169] : memref<64x16384xf32, #tpu.memory_space<hbm>> -> memref<1x16384xf32, #tpu.memory_space<hbm>>
        %dma_wait3A_171 = tpu.memref_squeeze %dma_wait3A_170 : memref<1x16384xf32, #tpu.memory_space<hbm>> -> memref<16384xf32, #tpu.memory_space<hbm>>
        %dma_wait3A_172 = arith.constant 0 : i32
        %dma_wait3A_173 = tpu.memref_slice %arg4[%add3A_160, %dma_wait3A_172] : memref<64x16384xf32, #tpu.memory_space<hbm>> -> memref<1x16384xf32, #tpu.memory_space<hbm>>
        %dma_wait3A_174 = tpu.memref_squeeze %dma_wait3A_173 : memref<1x16384xf32, #tpu.memory_space<hbm>> -> memref<16384xf32, #tpu.memory_space<hbm>>
        tpu.wait_dma2 semaphore(%run_scoped3A : memref<!tpu.dma_semaphore, #tpu.memory_space<semaphore_mem>>) src(%arg21 : memref<16384xf32, #tpu.memory_space<vmem>>) dst(%dma_wait3A_174 : memref<16384xf32, #tpu.memory_space<hbm>>)
        tpu.yield
      }) : () -> ()
    } else {
    }
    %eq3A_137 = arith.constant 6 : i32
    %eq3A_138 = arith.cmpi eq, %arg1, %eq3A_137 : i32
    %convert_element_type3A_139 = arith.extui %eq3A_138 : i1 to i32
    %cond3A_140 = arith.constant 0 : i32
    %cond3A_141 = arith.cmpi ne, %convert_element_type3A_139, %cond3A_140 : i32
    scf.if %cond3A_141 {
      %mul3A = arith.constant 32 : i32
      %mul3A_157 = arith.muli %arg0, %mul3A : i32
      %add3A = arith.constant 22 : i32
      %add3A_158 = arith.addi %mul3A_157, %add3A : i32
      %add3A_159 = arith.constant 6 : i32
      %add3A_160 = arith.addi %add3A_158, %add3A_159 : i32
      "tpu.region"() ({
        %run_scoped3A = tpu.sem_alloc : memref<!tpu.dma_semaphore, #tpu.memory_space<semaphore_mem>>
        %dma_start3A_163 = arith.constant 0 : i32
        %dma_start3A_164 = tpu.memref_slice %arg2[%add3A_160, %dma_start3A_163] : memref<64x100000xf32, #tpu.memory_space<hbm>> -> memref<1x100000xf32, #tpu.memory_space<hbm>>
        %dma_start3A_165 = tpu.memref_squeeze %dma_start3A_164 : memref<1x100000xf32, #tpu.memory_space<hbm>> -> memref<100000xf32, #tpu.memory_space<hbm>>
        tpu.enqueue_dma source(%dma_start3A_165 : memref<100000xf32, #tpu.memory_space<hbm>>) target(%arg11 : memref<100000xf32, #tpu.memory_space<vmem_shared>>) target_semaphore(%run_scoped3A : memref<!tpu.dma_semaphore, #tpu.memory_space<semaphore_mem>>)
        %dma_wait3A_166 = arith.constant 0 : i32
        %dma_wait3A_167 = tpu.memref_slice %arg2[%add3A_160, %dma_wait3A_166] : memref<64x100000xf32, #tpu.memory_space<hbm>> -> memref<1x100000xf32, #tpu.memory_space<hbm>>
        %dma_wait3A_168 = tpu.memref_squeeze %dma_wait3A_167 : memref<1x100000xf32, #tpu.memory_space<hbm>> -> memref<100000xf32, #tpu.memory_space<hbm>>
        tpu.wait_dma2 semaphore(%run_scoped3A : memref<!tpu.dma_semaphore, #tpu.memory_space<semaphore_mem>>) src(%dma_wait3A_168 : memref<100000xf32, #tpu.memory_space<hbm>>) dst(%arg11 : memref<100000xf32, #tpu.memory_space<vmem_shared>>)
        tpu.yield
      }) : () -> ()
      %dma_start3A = arith.constant 0 : i32
      %dma_start3A_161 = tpu.memref_slice %arg11[%dma_start3A] : memref<100000xf32, #tpu.memory_space<vmem_shared>> -> memref<100000xf32, #tpu.memory_space<vmem_shared>>
      tpu.enqueue_indirect_dma source(%dma_start3A_161 : memref<100000xf32, #tpu.memory_space<vmem_shared>>) target(%arg21 : memref<16384xf32, #tpu.memory_space<vmem>>) offsets(%arg20 : memref<16384xi32, #tpu.memory_space<vmem>>) semaphore(%arg22 : memref<!tpu.dma_semaphore, #tpu.memory_space<semaphore_mem>>)
      %dma_wait3A = arith.constant 0 : i32
      %dma_wait3A_162 = tpu.memref_slice %arg11[%dma_wait3A] : memref<100000xf32, #tpu.memory_space<vmem_shared>> -> memref<100000xf32, #tpu.memory_space<vmem_shared>>
      tpu.wait_indirect_dma semaphore(%arg22 : memref<!tpu.dma_semaphore, #tpu.memory_space<semaphore_mem>>) src(%dma_wait3A_162 : memref<100000xf32, #tpu.memory_space<vmem_shared>>) dst(%arg21 : memref<16384xf32, #tpu.memory_space<vmem>>)
      "tpu.region"() ({
        %run_scoped3A = tpu.sem_alloc : memref<!tpu.dma_semaphore, #tpu.memory_space<semaphore_mem>>
        %dma_start3A_163 = arith.constant 0 : i32
        %dma_start3A_164 = tpu.memref_slice %arg4[%add3A_160, %dma_start3A_163] : memref<64x16384xf32, #tpu.memory_space<hbm>> -> memref<1x16384xf32, #tpu.memory_space<hbm>>
        %dma_start3A_165 = tpu.memref_squeeze %dma_start3A_164 : memref<1x16384xf32, #tpu.memory_space<hbm>> -> memref<16384xf32, #tpu.memory_space<hbm>>
        %dma_start3A_166 = arith.constant 0 : i32
        %dma_start3A_167 = tpu.memref_slice %arg4[%add3A_160, %dma_start3A_166] : memref<64x16384xf32, #tpu.memory_space<hbm>> -> memref<1x16384xf32, #tpu.memory_space<hbm>>
        %dma_start3A_168 = tpu.memref_squeeze %dma_start3A_167 : memref<1x16384xf32, #tpu.memory_space<hbm>> -> memref<16384xf32, #tpu.memory_space<hbm>>
        tpu.enqueue_dma source(%arg21 : memref<16384xf32, #tpu.memory_space<vmem>>) target(%dma_start3A_168 : memref<16384xf32, #tpu.memory_space<hbm>>) target_semaphore(%run_scoped3A : memref<!tpu.dma_semaphore, #tpu.memory_space<semaphore_mem>>)
        %dma_wait3A_169 = arith.constant 0 : i32
        %dma_wait3A_170 = tpu.memref_slice %arg4[%add3A_160, %dma_wait3A_169] : memref<64x16384xf32, #tpu.memory_space<hbm>> -> memref<1x16384xf32, #tpu.memory_space<hbm>>
        %dma_wait3A_171 = tpu.memref_squeeze %dma_wait3A_170 : memref<1x16384xf32, #tpu.memory_space<hbm>> -> memref<16384xf32, #tpu.memory_space<hbm>>
        %dma_wait3A_172 = arith.constant 0 : i32
        %dma_wait3A_173 = tpu.memref_slice %arg4[%add3A_160, %dma_wait3A_172] : memref<64x16384xf32, #tpu.memory_space<hbm>> -> memref<1x16384xf32, #tpu.memory_space<hbm>>
        %dma_wait3A_174 = tpu.memref_squeeze %dma_wait3A_173 : memref<1x16384xf32, #tpu.memory_space<hbm>> -> memref<16384xf32, #tpu.memory_space<hbm>>
        tpu.wait_dma2 semaphore(%run_scoped3A : memref<!tpu.dma_semaphore, #tpu.memory_space<semaphore_mem>>) src(%arg21 : memref<16384xf32, #tpu.memory_space<vmem>>) dst(%dma_wait3A_174 : memref<16384xf32, #tpu.memory_space<hbm>>)
        tpu.yield
      }) : () -> ()
    } else {
    }
    %eq3A_142 = arith.constant 7 : i32
    %eq3A_143 = arith.cmpi eq, %arg1, %eq3A_142 : i32
    %convert_element_type3A_144 = arith.extui %eq3A_143 : i1 to i32
    %cond3A_145 = arith.constant 0 : i32
    %cond3A_146 = arith.cmpi ne, %convert_element_type3A_144, %cond3A_145 : i32
    scf.if %cond3A_146 {
      %mul3A = arith.constant 32 : i32
      %mul3A_157 = arith.muli %arg0, %mul3A : i32
      %add3A = arith.constant 22 : i32
      %add3A_158 = arith.addi %mul3A_157, %add3A : i32
      %add3A_159 = arith.constant 7 : i32
      %add3A_160 = arith.addi %add3A_158, %add3A_159 : i32
      "tpu.region"() ({
        %run_scoped3A = tpu.sem_alloc : memref<!tpu.dma_semaphore, #tpu.memory_space<semaphore_mem>>
        %dma_start3A_163 = arith.constant 0 : i32
        %dma_start3A_164 = tpu.memref_slice %arg2[%add3A_160, %dma_start3A_163] : memref<64x100000xf32, #tpu.memory_space<hbm>> -> memref<1x100000xf32, #tpu.memory_space<hbm>>
        %dma_start3A_165 = tpu.memref_squeeze %dma_start3A_164 : memref<1x100000xf32, #tpu.memory_space<hbm>> -> memref<100000xf32, #tpu.memory_space<hbm>>
        tpu.enqueue_dma source(%dma_start3A_165 : memref<100000xf32, #tpu.memory_space<hbm>>) target(%arg12 : memref<100000xf32, #tpu.memory_space<vmem_shared>>) target_semaphore(%run_scoped3A : memref<!tpu.dma_semaphore, #tpu.memory_space<semaphore_mem>>)
        %dma_wait3A_166 = arith.constant 0 : i32
        %dma_wait3A_167 = tpu.memref_slice %arg2[%add3A_160, %dma_wait3A_166] : memref<64x100000xf32, #tpu.memory_space<hbm>> -> memref<1x100000xf32, #tpu.memory_space<hbm>>
        %dma_wait3A_168 = tpu.memref_squeeze %dma_wait3A_167 : memref<1x100000xf32, #tpu.memory_space<hbm>> -> memref<100000xf32, #tpu.memory_space<hbm>>
        tpu.wait_dma2 semaphore(%run_scoped3A : memref<!tpu.dma_semaphore, #tpu.memory_space<semaphore_mem>>) src(%dma_wait3A_168 : memref<100000xf32, #tpu.memory_space<hbm>>) dst(%arg12 : memref<100000xf32, #tpu.memory_space<vmem_shared>>)
        tpu.yield
      }) : () -> ()
      %dma_start3A = arith.constant 0 : i32
      %dma_start3A_161 = tpu.memref_slice %arg12[%dma_start3A] : memref<100000xf32, #tpu.memory_space<vmem_shared>> -> memref<100000xf32, #tpu.memory_space<vmem_shared>>
      tpu.enqueue_indirect_dma source(%dma_start3A_161 : memref<100000xf32, #tpu.memory_space<vmem_shared>>) target(%arg21 : memref<16384xf32, #tpu.memory_space<vmem>>) offsets(%arg20 : memref<16384xi32, #tpu.memory_space<vmem>>) semaphore(%arg22 : memref<!tpu.dma_semaphore, #tpu.memory_space<semaphore_mem>>)
      %dma_wait3A = arith.constant 0 : i32
      %dma_wait3A_162 = tpu.memref_slice %arg12[%dma_wait3A] : memref<100000xf32, #tpu.memory_space<vmem_shared>> -> memref<100000xf32, #tpu.memory_space<vmem_shared>>
      tpu.wait_indirect_dma semaphore(%arg22 : memref<!tpu.dma_semaphore, #tpu.memory_space<semaphore_mem>>) src(%dma_wait3A_162 : memref<100000xf32, #tpu.memory_space<vmem_shared>>) dst(%arg21 : memref<16384xf32, #tpu.memory_space<vmem>>)
      "tpu.region"() ({
        %run_scoped3A = tpu.sem_alloc : memref<!tpu.dma_semaphore, #tpu.memory_space<semaphore_mem>>
        %dma_start3A_163 = arith.constant 0 : i32
        %dma_start3A_164 = tpu.memref_slice %arg4[%add3A_160, %dma_start3A_163] : memref<64x16384xf32, #tpu.memory_space<hbm>> -> memref<1x16384xf32, #tpu.memory_space<hbm>>
        %dma_start3A_165 = tpu.memref_squeeze %dma_start3A_164 : memref<1x16384xf32, #tpu.memory_space<hbm>> -> memref<16384xf32, #tpu.memory_space<hbm>>
        %dma_start3A_166 = arith.constant 0 : i32
        %dma_start3A_167 = tpu.memref_slice %arg4[%add3A_160, %dma_start3A_166] : memref<64x16384xf32, #tpu.memory_space<hbm>> -> memref<1x16384xf32, #tpu.memory_space<hbm>>
        %dma_start3A_168 = tpu.memref_squeeze %dma_start3A_167 : memref<1x16384xf32, #tpu.memory_space<hbm>> -> memref<16384xf32, #tpu.memory_space<hbm>>
        tpu.enqueue_dma source(%arg21 : memref<16384xf32, #tpu.memory_space<vmem>>) target(%dma_start3A_168 : memref<16384xf32, #tpu.memory_space<hbm>>) target_semaphore(%run_scoped3A : memref<!tpu.dma_semaphore, #tpu.memory_space<semaphore_mem>>)
        %dma_wait3A_169 = arith.constant 0 : i32
        %dma_wait3A_170 = tpu.memref_slice %arg4[%add3A_160, %dma_wait3A_169] : memref<64x16384xf32, #tpu.memory_space<hbm>> -> memref<1x16384xf32, #tpu.memory_space<hbm>>
        %dma_wait3A_171 = tpu.memref_squeeze %dma_wait3A_170 : memref<1x16384xf32, #tpu.memory_space<hbm>> -> memref<16384xf32, #tpu.memory_space<hbm>>
        %dma_wait3A_172 = arith.constant 0 : i32
        %dma_wait3A_173 = tpu.memref_slice %arg4[%add3A_160, %dma_wait3A_172] : memref<64x16384xf32, #tpu.memory_space<hbm>> -> memref<1x16384xf32, #tpu.memory_space<hbm>>
        %dma_wait3A_174 = tpu.memref_squeeze %dma_wait3A_173 : memref<1x16384xf32, #tpu.memory_space<hbm>> -> memref<16384xf32, #tpu.memory_space<hbm>>
        tpu.wait_dma2 semaphore(%run_scoped3A : memref<!tpu.dma_semaphore, #tpu.memory_space<semaphore_mem>>) src(%arg21 : memref<16384xf32, #tpu.memory_space<vmem>>) dst(%dma_wait3A_174 : memref<16384xf32, #tpu.memory_space<hbm>>)
        tpu.yield
      }) : () -> ()
    } else {
    }
    %eq3A_147 = arith.constant 8 : i32
    %eq3A_148 = arith.cmpi eq, %arg1, %eq3A_147 : i32
    %convert_element_type3A_149 = arith.extui %eq3A_148 : i1 to i32
    %cond3A_150 = arith.constant 0 : i32
    %cond3A_151 = arith.cmpi ne, %convert_element_type3A_149, %cond3A_150 : i32
    scf.if %cond3A_151 {
      %mul3A = arith.constant 32 : i32
      %mul3A_157 = arith.muli %arg0, %mul3A : i32
      %add3A = arith.constant 22 : i32
      %add3A_158 = arith.addi %mul3A_157, %add3A : i32
      %add3A_159 = arith.constant 8 : i32
      %add3A_160 = arith.addi %add3A_158, %add3A_159 : i32
      "tpu.region"() ({
        %run_scoped3A = tpu.sem_alloc : memref<!tpu.dma_semaphore, #tpu.memory_space<semaphore_mem>>
        %dma_start3A_163 = arith.constant 0 : i32
        %dma_start3A_164 = tpu.memref_slice %arg2[%add3A_160, %dma_start3A_163] : memref<64x100000xf32, #tpu.memory_space<hbm>> -> memref<1x100000xf32, #tpu.memory_space<hbm>>
        %dma_start3A_165 = tpu.memref_squeeze %dma_start3A_164 : memref<1x100000xf32, #tpu.memory_space<hbm>> -> memref<100000xf32, #tpu.memory_space<hbm>>
        tpu.enqueue_dma source(%dma_start3A_165 : memref<100000xf32, #tpu.memory_space<hbm>>) target(%arg13 : memref<100000xf32, #tpu.memory_space<vmem_shared>>) target_semaphore(%run_scoped3A : memref<!tpu.dma_semaphore, #tpu.memory_space<semaphore_mem>>)
        %dma_wait3A_166 = arith.constant 0 : i32
        %dma_wait3A_167 = tpu.memref_slice %arg2[%add3A_160, %dma_wait3A_166] : memref<64x100000xf32, #tpu.memory_space<hbm>> -> memref<1x100000xf32, #tpu.memory_space<hbm>>
        %dma_wait3A_168 = tpu.memref_squeeze %dma_wait3A_167 : memref<1x100000xf32, #tpu.memory_space<hbm>> -> memref<100000xf32, #tpu.memory_space<hbm>>
        tpu.wait_dma2 semaphore(%run_scoped3A : memref<!tpu.dma_semaphore, #tpu.memory_space<semaphore_mem>>) src(%dma_wait3A_168 : memref<100000xf32, #tpu.memory_space<hbm>>) dst(%arg13 : memref<100000xf32, #tpu.memory_space<vmem_shared>>)
        tpu.yield
      }) : () -> ()
      %dma_start3A = arith.constant 0 : i32
      %dma_start3A_161 = tpu.memref_slice %arg13[%dma_start3A] : memref<100000xf32, #tpu.memory_space<vmem_shared>> -> memref<100000xf32, #tpu.memory_space<vmem_shared>>
      tpu.enqueue_indirect_dma source(%dma_start3A_161 : memref<100000xf32, #tpu.memory_space<vmem_shared>>) target(%arg21 : memref<16384xf32, #tpu.memory_space<vmem>>) offsets(%arg20 : memref<16384xi32, #tpu.memory_space<vmem>>) semaphore(%arg22 : memref<!tpu.dma_semaphore, #tpu.memory_space<semaphore_mem>>)
      %dma_wait3A = arith.constant 0 : i32
      %dma_wait3A_162 = tpu.memref_slice %arg13[%dma_wait3A] : memref<100000xf32, #tpu.memory_space<vmem_shared>> -> memref<100000xf32, #tpu.memory_space<vmem_shared>>
      tpu.wait_indirect_dma semaphore(%arg22 : memref<!tpu.dma_semaphore, #tpu.memory_space<semaphore_mem>>) src(%dma_wait3A_162 : memref<100000xf32, #tpu.memory_space<vmem_shared>>) dst(%arg21 : memref<16384xf32, #tpu.memory_space<vmem>>)
      "tpu.region"() ({
        %run_scoped3A = tpu.sem_alloc : memref<!tpu.dma_semaphore, #tpu.memory_space<semaphore_mem>>
        %dma_start3A_163 = arith.constant 0 : i32
        %dma_start3A_164 = tpu.memref_slice %arg4[%add3A_160, %dma_start3A_163] : memref<64x16384xf32, #tpu.memory_space<hbm>> -> memref<1x16384xf32, #tpu.memory_space<hbm>>
        %dma_start3A_165 = tpu.memref_squeeze %dma_start3A_164 : memref<1x16384xf32, #tpu.memory_space<hbm>> -> memref<16384xf32, #tpu.memory_space<hbm>>
        %dma_start3A_166 = arith.constant 0 : i32
        %dma_start3A_167 = tpu.memref_slice %arg4[%add3A_160, %dma_start3A_166] : memref<64x16384xf32, #tpu.memory_space<hbm>> -> memref<1x16384xf32, #tpu.memory_space<hbm>>
        %dma_start3A_168 = tpu.memref_squeeze %dma_start3A_167 : memref<1x16384xf32, #tpu.memory_space<hbm>> -> memref<16384xf32, #tpu.memory_space<hbm>>
        tpu.enqueue_dma source(%arg21 : memref<16384xf32, #tpu.memory_space<vmem>>) target(%dma_start3A_168 : memref<16384xf32, #tpu.memory_space<hbm>>) target_semaphore(%run_scoped3A : memref<!tpu.dma_semaphore, #tpu.memory_space<semaphore_mem>>)
        %dma_wait3A_169 = arith.constant 0 : i32
        %dma_wait3A_170 = tpu.memref_slice %arg4[%add3A_160, %dma_wait3A_169] : memref<64x16384xf32, #tpu.memory_space<hbm>> -> memref<1x16384xf32, #tpu.memory_space<hbm>>
        %dma_wait3A_171 = tpu.memref_squeeze %dma_wait3A_170 : memref<1x16384xf32, #tpu.memory_space<hbm>> -> memref<16384xf32, #tpu.memory_space<hbm>>
        %dma_wait3A_172 = arith.constant 0 : i32
        %dma_wait3A_173 = tpu.memref_slice %arg4[%add3A_160, %dma_wait3A_172] : memref<64x16384xf32, #tpu.memory_space<hbm>> -> memref<1x16384xf32, #tpu.memory_space<hbm>>
        %dma_wait3A_174 = tpu.memref_squeeze %dma_wait3A_173 : memref<1x16384xf32, #tpu.memory_space<hbm>> -> memref<16384xf32, #tpu.memory_space<hbm>>
        tpu.wait_dma2 semaphore(%run_scoped3A : memref<!tpu.dma_semaphore, #tpu.memory_space<semaphore_mem>>) src(%arg21 : memref<16384xf32, #tpu.memory_space<vmem>>) dst(%dma_wait3A_174 : memref<16384xf32, #tpu.memory_space<hbm>>)
        tpu.yield
      }) : () -> ()
    } else {
    }
    %eq3A_152 = arith.constant 9 : i32
    %eq3A_153 = arith.cmpi eq, %arg1, %eq3A_152 : i32
    %convert_element_type3A_154 = arith.extui %eq3A_153 : i1 to i32
    %cond3A_155 = arith.constant 0 : i32
    %cond3A_156 = arith.cmpi ne, %convert_element_type3A_154, %cond3A_155 : i32
    scf.if %cond3A_156 {
      %mul3A = arith.constant 32 : i32
      %mul3A_157 = arith.muli %arg0, %mul3A : i32
      %add3A = arith.constant 22 : i32
      %add3A_158 = arith.addi %mul3A_157, %add3A : i32
      %add3A_159 = arith.constant 9 : i32
      %add3A_160 = arith.addi %add3A_158, %add3A_159 : i32
      "tpu.region"() ({
        %run_scoped3A = tpu.sem_alloc : memref<!tpu.dma_semaphore, #tpu.memory_space<semaphore_mem>>
        %dma_start3A_163 = arith.constant 0 : i32
        %dma_start3A_164 = tpu.memref_slice %arg2[%add3A_160, %dma_start3A_163] : memref<64x100000xf32, #tpu.memory_space<hbm>> -> memref<1x100000xf32, #tpu.memory_space<hbm>>
        %dma_start3A_165 = tpu.memref_squeeze %dma_start3A_164 : memref<1x100000xf32, #tpu.memory_space<hbm>> -> memref<100000xf32, #tpu.memory_space<hbm>>
        tpu.enqueue_dma source(%dma_start3A_165 : memref<100000xf32, #tpu.memory_space<hbm>>) target(%arg14 : memref<100000xf32, #tpu.memory_space<vmem_shared>>) target_semaphore(%run_scoped3A : memref<!tpu.dma_semaphore, #tpu.memory_space<semaphore_mem>>)
        %dma_wait3A_166 = arith.constant 0 : i32
        %dma_wait3A_167 = tpu.memref_slice %arg2[%add3A_160, %dma_wait3A_166] : memref<64x100000xf32, #tpu.memory_space<hbm>> -> memref<1x100000xf32, #tpu.memory_space<hbm>>
        %dma_wait3A_168 = tpu.memref_squeeze %dma_wait3A_167 : memref<1x100000xf32, #tpu.memory_space<hbm>> -> memref<100000xf32, #tpu.memory_space<hbm>>
        tpu.wait_dma2 semaphore(%run_scoped3A : memref<!tpu.dma_semaphore, #tpu.memory_space<semaphore_mem>>) src(%dma_wait3A_168 : memref<100000xf32, #tpu.memory_space<hbm>>) dst(%arg14 : memref<100000xf32, #tpu.memory_space<vmem_shared>>)
        tpu.yield
      }) : () -> ()
      %dma_start3A = arith.constant 0 : i32
      %dma_start3A_161 = tpu.memref_slice %arg14[%dma_start3A] : memref<100000xf32, #tpu.memory_space<vmem_shared>> -> memref<100000xf32, #tpu.memory_space<vmem_shared>>
      tpu.enqueue_indirect_dma source(%dma_start3A_161 : memref<100000xf32, #tpu.memory_space<vmem_shared>>) target(%arg21 : memref<16384xf32, #tpu.memory_space<vmem>>) offsets(%arg20 : memref<16384xi32, #tpu.memory_space<vmem>>) semaphore(%arg22 : memref<!tpu.dma_semaphore, #tpu.memory_space<semaphore_mem>>)
      %dma_wait3A = arith.constant 0 : i32
      %dma_wait3A_162 = tpu.memref_slice %arg14[%dma_wait3A] : memref<100000xf32, #tpu.memory_space<vmem_shared>> -> memref<100000xf32, #tpu.memory_space<vmem_shared>>
      tpu.wait_indirect_dma semaphore(%arg22 : memref<!tpu.dma_semaphore, #tpu.memory_space<semaphore_mem>>) src(%dma_wait3A_162 : memref<100000xf32, #tpu.memory_space<vmem_shared>>) dst(%arg21 : memref<16384xf32, #tpu.memory_space<vmem>>)
      "tpu.region"() ({
        %run_scoped3A = tpu.sem_alloc : memref<!tpu.dma_semaphore, #tpu.memory_space<semaphore_mem>>
        %dma_start3A_163 = arith.constant 0 : i32
        %dma_start3A_164 = tpu.memref_slice %arg4[%add3A_160, %dma_start3A_163] : memref<64x16384xf32, #tpu.memory_space<hbm>> -> memref<1x16384xf32, #tpu.memory_space<hbm>>
        %dma_start3A_165 = tpu.memref_squeeze %dma_start3A_164 : memref<1x16384xf32, #tpu.memory_space<hbm>> -> memref<16384xf32, #tpu.memory_space<hbm>>
        %dma_start3A_166 = arith.constant 0 : i32
        %dma_start3A_167 = tpu.memref_slice %arg4[%add3A_160, %dma_start3A_166] : memref<64x16384xf32, #tpu.memory_space<hbm>> -> memref<1x16384xf32, #tpu.memory_space<hbm>>
        %dma_start3A_168 = tpu.memref_squeeze %dma_start3A_167 : memref<1x16384xf32, #tpu.memory_space<hbm>> -> memref<16384xf32, #tpu.memory_space<hbm>>
        tpu.enqueue_dma source(%arg21 : memref<16384xf32, #tpu.memory_space<vmem>>) target(%dma_start3A_168 : memref<16384xf32, #tpu.memory_space<hbm>>) target_semaphore(%run_scoped3A : memref<!tpu.dma_semaphore, #tpu.memory_space<semaphore_mem>>)
        %dma_wait3A_169 = arith.constant 0 : i32
        %dma_wait3A_170 = tpu.memref_slice %arg4[%add3A_160, %dma_wait3A_169] : memref<64x16384xf32, #tpu.memory_space<hbm>> -> memref<1x16384xf32, #tpu.memory_space<hbm>>
        %dma_wait3A_171 = tpu.memref_squeeze %dma_wait3A_170 : memref<1x16384xf32, #tpu.memory_space<hbm>> -> memref<16384xf32, #tpu.memory_space<hbm>>
        %dma_wait3A_172 = arith.constant 0 : i32
        %dma_wait3A_173 = tpu.memref_slice %arg4[%add3A_160, %dma_wait3A_172] : memref<64x16384xf32, #tpu.memory_space<hbm>> -> memref<1x16384xf32, #tpu.memory_space<hbm>>
        %dma_wait3A_174 = tpu.memref_squeeze %dma_wait3A_173 : memref<1x16384xf32, #tpu.memory_space<hbm>> -> memref<16384xf32, #tpu.memory_space<hbm>>
        tpu.wait_dma2 semaphore(%run_scoped3A : memref<!tpu.dma_semaphore, #tpu.memory_space<semaphore_mem>>) src(%arg21 : memref<16384xf32, #tpu.memory_space<vmem>>) dst(%dma_wait3A_174 : memref<16384xf32, #tpu.memory_space<hbm>>)
        tpu.yield
      }) : () -> ()
    } else {
    }
    return
  }
}

</mosaic_0001>

<sc_bundles>
// kernel: kernel.3.cloned.1.call-start
scs
__scs_entry_jumppad:
0x0: {  	(pc) =	sbr.rel $0x88, $3  }
0x1: {  	(tag) =	ssettag $0x0;
	lr =	simm.s32 $0x1  }
0x2: {  	[smem:$0x3F9F] =	sst lr;
	_ =	strace $0xD0000000  }
0x3: {  	_ = 	snop  }
0x4: {  	_ = 	snop  }
0x5: {  	_ = 	snop  }
0x6: {  	_ = 	snop  }
0x7: {  	_ = 	snop  }
__scs_overlays_trampoline_lowered:
0x8: {  	[smem:$0x3FAE] =	sst s0  }
0x9: {  	[smem:$0x3FAF] =	sst s1  }
0xa: {  	[smem:$0x3FB0] =	sst s2  }
0xb: {  	[smem:$0x3FB1] =	sst s3  }
0xc: {  	[smem:$0x3FB2] =	sst s4  }
0xd: {  	[smem:$0x3FB3] =	sst s5  }
0xe: {  	[smem:$0x3FB4] =	sst s6  }
0xf: {  	[smem:$0x3FB5] =	sst s7  }
0x10: {  	[smem:$0x3FB6] =	sst s8  }
0x11: {  	[smem:$0x3FB7] =	sst s9;
	s0 =	simm.s32 @!p0 $0x0  }
0x12: {  	s1 =	sld [smem:$0x3F9D];
	s0 =	simm.s32 @p0 $0x1  }
0x13: {  	[smem:$0x3FB8] =	sst s0;
	s0 =	simm.s32 @!p1 $0x0  }
0x14: {  	s2 =	sld [smem:$0x3F9C];
	s0 =	simm.s32 @p1 $0x1  }
0x15: {  	[smem:$0x3FB9] =	sst s0;
	s0 =	simm.s32 @!p2 $0x0  }
0x16: {  	s3 =	sld [smem:$0x3FDB];
	s0 =	simm.s32 @p2 $0x1  }
0x17: {  	s4 =	simm.s32 $0x1BF5;
	[smem:$0x3FBB] =	sst s0  }
0x18: {  	s0 =	sld [smem:$0x3F9E];
	_ =	swait.ge [sflag:s4], $0x0  }
0x19: {  	s7 =	sld [smem:$0x3F9F]  }
0x1a: {  	s8 =	sadd.s32 $0xFFFFE003, lr  }
0x1b: {  	s9 =	sadd.s32 $0xFFFFFEF7, lr;
	s5 =	simm.s32 $0xFFFFFFFF;
	p2 =	slt.u32 s8, $0xFFFFF086  }
0x1c: {  	p1 =	slt.u32 s9, $0xF7A;
	s5 =	simm.s32 @!p2 $0x0  }
0x1d: {  	s5 =	simm.s32 @p1 $0x1;
	p0 =	seq.s32 s7, s2  }
0x1e: {  	s7 =	smul.u32 @!p0 $0xF7A, s2;
	p2 =	seq.s32 @!p0 s5, $0x0  }
0x1f: {  	s9 =	smul.u32 $0xF7A, s1;
	s8 =	simm.s32 @!p0 $0x1BF5;
	p2 =	por !p2, p0  }
0x20: {  	[sflag:s8] =	ssyncset.s32 @!p0 $0xFFFFF086;
	s6 =	sadd.s32 @!p0 s3, s7;
	s7 =	simm.s32 @!p0 $0x108  }
0x21: {  	s3 =	sadd.s32 s3, s9;
	s6 =	sadd.s32 @!p0 $0x88, s6;
	s7 =	simm.s32 @p2 $0x1082  }
0x22: {  	[simem:s7], [sflag:s8] =	dma.local @!p0 [hbm:s6], $0xF7A  }
0x23: {  	s9 =	sor.u32 $0xD0000000, s2;
	s6 =	simm.s32 $0x108;
	_ =	swait.ge @!p0 [sflag:s8], $0x0  }
0x24: {  	s3 =	sadd.s32 $0x88, s3;
	s6 =	simm.s32 @!p1 $0x1082;
	[sflag:s4] =	ssyncset.s32 $0xFFFFF086  }
0x25: {  	[simem:s6], [sflag:s4] =	dma.local [hbm:s3], $0xF7A  }
0x26: {  	[smem:$0x3F9F] =	sst s1;
	(tag) =	ssettag s2;
	_ =	strace s9  }
0x27: {  	s1 =	sld [smem:$0x3FAF]  }
0x28: {  	s2 =	sld [smem:$0x3FB0]  }
0x29: {  	s4 =	sld [smem:$0x3FB2]  }
0x2a: {  	p0 =	seq.s32 s5, $0x0;
	s5 =	sld [smem:$0x3FB3]  }
0x2b: {  	s6 =	sld [smem:$0x3FB4]  }
0x2c: {  	s7 =	sld [smem:$0x3FB5]  }
0x2d: {  	s3 =	simm.s32 $0x108;
	s8 =	sld [smem:$0x3FB6]  }
0x2e: {  	s3 =	simm.s32 @!p0 $0x1082;
	s9 =	sld [smem:$0x3FB7]  }
0x2f: {  	lr =	sadd.s32 s0, s3;
	s0 =	sld [smem:$0x3FAE]  }
0x30: {  	s3 =	sld [smem:$0x3FB1]  }
0x31: {  	[smem:$0x3FBA] =	sst s10  }
0x32: {  	s10 =	sld [smem:$0x3FB8];
	_ =	sdelay $0x3  }
0x33: {  	p0 =	seq.s32 s10, $0x1;
	s10 =	sld [smem:$0x3FBA];
	_ =	sdelay $0x3  }
0x34: {  	[smem:$0x3FBA] =	sst s10  }
0x35: {  	s10 =	sld [smem:$0x3FB9];
	_ =	sdelay $0x3  }
0x36: {  	p1 =	seq.s32 s10, $0x1;
	s10 =	sld [smem:$0x3FBA];
	_ =	sdelay $0x3  }
0x37: {  	[smem:$0x3FBA] =	sst s10  }
0x38: {  	s10 =	sld [smem:$0x3FBB]  }
0x39: {  	_ = 	snop;
	(pc) =	sbr.ind lr, $3  }
0x3a: {  	_ = 	snop  }
0x3b: {  	_ = 	snop  }
0x3c: {  	p2 =	seq.s32 s10, $0x1;
	s10 =	sld [smem:$0x3FBA]  }
0x3d: {  	_ =	shalt  }
0x3e: {  	_ =	shalt  }
0x3f: {  	_ =	shalt  }
0x40: {  	_ =	shalt  }
0x41: {  	_ =	shalt  }
0x42: {  	_ =	shalt  }
0x43: {  	_ =	shalt  }
0x44: {  	_ =	shalt  }
0x45: {  	_ =	shalt  }
0x46: {  	_ =	shalt  }
0x47: {  	_ =	shalt  }
0x48: {  	_ =	shalt  }
0x49: {  	_ =	shalt  }
0x4a: {  	_ =	shalt  }
0x4b: {  	_ =	shalt  }
0x4c: {  	_ =	shalt  }
0x4d: {  	_ =	shalt  }
0x4e: {  	_ =	shalt  }
0x4f: {  	_ =	shalt  }
0x50: {  	_ =	shalt  }
0x51: {  	_ =	shalt  }
0x52: {  	_ =	shalt  }
0x53: {  	_ =	shalt  }
0x54: {  	_ =	shalt  }
0x55: {  	_ =	shalt  }
0x56: {  	_ =	shalt  }
0x57: {  	_ =	shalt  }
0x58: {  	_ =	shalt  }
0x59: {  	_ =	shalt  }
0x5a: {  	_ =	shalt  }
0x5b: {  	_ =	shalt  }
0x5c: {  	_ =	shalt  }
0x5d: {  	_ =	shalt  }
0x5e: {  	_ =	shalt  }
0x5f: {  	_ =	shalt  }
0x60: {  	_ =	shalt  }
0x61: {  	_ =	shalt  }
0x62: {  	_ =	shalt  }
0x63: {  	_ =	shalt  }
0x64: {  	_ =	shalt  }
0x65: {  	_ =	shalt  }
0x66: {  	_ =	shalt  }
0x67: {  	_ =	shalt  }
0x68: {  	_ =	shalt  }
0x69: {  	_ =	shalt  }
0x6a: {  	_ =	shalt  }
0x6b: {  	_ =	shalt  }
0x6c: {  	_ =	shalt  }
0x6d: {  	_ =	shalt  }
0x6e: {  	_ =	shalt  }
0x6f: {  	_ =	shalt  }
0x70: {  	_ =	shalt  }
0x71: {  	_ =	shalt  }
0x72: {  	_ =	shalt  }
0x73: {  	_ =	shalt  }
0x74: {  	_ =	shalt  }
0x75: {  	_ =	shalt  }
0x76: {  	_ =	shalt  }
0x77: {  	_ =	shalt  }
0x78: {  	_ =	shalt  }
0x79: {  	_ =	shalt  }
0x7a: {  	_ =	shalt  }
0x7b: {  	_ =	shalt  }
0x7c: {  	_ =	shalt  }
0x7d: {  	_ =	shalt  }
0x7e: {  	_ =	shalt  }
0x7f: {  	_ =	shalt  }
0x80: {  	_ =	shalt  }
0x81: {  	_ =	shalt  }
0x82: {  	_ =	shalt  }
0x83: {  	_ =	shalt  }
0x84: {  	_ =	shalt  }
0x85: {  	_ =	shalt  }
0x86: {  	_ =	shalt  }
0x87: {  	_ =	shalt  }
.Lfunc_end0:
.L_simem_size_0:
called_computation_lowered:
.L_overlay_start_0:
0x88: {  	s2 =	sld [smem:$0x3FD9]  }
0x89: {  	s3 =	sld [smem:$0x3FFE];
	_ =	sdelay $0x1  }
0x8a: {  	s1 =	srdreg.scid  }
0x8b: {  	s0 =	sand.u32 $0x1, s1  }
0x8c: {  	s12 =	sshll.u32 s0, $0xA;
	s2 =	sadd.s32 s3, s2  }
0x8d: {  	s2 =	sadd.s32 s2, s12  }
0x8e: {  	[smem:$0x3FC6] =	sst s2  }
0x8f: {  	_ = 	snop  }
0x90: {  	s13 =	sld [smem:$0x3FC9]  }
0x91: {  	s4 =	sld [smem:$0x3FC8]  }
0x92: {  	s5 =	sld [smem:$0x3FD0];
	(tm) =	ssettm $0x1  }
0x93: {  	s14 =	sld [smem:$0x3FFB];
	_ =	sdelay $0x3  }
0x94: {  	_ =	strace s14  }
0x95: {  	s2 =	sld [smem:$0x3FFC];
	_ =	sdelay $0x3  }
0x96: {  	_ =	strace s2  }
0x97: {  	s2 =	sld [smem:$0x3FFD];
	_ =	sdelay $0x3  }
0x98: {  	_ =	strace s2  }
0x99: {  	_ =	strace $0x8FFFFFFF  }
0x9a: {  	s15 =	sld [smem:$0x3FDB];
	_ =	sdelay $0x1  }
0x9b: {  	s6 =	simm.s32 $_scs_section_size  }
0x9c: {  	s7 =	simm.s32 $_size__tile_task_arg_handler_lowered;
	s8 =	simm.s32 $_tile_task_arg_handler_lowered  }
0x9d: {  	s18 =	simm.s32 $0x1BFF;
	s17 =	sshll.u32 s8, $0x1;
	s6 =	sadd.s32 s6, s15  }
0x9e: {  	s9 =	simm.s32 $0x60;
	s16 =	sshll.u32 s7, $0x1;
	s7 =	sadd.s32 s17, s6  }
0x9f: {  	[timem:s9], [sflag:s18] =	dma.local [hbm:s7], s16  }
0xa0: {  	_ =	swait.ge [sflag:s18], s16  }
0xa1: {  	s19 =	simm.s32 $_tile_overlayer_lowered;
	s2 =	ssub.s32 $0x0, s16;
	[sflag:s18] =	ssyncset.done $0x0  }
0xa2: {  	s20 =	simm.s32 $_size__tile_overlayer_lowered;
	s7 =	sshll.u32 s19, $0x1;
	[sflag:s18] =	ssyncadd.s32 s2  }
0xa3: {  	s22 =	simm.s32 $0x0;
	s21 =	sshll.u32 s20, $0x1;
	s7 =	sadd.s32 s7, s6  }
0xa4: {  	[timem:s22], [sflag:s18] =	dma.local [hbm:s7], s21  }
0xa5: {  	_ =	swait.ge [sflag:s18], s21  }
0xa6: {  	s23 =	ssub.s32 $0x0, s21;
	[sflag:s18] =	ssyncset.done $0x0  }
0xa7: {  	[sflag:s18] =	ssyncadd.s32 s23;
	_ =	sdelay $0x1  }
0xa8: {  	s24 =	simm.s32 $0x1B8B  }
0xa9: {  	_ =	swait.ge [sflag:s24], $0x1  }
0xaa: {  	[sflag:s24] =	ssyncset.done $0x0  }
0xab: {  	s25 =	simm.s32 $0x1B8E;
	[sflag:s24] =	ssyncadd.s32 $0xFFFFFFFF  }
0xac: {  	s26 =	simm.s32 $execute0_lowered;
	[smem:$0x3FD2] =	sst s25  }
0xad: {  	s7 =	sshll.u32 s26, $0x1;
	_ =	strace $0x80000046;
	[dreg:$0x1] =	wrdreg $0xFFFFFFFF  }
0xae: {  	s28 =	simm.s32 $_size_execute0_lowered;
	s6 =	sadd.s32 s6, s7;
	[dreg:$0x0] =	wrdreg $0x0  }
0xaf: {  	s7 =	sshll.u32 s28, $0x1;
	[dreg:$0x2] =	wrdreg s6  }
0xb0: {  	[dreg:$0x3] =	wrdreg s7  }
0xb1: {  	[dreg:$0x4] =	wrdreg $0xC0  }
0xb2: {  	_ =	task [dreg:s22], $0x5FFFF  }
0xb3: {  	[dreg:$0x1] =	wrdreg $0xFFFFFFFF  }
0xb4: {  	[dreg:$0x0] =	wrdreg $0x30  }
0xb5: {  	[dreg:$0x2] =	wrdreg $0x0  }
0xb6: {  	[dreg:$0x3] =	wrdreg $0x9  }
0xb7: {  	_ =	task [dreg:s22], $0x4FFFF  }
0xb8: {  	[dreg:$0x1] =	wrdreg $0xFFFFFFFF  }
0xb9: {  	[dreg:$0x0] =	wrdreg $0x60  }
0xba: {  	[dreg:$0x2] =	wrdreg s4  }
0xbb: {  	[dreg:$0x3] =	wrdreg s13  }
0xbc: {  	[dreg:$0x4] =	wrdreg s5  }
0xbd: {  	[dreg:$0x5] =	wrdreg $0x0  }
0xbe: {  	[dreg:$0x6] =	wrdreg $0x18700  }
0xbf: {  	[dreg:$0x7] =	wrdreg $0x30E00  }
0xc0: {  	[dreg:$0x8] =	wrdreg $0x49500  }
0xc1: {  	[dreg:$0x9] =	wrdreg $0x61C00  }
0xc2: {  	[dreg:$0xa] =	wrdreg $0x7A300  }
0xc3: {  	[dreg:$0xb] =	wrdreg $0x92A00  }
0xc4: {  	[dreg:$0xc] =	wrdreg $0xAB100  }
0xc5: {  	[dreg:$0xd] =	wrdreg $0xC3800  }
0xc6: {  	[dreg:$0xe] =	wrdreg $0xDBF00  }
0xc7: {  	[dreg:$0xf] =	wrdreg $0xF4600  }
0xc8: {  	_ =	task.clear_ibuf [dreg:s22], $0x10FFFF;
	_ =	strace $0x90000046  }
0xc9: {  	s29 =	simm.s32 $0x9;
	_ =	strace $0x80000048  }
0xca: {  	_ =	swait.ge [sflag:s29], $0x1  }
0xcb: {  	[sflag:s29] =	ssyncadd.s32 $0xFFFFFFFF  }
0xcc: {  	_ =	strace $0x90000048  }
0xcd: {  	_ =	sfence  }
0xce: {  	s30 =	sld [smem:$0x0];
	_ =	sdelay $0x2  }
0xcf: {  	s31 =	sshll.u32 s1, $0xD;
	s1 =	sshrl.u32 s1, $0x2  }
0xd0: {  	s4 =	sand.u32 $0x4000, s31;
	s1 =	sadd.s32 s1, s30  }
0xd1: {  	s0 =	sor.u32 s4, s0;
	s1 =	sshll.u32 s1, $0x11  }
0xd2: {  	s0 =	sor.u32 s1, s0  }
0xd3: {  	s0 =	sadd.s32 $0x8F2B, s0  }
0xd4: {  	[sflag:s0] =	ssyncadd.remote.s32 $0x1  }
0xd5: {  	_ =	sfence.sel $0xFFFF  }
0xd6: {  	[dreg:$0x0] =	wrdreg $0xFFFFFFFF;
	(pc) =	sbr.abs _section_cstart, $3  }
0xd7: {  	[dreg:$0x1] =	wrdreg $0xFFFFFFFF  }
0xd8: {  	_ =	task.clear_ibuf [dreg:s22], $0x2FFFF;
	_ =	strace $0x9FFFFFFF  }
0xd9: {  	(tm) =	ssettm $0x7FFFFFFF  }
tec
_tile_task_arg_handler_lowered:
.L_overlay_start_1:
0x0: {  	(tag) =	ssettag $0x1  }
0x1: {  	s0 =	rddreg [dreg:$0x0]  }
0x2: {  	s1 =	rddreg [dreg:$0x1]  }
0x3: {  	s2 =	rddreg [dreg:$0x2]  }
0x4: {  	s3 =	rddreg [dreg:$0x3]  }
0x5: {  	s4 =	rddreg [dreg:$0x4]  }
0x6: {  	s5 =	rddreg [dreg:$0x5]  }
0x7: {  	s6 =	rddreg [dreg:$0x6]  }
0x8: {  	s7 =	rddreg [dreg:$0x7]  }
0x9: {  	s8 =	rddreg [dreg:$0x8]  }
0xa: {  	s9 =	rddreg [dreg:$0x9]  }
0xb: {  	s10 =	rddreg [dreg:$0xa]  }
0xc: {  	s11 =	rddreg [dreg:$0xb]  }
0xd: {  	s12 =	rddreg [dreg:$0xc]  }
0xe: {  	s13 =	rddreg [dreg:$0xd]  }
0xf: {  	[smem:s0] =	sst s1  }
0x10: {  	[smem:s0+$0x1] =	sst s2  }
0x11: {  	[smem:s0+$0x2] =	sst s3  }
0x12: {  	[smem:s0+$0x3] =	sst s4  }
0x13: {  	[smem:s0+$0x4] =	sst s5  }
0x14: {  	[smem:s0+$0x5] =	sst s6  }
0x15: {  	[smem:s0+$0x6] =	sst s7  }
0x16: {  	[smem:s0+$0x7] =	sst s8  }
0x17: {  	[smem:s0+$0x8] =	sst s9  }
0x18: {  	[smem:s0+$0x9] =	sst s10  }
0x19: {  	[smem:s0+$0xA] =	sst s11  }
0x1a: {  	[smem:s0+$0xB] =	sst s12  }
0x1b: {  	[smem:s0+$0xC] =	sst s13;
	_ =	shalt  }
.Lfunc_end2:
execute0_lowered:
.L_overlay_start_2:
0x1c: {  	(tag) =	ssettag $0x2  }
0x1d: {  	s0 =	srdreg.scid;
	s3 =	rddreg [dreg:$0x0]  }
0x1e: {  	s28 =	rddreg [dreg:$0x9];
	s1 =	sand.u32 $0x1, s0  }
0x1f: {  	s0 =	simm.s32 $0x0;
	s9 =	sadd.s32 $0x10, s3;
	s10 =	sadd.s32 $0x50, s3  }
0x20: {  	s12 =	sadd.s32 $0x40, s3;
	s14 =	sadd.s32 $0x70, s3;
	s20 =	smul.u32 $0x61C00, s1  }
0x21: {  	s4 =	sshll.u32 s1, $0x2;
	s2 =	ssub.s32 $0x2, s1;
	[smem:$0x7FF] =	sst s0  }
0x22: {  	s5 =	sor.u32 $0x1, s4;
	s6 =	sshrl.u32 s2, $0x1;
	s15 =	sadd.s32 s20, s14  }
0x23: {  	s7 =	smul.u32 $0x18700, s5;
	s21 =	sadd.s32 s20, s10;
	[dreg:$0x11] =	wrdreg s15  }
0x24: {  	s2 =	ssub.s32 s2, s6;
	s22 =	sadd.s32 s20, s12;
	[dreg:$0x13] =	wrdreg s21  }
0x25: {  	s6 =	sadd.s32 $0x20, s3;
	s25 =	sadd.s32 s20, s9;
	[dreg:$0x14] =	wrdreg s22  }
0x26: {  	s24 =	sadd.s32 s20, s6;
	[dreg:$0x17] =	wrdreg s25  }
0x27: {  	s19 =	sadd.s32 s7, s6;
	[dreg:$0x16] =	wrdreg s24  }
0x28: {  	s11 =	sadd.s32 s7, s9;
	[dreg:$0xe] =	wrdreg s19  }
0x29: {  	s15 =	sadd.s32 $0x60, s3;
	s13 =	sadd.s32 s3, s7;
	[dreg:$0xf] =	wrdreg s11  }
0x2a: {  	s16 =	sadd.s32 s20, s15;
	[dreg:$0x10] =	wrdreg s13  }
0x2b: {  	s8 =	sor.u32 $0x2, s4;
	s26 =	sadd.s32 s7, s14;
	[dreg:$0x12] =	wrdreg s16  }
0x2c: {  	s4 =	smul.u32 $0x18700, s8;
	s17 =	sadd.s32 s7, s12;
	[dreg:$0x19] =	wrdreg s26  }
0x2d: {  	s18 =	sadd.s32 s7, s10;
	[dreg:$0x1b] =	wrdreg s17  }
0x2e: {  	s22 =	sadd.s32 s4, s6;
	[dreg:$0x1c] =	wrdreg s18  }
0x2f: {  	s24 =	sadd.s32 s4, s9;
	[smem:$0x7CC] =	sst s22  }
0x30: {  	s25 =	sadd.s32 s3, s4;
	[smem:$0x7CD] =	sst s24  }
0x31: {  	s11 =	sadd.s32 s3, s20;
	[smem:$0x7CE] =	sst s25  }
0x32: {  	s19 =	sadd.s32 s4, s10;
	[dreg:$0x18] =	wrdreg s11  }
0x33: {  	s26 =	sadd.s32 s4, s15;
	[dreg:$0x1e] =	wrdreg s19  }
0x34: {  	s13 =	sadd.s32 $0x30, s3;
	[smem:$0x7CF] =	sst s26  }
0x35: {  	s23 =	sadd.s32 s20, s13;
	s26 =	rddreg [dreg:$0x1]  }
0x36: {  	s16 =	sadd.s32 s7, s13;
	[dreg:$0x15] =	wrdreg s23  }
0x37: {  	s7 =	sadd.s32 s7, s15;
	[dreg:$0x1a] =	wrdreg s16  }
0x38: {  	s20 =	sadd.s32 s4, s12;
	[dreg:$0x1d] =	wrdreg s7  }
0x39: {  	s21 =	sadd.s32 s4, s13;
	[dreg:$0x1f] =	wrdreg s20  }
0x3a: {  	s4 =	sadd.s32 s4, s14;
	[smem:$0x7CB] =	sst s21  }
0x3b: {  	s11 =	sshllo.u32 s1, $0x2;
	[smem:$0x7D0] =	sst s4  }
0x3c: {  	s23 =	smul.u32 $0x18700, s11;
	s4 =	rddreg [dreg:$0x4]  }
0x3d: {  	s7 =	rddreg [dreg:$0x6]  }
0x3e: {  	s19 =	sadd.s32 s23, s13;
	s13 =	rddreg [dreg:$0x3]  }
0x3f: {  	s3 =	sadd.s32 s3, s23;
	s18 =	sadd.s32 s23, s6;
	s6 =	rddreg [dreg:$0x5]  }
0x40: {  	s17 =	sadd.s32 s23, s9;
	s9 =	sshll.u32 s8, $0xE;
	s8 =	rddreg [dreg:$0x7]  }
0x41: {  	[smem:$0x7D1] =	sst s3  }
0x42: {  	[smem:$0x7D2] =	sst s17  }
0x43: {  	[smem:$0x7D3] =	sst s18  }
0x44: {  	s3 =	rddreg [dreg:$0x2]  }
0x45: {  	s20 =	sadd.s32 s23, s12;
	[smem:$0x7D4] =	sst s19  }
0x46: {  	s21 =	sadd.s32 s23, s10;
	[smem:$0x7D5] =	sst s20  }
0x47: {  	s22 =	sadd.s32 s23, s15;
	s23 =	sadd.s32 s23, s14;
	[smem:$0x7D6] =	sst s21  }
0x48: {  	s1 =	sshll.u32 s1, $0x10;
	[smem:$0x7D8] =	sst s23;
	s23 =	sadd.s32 $0x70, s3  }
0x49: {  	[smem:$0x7D7] =	sst s22;
	s22 =	sadd.s32 $0x60, s3;
	s17 =	sadd.s32 s1, s23  }
0x4a: {  	s12 =	sadd.s32 $0x50, s3;
	s24 =	sadd.s32 s1, s22;
	[smem:$0x7D9] =	sst s17  }
0x4b: {  	s15 =	sadd.s32 $0x40, s3;
	s25 =	sadd.s32 s1, s12;
	[smem:$0x7DA] =	sst s24  }
0x4c: {  	s16 =	sadd.s32 $0x30, s3;
	s18 =	sadd.s32 s1, s15;
	[smem:$0x7DB] =	sst s25  }
0x4d: {  	s10 =	sadd.s32 $0x20, s3;
	s19 =	sadd.s32 s1, s16;
	[smem:$0x7DC] =	sst s18  }
0x4e: {  	s14 =	sadd.s32 $0x10, s3;
	s20 =	sadd.s32 s1, s10;
	[smem:$0x7DD] =	sst s19  }
0x4f: {  	s21 =	sadd.s32 s1, s14;
	[smem:$0x7DE] =	sst s20  }
0x50: {  	s1 =	sadd.s32 s3, s1;
	[smem:$0x7DF] =	sst s21  }
0x51: {  	s5 =	sshll.u32 s5, $0xE;
	[smem:$0x7E0] =	sst s1  }
0x52: {  	s17 =	rddreg [dreg:$0x8];
	s24 =	sadd.s32 s5, s10  }
0x53: {  	s25 =	sadd.s32 s5, s14;
	[smem:$0x7E1] =	sst s24  }
0x54: {  	s18 =	sadd.s32 s3, s5;
	[smem:$0x7E2] =	sst s25  }
0x55: {  	s19 =	sadd.s32 s5, s23;
	[smem:$0x7E3] =	sst s18  }
0x56: {  	s20 =	sadd.s32 s5, s16;
	[smem:$0x7E4] =	sst s19  }
0x57: {  	s21 =	sadd.s32 s5, s15;
	[smem:$0x7E5] =	sst s20  }
0x58: {  	[smem:$0x7E6] =	sst s21;
	s24 =	sadd.s32 s5, s12  }
0x59: {  	s25 =	sadd.s32 s5, s22;
	[smem:$0x7E7] =	sst s24  }
0x5a: {  	s5 =	sadd.s32 s9, s12;
	[smem:$0x7E8] =	sst s25  }
0x5b: {  	s18 =	sadd.s32 s9, s15;
	[smem:$0x7E9] =	sst s5  }
0x5c: {  	s19 =	sadd.s32 s9, s16;
	[smem:$0x7EA] =	sst s18  }
0x5d: {  	s20 =	sadd.s32 s9, s10;
	[smem:$0x7EB] =	sst s19  }
0x5e: {  	s21 =	sadd.s32 s9, s14;
	[smem:$0x7EC] =	sst s20  }
0x5f: {  	[smem:$0x7ED] =	sst s21;
	s24 =	sadd.s32 s3, s9;
	s25 =	sadd.s32 s9, s22  }
0x60: {  	s5 =	sadd.s32 s9, s23;
	s9 =	sshll.u32 s11, $0xE;
	s11 =	rddreg [dreg:$0xa]  }
0x61: {  	s18 =	rddreg [dreg:$0xc]  }
0x62: {  	[smem:$0x7EE] =	sst s24  }
0x63: {  	[smem:$0x7EF] =	sst s25  }
0x64: {  	[smem:$0x7F0] =	sst s5  }
0x65: {  	s20 =	sadd.s32 s9, s14;
	s14 =	rddreg [dreg:$0xb]  }
0x66: {  	s3 =	sadd.s32 s3, s9;
	s25 =	sld [smem:$0x0]  }
0x67: {  	s30 =	simm.s32 $0x10CD0;
	[smem:$0x7F1] =	sst s3  }
0x68: {  	s21 =	sadd.s32 s9, s10;
	s24 =	sadd.s32 s9, s16;
	[smem:$0x7F2] =	sst s20  }
0x69: {  	[smem:$0x7F4] =	sst s24;
	s24 =	sadd.s32 s9, s23;
	s23 =	stileid.u32  }
0x6a: {  	s31 =	simm.s32 $0x2;
	[smem:$0x7F3] =	sst s21;
	p2 =	seq.s32 s23, $0x0  }
0x6b: {  	s29 =	simm.s32 $0x80;
	s21 =	rddreg [dreg:$0xd];
	s1 =	simm.s32 @!p2 $0x0  }
0x6c: {  	[smem:$0x7F5] =	sst s25;
	s1 =	simm.s32 @p2 $0x1;
	p2 =	seq.s32 s23, $0x1  }
0x6d: {  	_ =	strace $0x80000047;
	[smem:$0x7F6] =	sst s1;
	s1 =	simm.s32 @!p2 $0x0  }
0x6e: {  	s19 =	sadd.s32 s9, s15;
	s1 =	simm.s32 @p2 $0x1;
	p2 =	seq.s32 s23, $0x3  }
0x6f: {  	s22 =	sadd.s32 s9, s22;
	[smem:$0x7F7] =	sst s1;
	s1 =	simm.s32 @!p2 $0x0  }
0x70: {  	s5 =	simm.s32 $0x1C02;
	s1 =	simm.s32 @p2 $0x1;
	p2 =	seq.s32 s23, $0x4  }
0x71: {  	s10 =	simm.s32 $0x14CD0;
	[smem:$0x7F8] =	sst s1;
	s1 =	simm.s32 @!p2 $0x0  }
0x72: {  	s20 =	sadd.s32 s9, s12;
	s1 =	simm.s32 @p2 $0x1;
	p2 =	seq.s32 s23, $0x6  }
0x73: {  	s3 =	simm.s32 $0x10;
	[smem:$0x7F9] =	sst s1;
	s1 =	simm.s32 @!p2 $0x0  }
0x74: {  	s9 =	simm.s32 $0x4000;
	s1 =	simm.s32 @p2 $0x1;
	p2 =	seq.s32 s23, $0x7  }
0x75: {  	s12 =	simm.s32 $0x400;
	[smem:$0x7FA] =	sst s1;
	s1 =	simm.s32 @!p2 $0x0  }
0x76: {  	p0 =	sgt.s32 s23, $0x4;
	s1 =	simm.s32 @p2 $0x1;
	p2 =	seq.s32 s23, $0x9  }
0x77: {  	p1 =	sgt.s32 s23, $0x1;
	[smem:$0x7FB] =	sst s1;
	s1 =	simm.s32 @!p2 $0x0  }
0x78: {  	p4 =	seq.s32 s23, $0x2;
	s1 =	simm.s32 @p2 $0x1;
	p2 =	sne.s32 s23, $0xA  }
0x79: {  	p3 =	sgt.s32 s23, $0x7;
	[smem:$0x7FC] =	sst s1;
	s1 =	simm.s32 @!p2 $0x0  }
0x7a: {  	p6 =	seq.s32 s23, $0x5;
	p5 =	seq.s32 s23, $0x8;
	s1 =	simm.s32 @p2 $0x1  }
0x7b: {  	s25 =	smax.u32 s2, $0x1;
	s2 =	simm.s32 $0x1;
	[smem:$0x7FD] =	sst s1  }
.LBB3_1:
.Ltmp0:
0x7c: {  	(pc) =	sbr.rel @!p0 .LBB3_2-.Ltmp0, $4  }
0x7d: {  	[tilespmem:s30], [sflag:$0x2] =	stream.linear.gather [hbm4b:s26+s0], $0x4000, $0x38;
	[tilespmem:$0x18CD0] =	vst v63  }
0x7e: {  	_ =	swait.ge [sflag:s31], $0x4000  }
0x7f: {  	[sflag:s31] =	ssyncset.done $0x0  }
0x80: {  	[sflag:s31] =	ssyncadd.s32 $0xFFFFC000  }
.Ltmp1:
0x81: {  	(pc) =	sbr.rel @p3 .LBB3_15-.Ltmp1, $1  }
0x82: {  	_ =	sdelay $0x3  }
.Ltmp2:
0x83: {  	(pc) =	sbr.rel @p6 .LBB3_22-.Ltmp2, $1  }
0x84: {  	_ =	sdelay $0x3  }
0x85: {  	s1 =	sld [smem:$0x7FA];
	_ =	sdelay $0x2  }
0x86: {  	p2 =	seq.s32 s1, $0x1  }
.Ltmp3:
0x87: {  	_ = 	snop;
	(pc) =	sbr.rel @p2 .LBB3_23-.Ltmp3, $1  }
0x88: {  	_ =	sdelay $0x3  }
0x89: {  	s1 =	sld [smem:$0x7FB];
	_ =	sdelay $0x2  }
0x8a: {  	p2 =	seq.s32 s1, $0x1  }
.Ltmp4:
0x8b: {  	_ = 	snop;
	(pc) =	sbr.rel @!p2 .LBB3_27-.Ltmp4, $1  }
0x8c: {  	_ =	sdelay $0x3  }
0x8d: {  	s1 =	sshrl.u32 s11, $0x3;
	s15 =	rddreg [dreg:$0x11];
	s16 =	simm.s32 $0x1DC2  }
0x8e: {  	[spmem:s1@s3], [sflag:s16] =	dma.strided [hbm:s15@s29], $0x30E0, s2, $0x10   }
0x8f: {  	_ =	swait.ge [sflag:s31], $0x30E0  }
0x90: {  	[sflag:s31] =	ssyncset.done $0x0  }
0x91: {  	[sflag:s31] =	ssyncadd.s32 $0xFFFFCF20  }
0x92: {  	[tilespmem:s10], [sflag:$0x1] =	stream.indirect.gather [spmem:s11], $0x1, s30, s9, $0xb8;
	[tilespmem:$0x18CD0] =	vst v63  }
0x93: {  	_ =	swait.ge [sflag:s2], $0x4000  }
0x94: {  	s15 =	sld [smem:$0x7D9]  }
0x95: {  	[sflag:s2] =	ssyncset.done $0x0  }
0x96: {  	[sflag:s2] =	ssyncadd.s32 $0xFFFFC000  }
0x97: {  	[hbm4b:s15+s29] =	stream.strided.scatter [tilespmem:s10], [sflag:$0x2], $0x4000, s12, s29, $0x38;
	[tilespmem:$0x18CD0] =	vst v63  }
0x98: {  	_ =	swait.ge [sflag:s31], $0x4000  }
0x99: {  	s15 =	sld [smem:$0x7CC]  }
0x9a: {  	[sflag:s31] =	ssyncset.done $0x0  }
0x9b: {  	[sflag:s31] =	ssyncadd.s32 $0xFFFFC000  }
0x9c: {  	[spmem:s1@s3], [sflag:s16] =	dma.strided [hbm:s15@s29], $0x30E0, s2, $0x10   }
0x9d: {  	_ =	swait.ge [sflag:s31], $0x30E0  }
0x9e: {  	[sflag:s31] =	ssyncset.done $0x0  }
0x9f: {  	[sflag:s31] =	ssyncadd.s32 $0xFFFFCF20  }
0xa0: {  	[tilespmem:s10], [sflag:$0x1] =	stream.indirect.gather [spmem:s11], $0x1, s30, s9, $0xb8;
	[tilespmem:$0x18CD0] =	vst v63  }
0xa1: {  	_ =	swait.ge [sflag:s2], $0x4000  }
0xa2: {  	s16 =	sld [smem:$0x7EC]  }
0xa3: {  	[sflag:s2] =	ssyncset.done $0x0  }
0xa4: {  	[sflag:s2] =	ssyncadd.s32 $0xFFFFC000  }
0xa5: {  	[hbm4b:s16+s29] =	stream.strided.scatter [tilespmem:s10], [sflag:$0x2], $0x4000, s12, s29, $0x38;
	[tilespmem:$0x18CD0] =	vst v63  }
0xa6: {  	s16 =	sshll.u32 s23, $0x6;
	_ =	swait.ge [sflag:s31], $0x4000  }
.Ltmp5:
0xa7: {  	s15 =	sor.u32 $0x1C02, s16;
	s16 =	sld [smem:$0x7D6];
	(pc) =	sbr.rel .LBB3_26-.Ltmp5, $4  }
0xa8: {  	[sflag:s31] =	ssyncset.done $0x0  }
0xa9: {  	[sflag:s31] =	ssyncadd.s32 $0xFFFFC000  }
0xaa: {  	[spmem:s1@s3], [sflag:s15] =	dma.strided [hbm:s16@s29], $0x30E0, s2, $0x10   }
0xab: {  	s1 =	smov.u32 s11;
	s15 =	smov.u32 s20  }
.LBB3_2:
.Ltmp6:
0xac: {  	(pc) =	sbr.rel @!p1 .LBB3_3-.Ltmp6, $1  }
0xad: {  	_ =	sdelay $0x3  }
.Ltmp7:
0xae: {  	(pc) =	sbr.rel @p4 .LBB3_20-.Ltmp7, $1  }
0xaf: {  	_ =	sdelay $0x3  }
0xb0: {  	s1 =	sld [smem:$0x7F8];
	_ =	sdelay $0x2  }
0xb1: {  	p2 =	seq.s32 s1, $0x1  }
.Ltmp8:
0xb2: {  	_ = 	snop;
	(pc) =	sbr.rel @p2 .LBB3_21-.Ltmp8, $1  }
0xb3: {  	_ =	sdelay $0x3  }
0xb4: {  	s1 =	sld [smem:$0x7F9];
	_ =	sdelay $0x2  }
0xb5: {  	p2 =	seq.s32 s1, $0x1  }
.Ltmp9:
0xb6: {  	_ = 	snop;
	(pc) =	sbr.rel @!p2 .LBB3_27-.Ltmp9, $1  }
0xb7: {  	_ =	sdelay $0x3  }
0xb8: {  	s1 =	sshrl.u32 s8, $0x3;
	s15 =	rddreg [dreg:$0x14];
	s16 =	simm.s32 $0x1D02  }
0xb9: {  	[spmem:s1@s3], [sflag:s16] =	dma.strided [hbm:s15@s29], $0x30E0, s2, $0x10   }
0xba: {  	_ =	swait.ge [sflag:s31], $0x30E0  }
0xbb: {  	[sflag:s31] =	ssyncset.done $0x0  }
0xbc: {  	[sflag:s31] =	ssyncadd.s32 $0xFFFFCF20  }
0xbd: {  	[tilespmem:s10], [sflag:$0x1] =	stream.indirect.gather [spmem:s8], $0x1, s30, s9, $0xb8;
	[tilespmem:$0x18CD0] =	vst v63  }
0xbe: {  	_ =	swait.ge [sflag:s2], $0x4000  }
0xbf: {  	s15 =	sld [smem:$0x7DC]  }
0xc0: {  	[sflag:s2] =	ssyncset.done $0x0  }
0xc1: {  	[sflag:s2] =	ssyncadd.s32 $0xFFFFC000  }
0xc2: {  	[hbm4b:s15+s29] =	stream.strided.scatter [tilespmem:s10], [sflag:$0x2], $0x4000, s12, s29, $0x38;
	[tilespmem:$0x18CD0] =	vst v63  }
0xc3: {  	_ =	swait.ge [sflag:s31], $0x4000  }
0xc4: {  	[sflag:s31] =	ssyncset.done $0x0  }
0xc5: {  	s15 =	rddreg [dreg:$0x19];
	[sflag:s31] =	ssyncadd.s32 $0xFFFFC000  }
0xc6: {  	[spmem:s1@s3], [sflag:s16] =	dma.strided [hbm:s15@s29], $0x30E0, s2, $0x10   }
0xc7: {  	_ =	swait.ge [sflag:s31], $0x30E0  }
0xc8: {  	[sflag:s31] =	ssyncset.done $0x0  }
0xc9: {  	[sflag:s31] =	ssyncadd.s32 $0xFFFFCF20  }
0xca: {  	[tilespmem:s10], [sflag:$0x1] =	stream.indirect.gather [spmem:s8], $0x1, s30, s9, $0xb8;
	[tilespmem:$0x18CD0] =	vst v63  }
0xcb: {  	_ =	swait.ge [sflag:s2], $0x4000  }
0xcc: {  	s16 =	sld [smem:$0x7E4]  }
0xcd: {  	[sflag:s2] =	ssyncset.done $0x0  }
0xce: {  	[sflag:s2] =	ssyncadd.s32 $0xFFFFC000  }
0xcf: {  	[hbm4b:s16+s29] =	stream.strided.scatter [tilespmem:s10], [sflag:$0x2], $0x4000, s12, s29, $0x38;
	[tilespmem:$0x18CD0] =	vst v63  }
0xd0: {  	s16 =	sshll.u32 s23, $0x6;
	_ =	swait.ge [sflag:s31], $0x4000  }
.Ltmp10:
0xd1: {  	s15 =	sor.u32 $0x1C02, s16;
	s16 =	sld [smem:$0x7D3];
	(pc) =	sbr.rel .LBB3_26-.Ltmp10, $4  }
0xd2: {  	[sflag:s31] =	ssyncset.done $0x0  }
0xd3: {  	[sflag:s31] =	ssyncadd.s32 $0xFFFFC000  }
0xd4: {  	[spmem:s1@s3], [sflag:s15] =	dma.strided [hbm:s16@s29], $0x30E0, s2, $0x10   }
0xd5: {  	s1 =	smov.u32 s8;
	s15 =	sld [smem:$0x7F3]  }
.LBB3_15:
.Ltmp11:
0xd6: {  	(pc) =	sbr.rel @p5 .LBB3_24-.Ltmp11, $1  }
0xd7: {  	_ =	sdelay $0x3  }
0xd8: {  	s1 =	sld [smem:$0x7FC];
	_ =	sdelay $0x2  }
0xd9: {  	p2 =	seq.s32 s1, $0x1  }
.Ltmp12:
0xda: {  	_ = 	snop;
	(pc) =	sbr.rel @p2 .LBB3_25-.Ltmp12, $1  }
0xdb: {  	_ =	sdelay $0x3  }
0xdc: {  	s1 =	sld [smem:$0x7FD];
	_ =	sdelay $0x2  }
0xdd: {  	p2 =	seq.s32 s1, $0x1  }
.Ltmp13:
0xde: {  	_ = 	snop;
	(pc) =	sbr.rel @p2 .LBB3_27-.Ltmp13, $1  }
0xdf: {  	_ =	sdelay $0x3  }
0xe0: {  	s1 =	sshrl.u32 s21, $0x3;
	s15 =	rddreg [dreg:$0xe];
	s16 =	simm.s32 $0x1E82  }
0xe1: {  	[spmem:s1@s3], [sflag:s16] =	dma.strided [hbm:s15@s29], $0x30E0, s2, $0x10   }
0xe2: {  	_ =	swait.ge [sflag:s31], $0x30E0  }
0xe3: {  	[sflag:s31] =	ssyncset.done $0x0  }
0xe4: {  	[sflag:s31] =	ssyncadd.s32 $0xFFFFCF20  }
0xe5: {  	[tilespmem:s10], [sflag:$0x1] =	stream.indirect.gather [spmem:s21], $0x1, s30, s9, $0xb8;
	[tilespmem:$0x18CD0] =	vst v63  }
0xe6: {  	_ =	swait.ge [sflag:s2], $0x4000  }
0xe7: {  	s15 =	sld [smem:$0x7E1]  }
0xe8: {  	[sflag:s2] =	ssyncset.done $0x0  }
0xe9: {  	[sflag:s2] =	ssyncadd.s32 $0xFFFFC000  }
0xea: {  	[hbm4b:s15+s29] =	stream.strided.scatter [tilespmem:s10], [sflag:$0x2], $0x4000, s12, s29, $0x38;
	[tilespmem:$0x18CD0] =	vst v63  }
.Ltmp14:
0xeb: {  	_ =	swait.ge [sflag:s31], $0x4000;
	(pc) =	sbr.rel .LBB3_26-.Ltmp14, $4  }
0xec: {  	[sflag:s31] =	ssyncset.done $0x0  }
0xed: {  	s15 =	rddreg [dreg:$0x1e];
	[sflag:s31] =	ssyncadd.s32 $0xFFFFC000  }
0xee: {  	[spmem:s1@s3], [sflag:s16] =	dma.strided [hbm:s15@s29], $0x30E0, s2, $0x10   }
0xef: {  	s1 =	smov.u32 s21;
	s15 =	sld [smem:$0x7E9]  }
.LBB3_3:
0xf0: {  	s1 =	sld [smem:$0x7F6];
	_ =	sdelay $0x2  }
0xf1: {  	p2 =	seq.s32 s1, $0x1  }
.Ltmp15:
0xf2: {  	_ = 	snop;
	(pc) =	sbr.rel @p2 .LBB3_19-.Ltmp15, $1  }
0xf3: {  	_ =	sdelay $0x3  }
0xf4: {  	s1 =	sld [smem:$0x7F7];
	_ =	sdelay $0x2  }
0xf5: {  	p2 =	seq.s32 s1, $0x1  }
.Ltmp16:
0xf6: {  	_ = 	snop;
	(pc) =	sbr.rel @!p2 .LBB3_27-.Ltmp16, $1  }
0xf7: {  	_ =	sdelay $0x3  }
0xf8: {  	s1 =	sshrl.u32 s4, $0x3;
	s15 =	rddreg [dreg:$0x17];
	s16 =	simm.s32 $0x1C42  }
0xf9: {  	[spmem:s1@s3], [sflag:s16] =	dma.strided [hbm:s15@s29], $0x30E0, s2, $0x10   }
0xfa: {  	_ =	swait.ge [sflag:s31], $0x30E0  }
0xfb: {  	[sflag:s31] =	ssyncset.done $0x0  }
0xfc: {  	[sflag:s31] =	ssyncadd.s32 $0xFFFFCF20  }
0xfd: {  	[tilespmem:s10], [sflag:$0x1] =	stream.indirect.gather [spmem:s4], $0x1, s30, s9, $0xb8;
	[tilespmem:$0x18CD0] =	vst v63  }
0xfe: {  	_ =	swait.ge [sflag:s2], $0x4000  }
0xff: {  	s16 =	sld [smem:$0x7DF]  }
0x100: {  	[sflag:s2] =	ssyncset.done $0x0  }
0x101: {  	[sflag:s2] =	ssyncadd.s32 $0xFFFFC000  }
0x102: {  	[hbm4b:s16+s29] =	stream.strided.scatter [tilespmem:s10], [sflag:$0x2], $0x4000, s12, s29, $0x38;
	[tilespmem:$0x18CD0] =	vst v63  }
0x103: {  	_ =	swait.ge [sflag:s31], $0x4000  }
0x104: {  	s16 =	sshll.u32 s23, $0x6;
	[sflag:s31] =	ssyncset.done $0x0  }
0x105: {  	s15 =	sor.u32 $0x1C02, s16;
	s16 =	rddreg [dreg:$0x1b];
	[sflag:s31] =	ssyncadd.s32 $0xFFFFC000  }
0x106: {  	[spmem:s1@s3], [sflag:s15] =	dma.strided [hbm:s16@s29], $0x30E0, s2, $0x10   }
0x107: {  	_ =	swait.ge [sflag:s31], $0x30E0  }
0x108: {  	[sflag:s31] =	ssyncset.done $0x0  }
0x109: {  	[sflag:s31] =	ssyncadd.s32 $0xFFFFCF20  }
0x10a: {  	[tilespmem:s10], [sflag:$0x1] =	stream.indirect.gather [spmem:s4], $0x1, s30, s9, $0xb8;
	[tilespmem:$0x18CD0] =	vst v63  }
0x10b: {  	_ =	swait.ge [sflag:s2], $0x4000  }
0x10c: {  	s16 =	sld [smem:$0x7E6]  }
0x10d: {  	[sflag:s2] =	ssyncset.done $0x0  }
0x10e: {  	[sflag:s2] =	ssyncadd.s32 $0xFFFFC000  }
0x10f: {  	[hbm4b:s16+s29] =	stream.strided.scatter [tilespmem:s10], [sflag:$0x2], $0x4000, s12, s29, $0x38;
	[tilespmem:$0x18CD0] =	vst v63  }
0x110: {  	_ =	swait.ge [sflag:s31], $0x4000  }
.Ltmp17:
0x111: {  	s16 =	sld [smem:$0x7D0];
	(pc) =	sbr.rel .LBB3_26-.Ltmp17, $4  }
0x112: {  	[sflag:s31] =	ssyncset.done $0x0  }
0x113: {  	[sflag:s31] =	ssyncadd.s32 $0xFFFFC000  }
0x114: {  	[spmem:s1@s3], [sflag:s15] =	dma.strided [hbm:s16@s29], $0x30E0, s2, $0x10   }
0x115: {  	s1 =	smov.u32 s4;
	s15 =	sld [smem:$0x7F0]  }
.LBB3_19:
0x116: {  	s1 =	sshrl.u32 s13, $0x3;
	s15 =	rddreg [dreg:$0x18]  }
0x117: {  	[spmem:s1@s3], [sflag:s5] =	dma.strided [hbm:s15@s29], $0x30E0, s2, $0x10   }
0x118: {  	_ =	swait.ge [sflag:s31], $0x30E0  }
0x119: {  	[sflag:s31] =	ssyncset.done $0x0  }
0x11a: {  	[sflag:s31] =	ssyncadd.s32 $0xFFFFCF20  }
0x11b: {  	[tilespmem:s10], [sflag:$0x1] =	stream.indirect.gather [spmem:s13], $0x1, s30, s9, $0xb8;
	[tilespmem:$0x18CD0] =	vst v63  }
0x11c: {  	_ =	swait.ge [sflag:s2], $0x4000  }
0x11d: {  	s16 =	sld [smem:$0x7E0]  }
0x11e: {  	[sflag:s2] =	ssyncset.done $0x0  }
0x11f: {  	[sflag:s2] =	ssyncadd.s32 $0xFFFFC000  }
0x120: {  	[hbm4b:s16+s29] =	stream.strided.scatter [tilespmem:s10], [sflag:$0x2], $0x4000, s12, s29, $0x38;
	[tilespmem:$0x18CD0] =	vst v63  }
0x121: {  	_ =	swait.ge [sflag:s31], $0x4000  }
0x122: {  	[sflag:s31] =	ssyncset.done $0x0  }
0x123: {  	s16 =	rddreg [dreg:$0x1a];
	[sflag:s31] =	ssyncadd.s32 $0xFFFFC000  }
0x124: {  	[spmem:s1@s3], [sflag:s5] =	dma.strided [hbm:s16@s29], $0x30E0, s2, $0x10   }
0x125: {  	_ =	swait.ge [sflag:s31], $0x30E0  }
0x126: {  	[sflag:s31] =	ssyncset.done $0x0  }
0x127: {  	[sflag:s31] =	ssyncadd.s32 $0xFFFFCF20  }
0x128: {  	[tilespmem:s10], [sflag:$0x1] =	stream.indirect.gather [spmem:s13], $0x1, s30, s9, $0xb8;
	[tilespmem:$0x18CD0] =	vst v63  }
0x129: {  	_ =	swait.ge [sflag:s2], $0x4000  }
0x12a: {  	s16 =	sld [smem:$0x7E5]  }
0x12b: {  	[sflag:s2] =	ssyncset.done $0x0  }
0x12c: {  	[sflag:s2] =	ssyncadd.s32 $0xFFFFC000  }
0x12d: {  	[hbm4b:s16+s29] =	stream.strided.scatter [tilespmem:s10], [sflag:$0x2], $0x4000, s12, s29, $0x38;
	[tilespmem:$0x18CD0] =	vst v63  }
0x12e: {  	_ =	swait.ge [sflag:s31], $0x4000  }
.Ltmp18:
0x12f: {  	s16 =	sld [smem:$0x7CF];
	(pc) =	sbr.rel .LBB3_26-.Ltmp18, $4  }
0x130: {  	[sflag:s31] =	ssyncset.done $0x0  }
0x131: {  	[sflag:s31] =	ssyncadd.s32 $0xFFFFC000  }
0x132: {  	[spmem:s1@s3], [sflag:s5] =	dma.strided [hbm:s16@s29], $0x30E0, s2, $0x10   }
0x133: {  	s1 =	smov.u32 s13;
	s15 =	sld [smem:$0x7EF]  }
.LBB3_21:
0x134: {  	s1 =	sshrl.u32 s7, $0x3;
	s15 =	rddreg [dreg:$0x15];
	s16 =	simm.s32 $0x1CC2  }
0x135: {  	[spmem:s1@s3], [sflag:s16] =	dma.strided [hbm:s15@s29], $0x30E0, s2, $0x10   }
0x136: {  	_ =	swait.ge [sflag:s31], $0x30E0  }
0x137: {  	[sflag:s31] =	ssyncset.done $0x0  }
0x138: {  	[sflag:s31] =	ssyncadd.s32 $0xFFFFCF20  }
0x139: {  	[tilespmem:s10], [sflag:$0x1] =	stream.indirect.gather [spmem:s7], $0x1, s30, s9, $0xb8;
	[tilespmem:$0x18CD0] =	vst v63  }
0x13a: {  	_ =	swait.ge [sflag:s2], $0x4000  }
0x13b: {  	s16 =	sld [smem:$0x7DD]  }
0x13c: {  	[sflag:s2] =	ssyncset.done $0x0  }
0x13d: {  	[sflag:s2] =	ssyncadd.s32 $0xFFFFC000  }
0x13e: {  	[hbm4b:s16+s29] =	stream.strided.scatter [tilespmem:s10], [sflag:$0x2], $0x4000, s12, s29, $0x38;
	[tilespmem:$0x18CD0] =	vst v63  }
0x13f: {  	_ =	swait.ge [sflag:s31], $0x4000  }
0x140: {  	s16 =	sshll.u32 s23, $0x6;
	[sflag:s31] =	ssyncset.done $0x0  }
0x141: {  	s15 =	sor.u32 $0x1C02, s16;
	s16 =	rddreg [dreg:$0x1d];
	[sflag:s31] =	ssyncadd.s32 $0xFFFFC000  }
0x142: {  	[spmem:s1@s3], [sflag:s15] =	dma.strided [hbm:s16@s29], $0x30E0, s2, $0x10   }
0x143: {  	_ =	swait.ge [sflag:s31], $0x30E0  }
0x144: {  	[sflag:s31] =	ssyncset.done $0x0  }
0x145: {  	[sflag:s31] =	ssyncadd.s32 $0xFFFFCF20  }
0x146: {  	[tilespmem:s10], [sflag:$0x1] =	stream.indirect.gather [spmem:s7], $0x1, s30, s9, $0xb8;
	[tilespmem:$0x18CD0] =	vst v63  }
0x147: {  	_ =	swait.ge [sflag:s2], $0x4000  }
0x148: {  	s16 =	sld [smem:$0x7E8]  }
0x149: {  	[sflag:s2] =	ssyncset.done $0x0  }
0x14a: {  	[sflag:s2] =	ssyncadd.s32 $0xFFFFC000  }
0x14b: {  	[hbm4b:s16+s29] =	stream.strided.scatter [tilespmem:s10], [sflag:$0x2], $0x4000, s12, s29, $0x38;
	[tilespmem:$0x18CD0] =	vst v63  }
0x14c: {  	_ =	swait.ge [sflag:s31], $0x4000  }
.Ltmp19:
0x14d: {  	s16 =	sld [smem:$0x7D2];
	(pc) =	sbr.rel .LBB3_26-.Ltmp19, $4  }
0x14e: {  	[sflag:s31] =	ssyncset.done $0x0  }
0x14f: {  	[sflag:s31] =	ssyncadd.s32 $0xFFFFC000  }
0x150: {  	[spmem:s1@s3], [sflag:s15] =	dma.strided [hbm:s16@s29], $0x30E0, s2, $0x10   }
0x151: {  	s1 =	smov.u32 s7;
	s15 =	sld [smem:$0x7F2]  }
.LBB3_23:
0x152: {  	s1 =	sshrl.u32 s28, $0x3;
	s15 =	rddreg [dreg:$0x12];
	s16 =	simm.s32 $0x1D82  }
0x153: {  	[spmem:s1@s3], [sflag:s16] =	dma.strided [hbm:s15@s29], $0x30E0, s2, $0x10   }
0x154: {  	_ =	swait.ge [sflag:s31], $0x30E0  }
0x155: {  	[sflag:s31] =	ssyncset.done $0x0  }
0x156: {  	[sflag:s31] =	ssyncadd.s32 $0xFFFFCF20  }
0x157: {  	[tilespmem:s10], [sflag:$0x1] =	stream.indirect.gather [spmem:s28], $0x1, s30, s9, $0xb8;
	[tilespmem:$0x18CD0] =	vst v63  }
0x158: {  	_ =	swait.ge [sflag:s2], $0x4000  }
0x159: {  	s15 =	sld [smem:$0x7DA]  }
0x15a: {  	[sflag:s2] =	ssyncset.done $0x0  }
0x15b: {  	[sflag:s2] =	ssyncadd.s32 $0xFFFFC000  }
0x15c: {  	[hbm4b:s15+s29] =	stream.strided.scatter [tilespmem:s10], [sflag:$0x2], $0x4000, s12, s29, $0x38;
	[tilespmem:$0x18CD0] =	vst v63  }
0x15d: {  	_ =	swait.ge [sflag:s31], $0x4000  }
0x15e: {  	s15 =	sld [smem:$0x7CD]  }
0x15f: {  	[sflag:s31] =	ssyncset.done $0x0  }
0x160: {  	[sflag:s31] =	ssyncadd.s32 $0xFFFFC000  }
0x161: {  	[spmem:s1@s3], [sflag:s16] =	dma.strided [hbm:s15@s29], $0x30E0, s2, $0x10   }
0x162: {  	_ =	swait.ge [sflag:s31], $0x30E0  }
0x163: {  	[sflag:s31] =	ssyncset.done $0x0  }
0x164: {  	[sflag:s31] =	ssyncadd.s32 $0xFFFFCF20  }
0x165: {  	[tilespmem:s10], [sflag:$0x1] =	stream.indirect.gather [spmem:s28], $0x1, s30, s9, $0xb8;
	[tilespmem:$0x18CD0] =	vst v63  }
0x166: {  	_ =	swait.ge [sflag:s2], $0x4000  }
0x167: {  	s16 =	sld [smem:$0x7ED]  }
0x168: {  	[sflag:s2] =	ssyncset.done $0x0  }
0x169: {  	[sflag:s2] =	ssyncadd.s32 $0xFFFFC000  }
0x16a: {  	[hbm4b:s16+s29] =	stream.strided.scatter [tilespmem:s10], [sflag:$0x2], $0x4000, s12, s29, $0x38;
	[tilespmem:$0x18CD0] =	vst v63  }
0x16b: {  	s16 =	sshll.u32 s23, $0x6;
	_ =	swait.ge [sflag:s31], $0x4000  }
.Ltmp20:
0x16c: {  	s15 =	sor.u32 $0x1C02, s16;
	s16 =	sld [smem:$0x7D5];
	(pc) =	sbr.rel .LBB3_26-.Ltmp20, $4  }
0x16d: {  	[sflag:s31] =	ssyncset.done $0x0  }
0x16e: {  	[sflag:s31] =	ssyncadd.s32 $0xFFFFC000  }
0x16f: {  	[spmem:s1@s3], [sflag:s15] =	dma.strided [hbm:s16@s29], $0x30E0, s2, $0x10   }
0x170: {  	s1 =	smov.u32 s28;
	s15 =	smov.u32 s19  }
.LBB3_25:
0x171: {  	s1 =	sshrl.u32 s18, $0x3;
	s15 =	rddreg [dreg:$0xf];
	s16 =	simm.s32 $0x1E42  }
0x172: {  	[spmem:s1@s3], [sflag:s16] =	dma.strided [hbm:s15@s29], $0x30E0, s2, $0x10   }
0x173: {  	_ =	swait.ge [sflag:s31], $0x30E0  }
0x174: {  	[sflag:s31] =	ssyncset.done $0x0  }
0x175: {  	[sflag:s31] =	ssyncadd.s32 $0xFFFFCF20  }
0x176: {  	[tilespmem:s10], [sflag:$0x1] =	stream.indirect.gather [spmem:s18], $0x1, s30, s9, $0xb8;
	[tilespmem:$0x18CD0] =	vst v63  }
0x177: {  	_ =	swait.ge [sflag:s2], $0x4000  }
0x178: {  	s15 =	sld [smem:$0x7E2]  }
0x179: {  	[sflag:s2] =	ssyncset.done $0x0  }
0x17a: {  	[sflag:s2] =	ssyncadd.s32 $0xFFFFC000  }
0x17b: {  	[hbm4b:s15+s29] =	stream.strided.scatter [tilespmem:s10], [sflag:$0x2], $0x4000, s12, s29, $0x38;
	[tilespmem:$0x18CD0] =	vst v63  }
0x17c: {  	_ =	swait.ge [sflag:s31], $0x4000  }
0x17d: {  	[sflag:s31] =	ssyncset.done $0x0  }
0x17e: {  	s15 =	rddreg [dreg:$0x1f];
	[sflag:s31] =	ssyncadd.s32 $0xFFFFC000  }
0x17f: {  	[spmem:s1@s3], [sflag:s16] =	dma.strided [hbm:s15@s29], $0x30E0, s2, $0x10   }
0x180: {  	_ =	swait.ge [sflag:s31], $0x30E0  }
0x181: {  	[sflag:s31] =	ssyncset.done $0x0  }
0x182: {  	[sflag:s31] =	ssyncadd.s32 $0xFFFFCF20  }
0x183: {  	[tilespmem:s10], [sflag:$0x1] =	stream.indirect.gather [spmem:s18], $0x1, s30, s9, $0xb8;
	[tilespmem:$0x18CD0] =	vst v63  }
0x184: {  	_ =	swait.ge [sflag:s2], $0x4000  }
0x185: {  	s16 =	sld [smem:$0x7EA]  }
0x186: {  	[sflag:s2] =	ssyncset.done $0x0  }
0x187: {  	[sflag:s2] =	ssyncadd.s32 $0xFFFFC000  }
0x188: {  	[hbm4b:s16+s29] =	stream.strided.scatter [tilespmem:s10], [sflag:$0x2], $0x4000, s12, s29, $0x38;
	[tilespmem:$0x18CD0] =	vst v63  }
0x189: {  	s16 =	sshll.u32 s23, $0x6;
	_ =	swait.ge [sflag:s31], $0x4000  }
.Ltmp21:
0x18a: {  	s15 =	sor.u32 $0x1C02, s16;
	s16 =	sld [smem:$0x7D8];
	(pc) =	sbr.rel .LBB3_26-.Ltmp21, $4  }
0x18b: {  	[sflag:s31] =	ssyncset.done $0x0  }
0x18c: {  	[sflag:s31] =	ssyncadd.s32 $0xFFFFC000  }
0x18d: {  	[spmem:s1@s3], [sflag:s15] =	dma.strided [hbm:s16@s29], $0x30E0, s2, $0x10   }
0x18e: {  	s1 =	smov.u32 s18;
	s15 =	smov.u32 s24  }
.LBB3_20:
0x18f: {  	s1 =	sshrl.u32 s6, $0x3;
	s15 =	rddreg [dreg:$0x16];
	s16 =	simm.s32 $0x1C82  }
0x190: {  	[spmem:s1@s3], [sflag:s16] =	dma.strided [hbm:s15@s29], $0x30E0, s2, $0x10   }
0x191: {  	_ =	swait.ge [sflag:s31], $0x30E0  }
0x192: {  	[sflag:s31] =	ssyncset.done $0x0  }
0x193: {  	[sflag:s31] =	ssyncadd.s32 $0xFFFFCF20  }
0x194: {  	[tilespmem:s10], [sflag:$0x1] =	stream.indirect.gather [spmem:s6], $0x1, s30, s9, $0xb8;
	[tilespmem:$0x18CD0] =	vst v63  }
0x195: {  	_ =	swait.ge [sflag:s2], $0x4000  }
0x196: {  	s16 =	sld [smem:$0x7DE]  }
0x197: {  	[sflag:s2] =	ssyncset.done $0x0  }
0x198: {  	[sflag:s2] =	ssyncadd.s32 $0xFFFFC000  }
0x199: {  	[hbm4b:s16+s29] =	stream.strided.scatter [tilespmem:s10], [sflag:$0x2], $0x4000, s12, s29, $0x38;
	[tilespmem:$0x18CD0] =	vst v63  }
0x19a: {  	_ =	swait.ge [sflag:s31], $0x4000  }
0x19b: {  	s16 =	sshll.u32 s23, $0x6;
	[sflag:s31] =	ssyncset.done $0x0  }
0x19c: {  	s15 =	sor.u32 $0x1C02, s16;
	s16 =	rddreg [dreg:$0x1c];
	[sflag:s31] =	ssyncadd.s32 $0xFFFFC000  }
0x19d: {  	[spmem:s1@s3], [sflag:s15] =	dma.strided [hbm:s16@s29], $0x30E0, s2, $0x10   }
0x19e: {  	_ =	swait.ge [sflag:s31], $0x30E0  }
0x19f: {  	[sflag:s31] =	ssyncset.done $0x0  }
0x1a0: {  	[sflag:s31] =	ssyncadd.s32 $0xFFFFCF20  }
0x1a1: {  	[tilespmem:s10], [sflag:$0x1] =	stream.indirect.gather [spmem:s6], $0x1, s30, s9, $0xb8;
	[tilespmem:$0x18CD0] =	vst v63  }
0x1a2: {  	_ =	swait.ge [sflag:s2], $0x4000  }
0x1a3: {  	s16 =	sld [smem:$0x7E7]  }
0x1a4: {  	[sflag:s2] =	ssyncset.done $0x0  }
0x1a5: {  	[sflag:s2] =	ssyncadd.s32 $0xFFFFC000  }
0x1a6: {  	[hbm4b:s16+s29] =	stream.strided.scatter [tilespmem:s10], [sflag:$0x2], $0x4000, s12, s29, $0x38;
	[tilespmem:$0x18CD0] =	vst v63  }
0x1a7: {  	_ =	swait.ge [sflag:s31], $0x4000  }
.Ltmp22:
0x1a8: {  	s16 =	sld [smem:$0x7D1];
	(pc) =	sbr.rel .LBB3_26-.Ltmp22, $4  }
0x1a9: {  	[sflag:s31] =	ssyncset.done $0x0  }
0x1aa: {  	[sflag:s31] =	ssyncadd.s32 $0xFFFFC000  }
0x1ab: {  	[spmem:s1@s3], [sflag:s15] =	dma.strided [hbm:s16@s29], $0x30E0, s2, $0x10   }
0x1ac: {  	s1 =	smov.u32 s6;
	s15 =	sld [smem:$0x7F1]  }
.LBB3_22:
0x1ad: {  	s1 =	sshrl.u32 s17, $0x3;
	s15 =	rddreg [dreg:$0x13];
	s16 =	simm.s32 $0x1D42  }
0x1ae: {  	[spmem:s1@s3], [sflag:s16] =	dma.strided [hbm:s15@s29], $0x30E0, s2, $0x10   }
0x1af: {  	_ =	swait.ge [sflag:s31], $0x30E0  }
0x1b0: {  	[sflag:s31] =	ssyncset.done $0x0  }
0x1b1: {  	[sflag:s31] =	ssyncadd.s32 $0xFFFFCF20  }
0x1b2: {  	[tilespmem:s10], [sflag:$0x1] =	stream.indirect.gather [spmem:s17], $0x1, s30, s9, $0xb8;
	[tilespmem:$0x18CD0] =	vst v63  }
0x1b3: {  	_ =	swait.ge [sflag:s2], $0x4000  }
0x1b4: {  	s15 =	sld [smem:$0x7DB]  }
0x1b5: {  	[sflag:s2] =	ssyncset.done $0x0  }
0x1b6: {  	[sflag:s2] =	ssyncadd.s32 $0xFFFFC000  }
0x1b7: {  	[hbm4b:s15+s29] =	stream.strided.scatter [tilespmem:s10], [sflag:$0x2], $0x4000, s12, s29, $0x38;
	[tilespmem:$0x18CD0] =	vst v63  }
0x1b8: {  	_ =	swait.ge [sflag:s31], $0x4000  }
0x1b9: {  	s15 =	sld [smem:$0x7CE]  }
0x1ba: {  	[sflag:s31] =	ssyncset.done $0x0  }
0x1bb: {  	[sflag:s31] =	ssyncadd.s32 $0xFFFFC000  }
0x1bc: {  	[spmem:s1@s3], [sflag:s16] =	dma.strided [hbm:s15@s29], $0x30E0, s2, $0x10   }
0x1bd: {  	_ =	swait.ge [sflag:s31], $0x30E0  }
0x1be: {  	[sflag:s31] =	ssyncset.done $0x0  }
0x1bf: {  	[sflag:s31] =	ssyncadd.s32 $0xFFFFCF20  }
0x1c0: {  	[tilespmem:s10], [sflag:$0x1] =	stream.indirect.gather [spmem:s17], $0x1, s30, s9, $0xb8;
	[tilespmem:$0x18CD0] =	vst v63  }
0x1c1: {  	_ =	swait.ge [sflag:s2], $0x4000  }
0x1c2: {  	s16 =	sld [smem:$0x7EE]  }
0x1c3: {  	[sflag:s2] =	ssyncset.done $0x0  }
0x1c4: {  	[sflag:s2] =	ssyncadd.s32 $0xFFFFC000  }
0x1c5: {  	[hbm4b:s16+s29] =	stream.strided.scatter [tilespmem:s10], [sflag:$0x2], $0x4000, s12, s29, $0x38;
	[tilespmem:$0x18CD0] =	vst v63  }
0x1c6: {  	s16 =	sshll.u32 s23, $0x6;
	_ =	swait.ge [sflag:s31], $0x4000  }
.Ltmp23:
0x1c7: {  	s15 =	sor.u32 $0x1C02, s16;
	s16 =	sld [smem:$0x7D4];
	(pc) =	sbr.rel .LBB3_26-.Ltmp23, $4  }
0x1c8: {  	[sflag:s31] =	ssyncset.done $0x0  }
0x1c9: {  	[sflag:s31] =	ssyncadd.s32 $0xFFFFC000  }
0x1ca: {  	[spmem:s1@s3], [sflag:s15] =	dma.strided [hbm:s16@s29], $0x30E0, s2, $0x10   }
0x1cb: {  	s1 =	smov.u32 s17;
	s15 =	sld [smem:$0x7F4]  }
.LBB3_24:
0x1cc: {  	s1 =	sshrl.u32 s14, $0x3;
	s15 =	rddreg [dreg:$0x10];
	s16 =	simm.s32 $0x1E02  }
0x1cd: {  	[spmem:s1@s3], [sflag:s16] =	dma.strided [hbm:s15@s29], $0x30E0, s2, $0x10   }
0x1ce: {  	_ =	swait.ge [sflag:s31], $0x30E0  }
0x1cf: {  	[sflag:s31] =	ssyncset.done $0x0  }
0x1d0: {  	[sflag:s31] =	ssyncadd.s32 $0xFFFFCF20  }
0x1d1: {  	[tilespmem:s10], [sflag:$0x1] =	stream.indirect.gather [spmem:s14], $0x1, s30, s9, $0xb8;
	[tilespmem:$0x18CD0] =	vst v63  }
0x1d2: {  	_ =	swait.ge [sflag:s2], $0x4000  }
0x1d3: {  	s15 =	sld [smem:$0x7E3]  }
0x1d4: {  	[sflag:s2] =	ssyncset.done $0x0  }
0x1d5: {  	[sflag:s2] =	ssyncadd.s32 $0xFFFFC000  }
0x1d6: {  	[hbm4b:s15+s29] =	stream.strided.scatter [tilespmem:s10], [sflag:$0x2], $0x4000, s12, s29, $0x38;
	[tilespmem:$0x18CD0] =	vst v63  }
0x1d7: {  	_ =	swait.ge [sflag:s31], $0x4000  }
0x1d8: {  	s15 =	sld [smem:$0x7CB]  }
0x1d9: {  	[sflag:s31] =	ssyncset.done $0x0  }
0x1da: {  	[sflag:s31] =	ssyncadd.s32 $0xFFFFC000  }
0x1db: {  	[spmem:s1@s3], [sflag:s16] =	dma.strided [hbm:s15@s29], $0x30E0, s2, $0x10   }
0x1dc: {  	_ =	swait.ge [sflag:s31], $0x30E0  }
0x1dd: {  	[sflag:s31] =	ssyncset.done $0x0  }
0x1de: {  	[sflag:s31] =	ssyncadd.s32 $0xFFFFCF20  }
0x1df: {  	[tilespmem:s10], [sflag:$0x1] =	stream.indirect.gather [spmem:s14], $0x1, s30, s9, $0xb8;
	[tilespmem:$0x18CD0] =	vst v63  }
0x1e0: {  	_ =	swait.ge [sflag:s2], $0x4000  }
0x1e1: {  	s16 =	sld [smem:$0x7EB]  }
0x1e2: {  	[sflag:s2] =	ssyncset.done $0x0  }
0x1e3: {  	[sflag:s2] =	ssyncadd.s32 $0xFFFFC000  }
0x1e4: {  	[hbm4b:s16+s29] =	stream.strided.scatter [tilespmem:s10], [sflag:$0x2], $0x4000, s12, s29, $0x38;
	[tilespmem:$0x18CD0] =	vst v63  }
0x1e5: {  	s16 =	sshll.u32 s23, $0x6;
	_ =	swait.ge [sflag:s31], $0x4000  }
0x1e6: {  	s15 =	sor.u32 $0x1C02, s16;
	s16 =	sld [smem:$0x7D7]  }
0x1e7: {  	[sflag:s31] =	ssyncset.done $0x0  }
0x1e8: {  	[sflag:s31] =	ssyncadd.s32 $0xFFFFC000  }
0x1e9: {  	[spmem:s1@s3], [sflag:s15] =	dma.strided [hbm:s16@s29], $0x30E0, s2, $0x10   }
0x1ea: {  	s1 =	smov.u32 s14;
	s15 =	smov.u32 s22  }
.LBB3_26:
0x1eb: {  	_ =	swait.ge [sflag:s31], $0x30E0  }
0x1ec: {  	[sflag:s31] =	ssyncset.done $0x0  }
0x1ed: {  	[sflag:s31] =	ssyncadd.s32 $0xFFFFCF20  }
0x1ee: {  	[tilespmem:s10], [sflag:$0x1] =	stream.indirect.gather [spmem:s1], $0x1, s30, s9, $0xb8;
	[tilespmem:$0x18CD0] =	vst v63  }
0x1ef: {  	_ =	swait.ge [sflag:s2], $0x4000  }
0x1f0: {  	[sflag:s2] =	ssyncset.done $0x0  }
0x1f1: {  	[sflag:s2] =	ssyncadd.s32 $0xFFFFC000  }
0x1f2: {  	[hbm4b:s15+s29] =	stream.strided.scatter [tilespmem:s10], [sflag:$0x2], $0x4000, s12, s29, $0x38;
	[tilespmem:$0x18CD0] =	vst v63  }
0x1f3: {  	_ =	swait.ge [sflag:s31], $0x4000  }
0x1f4: {  	[sflag:s31] =	ssyncset.done $0x0  }
0x1f5: {  	[sflag:s31] =	ssyncadd.s32 $0xFFFFC000  }
.LBB3_27:
0x1f6: {  	s25 =	sadd.s32 $0xFFFFFFFF, s25  }
0x1f7: {  	p2 =	sne.s32 s25, $0x0  }
.Ltmp24:
0x1f8: {  	_ = 	snop;
	(pc) =	sbr.rel @p2 .LBB3_1-.Ltmp24, $1  }
0x1f9: {  	_ =	sdelay $0x3  }
0x1fa: {  	_ =	sfence.sel $0x180000  }
0x1fb: {  	[bflag:$0x0] =	sbarrier.arrive $0xFFFF  }
0x1fc: {  	_ =	strace $0x90000047  }
0x1fd: {  	[bflag:$0x2] =	sbarrier.arrive $0xFFFF  }
0x1fe: {  	s0 =	sld [smem:$0x7F5];
	_ =	sdelay $0x1  }
0x1ff: {  	p0 =	sne.s32 s23, $0x0  }
0x200: {  	s0 =	sadd.s32 @!p0 $0x100000, s0  }
0x201: {  	[sflag:s0] =	ssyncadd.tile.s32 @!p0 $0x1;
	_ =	shalt  }
.Lfunc_end3:
_tile_overlayer_lowered:
.L_overlay_start_3:
0x202: {  	(tag) =	ssettag $0x3  }
0x203: {  	s0 =	rddreg [dreg:$0x0];
	s2 =	stileid.u32  }
0x204: {  	s1 =	rddreg [dreg:$0x1];
	p0 =	sne.s32 s2, $0x0  }
0x205: {  	s3 =	rddreg [dreg:$0x2];
	[bflag:$0x3] =	sbarrier.arrive $0xFFFF;
	s2 =	simm.s32 @!p0 $0x1C02  }
0x206: {  	[timem:s3], [sflag:s2] =	dma.local @!p0 [hbm:s0], s1  }
0x207: {  	s0 =	simm.s32 @!p0 $0x2  }
0x208: {  	_ =	swait.ge @!p0 [sflag:s0], s1  }
0x209: {  	s1 =	ssub.s32 @!p0 $0x0, s1;
	[sflag:s0] =	ssyncset.done @!p0 $0x0  }
0x20a: {  	[sflag:s0] =	ssyncadd.s32 @!p0 s1  }
0x20b: {  	[bflag:$0x3] =	sbarrier.arrive $0xFFFF  }
0x20c: {  	_ =	shalt  }

</sc_bundles>
